<compile_context>
chip_gen: v7x
topology: tpu7x:2x2x1
jax: 0.10.2.dev20260603
libtpu: 0.0.44.dev20260713+nightly
codegen_flags: <defaults>
</compile_context>

<pallas_src>
import functools

import jax
import jax.numpy as jnp
from jax import lax
from jax.experimental import pallas as pl
from jax.experimental.pallas import tpu as pltpu
from jax.experimental.pallas import tpu_sc as plsc

N = 10000
E = 320000
NC = 2
NS = 16
TILES = NC * NS
CH = 125
CPT = 80
PFMAX = 6
NPAD = 10112
RPT = NPAD // NS
EPS = 1e-5

_MESH = plsc.VectorSubcoreMesh(core_axis_name="c", subcore_axis_name="s")
_SC_PARAMS = pltpu.CompilerParams(use_tc_tiling_on_sc=False)


def _make_agg(width, nbuf, lag=2):
    pf = nbuf - lag
    ns = CPT

    @functools.partial(
        pl.kernel,
        out_type=jax.ShapeDtypeStruct((NC, NPAD, width), jnp.float32),
        mesh=_MESH,
        scratch_types=[
            pltpu.VMEM((CPT + pf, CH), jnp.int32),
            pltpu.VMEM((CPT, CH), jnp.int32),
            pltpu.VMEM((nbuf, CH, width), jnp.float32),
            pltpu.VMEM_SHARED((NPAD, width), jnp.float32),
            pltpu.SemaphoreType.DMA,
            pltpu.SemaphoreType.DMA,
        ],
        compiler_params=_SC_PARAMS,
    )
    def agg(table, srcdst, safe, zeros, out, idx_s, idx_d, buf, acc, gsem, ssem):
        c = lax.axis_index("c")
        s = lax.axis_index("s")
        wid = c * NS + s
        r0 = s * RPT
        @pl.when(c == 0)
        def _():
            pltpu.sync_copy(table.at[pl.ds(r0, RPT)], acc.at[pl.ds(r0, RPT)])

        @pl.when(c != 0)
        def _():
            pltpu.sync_copy(zeros, acc.at[pl.ds(r0, RPT)])
        pltpu.sync_copy(srcdst.at[0, wid], idx_s.at[pl.ds(0, CPT)])
        pltpu.sync_copy(safe.at[pl.ds(0, pf)], idx_s.at[pl.ds(CPT, pf)])
        pltpu.sync_copy(srcdst.at[1, wid], idx_d)
        plsc.subcore_barrier()

        def gidx(j):
            return idx_s.at[j]

        def sidx(j):
            return idx_d.at[j]

        for j in range(pf):
            pltpu.async_copy(table.at[gidx(j)], buf.at[j], gsem)
        for j in range(lag):
            pltpu.make_async_copy(table.at[gidx(j)], buf.at[j], gsem).wait()
            pltpu.async_copy(buf.at[j], acc.at[sidx(j)], ssem, add=True)
            pltpu.async_copy(table.at[gidx(j + pf)], buf.at[(j + pf) % nbuf], gsem)

        def slot(j, carry):
            b = jnp.bitwise_and(j, nbuf - 1)
            bml = jnp.bitwise_and(j + pf, nbuf - 1)
            pltpu.make_async_copy(table.at[gidx(j)], buf.at[b], gsem).wait()
            pltpu.async_copy(buf.at[b], acc.at[sidx(j)], ssem, add=True)
            pltpu.make_async_copy(buf.at[bml], acc.at[sidx(j - lag)], ssem).wait()
            pltpu.async_copy(table.at[gidx(j + pf)], buf.at[bml], gsem)
            return carry

        lax.fori_loop(lag, ns, slot, 0)
        for k in range(lag, 0, -1):
            pltpu.make_async_copy(
                buf.at[(ns - k) % nbuf], acc.at[sidx(ns - k)], ssem).wait()
        for k in range(pf):
            pltpu.make_async_copy(
                table.at[gidx(ns + k)], buf.at[(ns + k) % nbuf], gsem
            ).wait()
        plsc.subcore_barrier()
        pltpu.sync_copy(acc.at[pl.ds(r0, RPT)], out.at[c, pl.ds(r0, RPT)])

    return agg


_agg64 = _make_agg(64, 4, lag=2)
_agg16 = _make_agg(16, 8, lag=2)


DW = 8


@functools.partial(
    pl.kernel,
    out_type=jax.ShapeDtypeStruct((NC, NPAD, DW), jnp.float32),
    mesh=_MESH,
    scratch_types=[
        pltpu.VMEM((CPT, CH), jnp.int32),
        pltpu.VMEM((CH, DW), jnp.float32),
        pltpu.VMEM_SHARED((NPAD, DW), jnp.float32),
        pltpu.SemaphoreType.DMA,
    ],
    compiler_params=_SC_PARAMS,
)
def _deg(srcdst, ones, zeros, out, idx_d, obuf, acc, ssem):
    c = lax.axis_index("c")
    s = lax.axis_index("s")
    wid = c * NS + s
    r0 = s * RPT
    pltpu.sync_copy(zeros, acc.at[pl.ds(r0, RPT)])
    pltpu.sync_copy(srcdst.at[1, wid], idx_d)
    pltpu.sync_copy(ones, obuf)
    plsc.subcore_barrier()

    for j in (0, 1):
        pltpu.async_copy(obuf, acc.at[idx_d.at[j]], ssem, add=True)

    def slot(j, carry):
        pltpu.async_copy(obuf, acc.at[idx_d.at[j]], ssem, add=True)
        pltpu.make_async_copy(obuf, acc.at[idx_d.at[j - 2]], ssem).wait()
        return carry

    lax.fori_loop(2, CPT, slot, 0)
    pltpu.make_async_copy(obuf, acc.at[idx_d.at[CPT - 2]], ssem).wait()
    pltpu.make_async_copy(obuf, acc.at[idx_d.at[CPT - 1]], ssem).wait()
    plsc.subcore_barrier()
    pltpu.sync_copy(acc.at[pl.ds(r0, RPT)], out.at[c, pl.ds(r0, RPT)])


def _proj_body(x, w, out):
    out[...] = jnp.dot(x[...], w[...], preferred_element_type=jnp.float32)


_proj = pl.pallas_call(
    _proj_body, out_shape=jax.ShapeDtypeStruct((N, 64), jnp.float32)
)


def _scale1_body(p, h, h_out, dinv_out):
    deg = p[0, :, 0:1] + p[1, :, 0:1] + 1.0
    dinv = lax.rsqrt(deg)
    dinv_out[...] = dinv
    h_out[0:N, :] = h[...] * dinv[0:N]
    h_out[N:NPAD, :] = jnp.zeros((NPAD - N, 64), jnp.float32)


_scale1 = pl.pallas_call(
    _scale1_body,
    out_shape=(
        jax.ShapeDtypeStruct((NPAD, 64), jnp.float32),
        jax.ShapeDtypeStruct((NPAD, 1), jnp.float32),
    ),
)


def _mid_body(p, dinv, b, g, be, w, out):
    t = dinv[0:N] * (p[0, 0:N] + p[1, 0:N]) + b[...]
    mu = jnp.mean(t, axis=0, keepdims=True)
    var = jnp.mean(t * t, axis=0, keepdims=True) - mu * mu
    t = g[...] * (t - mu) * lax.rsqrt(var + EPS) + be[...]
    t = jnp.maximum(t, 0.0)
    h = jnp.dot(t, w[...], preferred_element_type=jnp.float32)
    out[0:N, :] = h * dinv[0:N]
    out[N:NPAD, :] = jnp.zeros((NPAD - N, h.shape[1]), jnp.float32)


def _make_mid(wout):
    return pl.pallas_call(
        _mid_body,
        out_shape=jax.ShapeDtypeStruct((NPAD, wout), jnp.float32),
    )


_mid64 = _make_mid(64)
_mid16 = _make_mid(16)


def _final_body(p, dinv, b, g, be, out):
    t = dinv[0:N] * (p[0, 0:N] + p[1, 0:N])
    t = t[:, 0:2] + b[...]
    mu = jnp.mean(t, axis=0, keepdims=True)
    var = jnp.mean(t * t, axis=0, keepdims=True) - mu * mu
    out[...] = g[...] * (t - mu) * lax.rsqrt(var + EPS) + be[...]


_final = pl.pallas_call(
    _final_body,
    out_shape=jax.ShapeDtypeStruct((N, 2), jnp.float32),
)


def kernel(x, edge_index, W1, b1, g1, be1, W2, b2, g2, be2, W3, b3, g3, be3):
    srcdst = edge_index.astype(jnp.int32).reshape(2, TILES, CPT, CH)
    safe = (N + jnp.arange(PFMAX * CH, dtype=jnp.int32)
            % (NPAD - N)).reshape(PFMAX, CH)

    ones = jnp.ones((CH, DW), jnp.float32)
    zd = jnp.zeros((RPT, DW), jnp.float32)
    z16 = jnp.zeros((RPT, 16), jnp.float32)
    z64 = jnp.zeros((RPT, 64), jnp.float32)

    pdeg = _deg(srcdst, ones, zd)
    h1 = _proj(x, W1)
    h1p, dinv = _scale1(pdeg, h1)

    p1 = _agg64(h1p, srcdst, safe, z64)
    h2p = _mid64(p1, dinv,
                 b1.reshape(1, -1), g1.reshape(1, -1), be1.reshape(1, -1), W2)

    p2 = _agg64(h2p, srcdst, safe, z64)
    W3p = jnp.pad(W3, ((0, 0), (0, 16 - W3.shape[1])))
    h3p = _mid16(p2, dinv,
                 b2.reshape(1, -1), g2.reshape(1, -1), be2.reshape(1, -1), W3p)

    p3 = _agg16(h3p, srcdst, safe, z16)
    out = _final(p3, dinv,
                 b3.reshape(1, -1), g3.reshape(1, -1), be3.reshape(1, -1))
    return out

# --- scband reference (transcript-rebuilt; emitter-appended) ---
"""Pipeline reference for scband-gcn-16509854285962 (READ-ONLY COPY).

The authoritative reference and input builder live on the scoring server;
editing this copy changes nothing except your own understanding.
"""

import jax, jax.numpy as jnp
import numpy as np

N_NODES = 10000
N_EDGES = 320000
IN_CH = 128
HID_CH = 64
OUT_CH = 2
EPS = 1e-5


def setup_inputs(seed: int = 0) -> dict:
    key = jax.random.key(seed)
    ks = jax.random.split(key, 16)
    x = jax.random.normal(ks[0], (N_NODES, IN_CH), dtype=jnp.float32)
    edge_index = jax.random.randint(ks[1], (2, N_EDGES), 0, N_NODES, dtype=jnp.int64)
    def glorot(k, fan_in, fan_out):
        lim = jnp.sqrt(6.0 / (fan_in + fan_out))
        return jax.random.uniform(k, (fan_in, fan_out), dtype=jnp.float32, minval=-lim, maxval=lim)
    W1 = glorot(ks[2], IN_CH, HID_CH)
    b1 = jnp.zeros((HID_CH,), dtype=jnp.float32)
    g1 = jnp.ones((HID_CH,), dtype=jnp.float32)
    be1 = jnp.zeros((HID_CH,), dtype=jnp.float32)
    W2 = glorot(ks[3], HID_CH, HID_CH)
    b2 = jnp.zeros((HID_CH,), dtype=jnp.float32)
    g2 = jnp.ones((HID_CH,), dtype=jnp.float32)
    be2 = jnp.zeros((HID_CH,), dtype=jnp.float32)
    W3 = glorot(ks[4], HID_CH, OUT_CH)
    b3 = jnp.zeros((OUT_CH,), dtype=jnp.float32)
    g3 = jnp.ones((OUT_CH,), dtype=jnp.float32)
    be3 = jnp.zeros((OUT_CH,), dtype=jnp.float32)
    return {"x": x, "edge_index": edge_index,
            "W1": W1, "b1": b1, "g1": g1, "be1": be1,
            "W2": W2, "b2": b2, "g2": g2, "be2": be2,
            "W3": W3, "b3": b3, "g3": g3, "be3": be3}


def _gcn_conv(x, src, dst, norm, W, b):
    # GCNConv: out = D^{-1/2}(A+I)D^{-1/2} X W + b  (self-loops already in src/dst)
    h = x @ W
    msg = h[src] * norm[:, None]
    out = jax.ops.segment_sum(msg, dst, num_segments=N_NODES)
    return out + b


def _batchnorm(x, gamma, beta):
    # BatchNorm1d in training mode: biased batch statistics
    mu = jnp.mean(x, axis=0)
    var = jnp.mean((x - mu) ** 2, axis=0)
    return gamma * (x - mu) / jnp.sqrt(var + EPS) + beta


def reference(x, edge_index, W1, b1, g1, be1, W2, b2, g2, be2, W3, b3, g3, be3):
    loop = jnp.arange(N_NODES, dtype=edge_index.dtype)
    src = jnp.concatenate([edge_index[0], loop])
    dst = jnp.concatenate([edge_index[1], loop])
    deg = jnp.zeros((N_NODES,), dtype=jnp.float32).at[dst].add(1.0)
    dinv = jnp.where(deg > 0, deg ** -0.5, 0.0)
    norm = dinv[src] * dinv[dst]

    h = _gcn_conv(x, src, dst, norm, W1, b1)
    h = _batchnorm(h, g1, be1)
    h = jax.nn.relu(h)
    h = _gcn_conv(h, src, dst, norm, W2, b2)
    h = _batchnorm(h, g2, be2)
    h = jax.nn.relu(h)
    h = _gcn_conv(h, src, dst, norm, W3, b3)
    h = _batchnorm(h, g3, be3)
    return h

if __name__ == "__main__":
    import jax
    _d = setup_inputs()
    print(jax.jit(kernel)(*tuple(_d.values())))

</pallas_src>

<mosaic_0001>
#map = affine_map<(d0, d1) -> (0, 0, 0, 0)>
#map1 = affine_map<(d0, d1) -> (0, 0)>
#map2 = affine_map<(d0, d1) -> (0, 0, 0)>
module attributes {stable_mosaic.version = 14 : i64} {
  func.func @_deg(%arg0: i32, %arg1: i32, %arg2: memref<2x32x80x125xi32, #tpu.memory_space<hbm>>, %arg3: memref<125x8xf32, #tpu.memory_space<hbm>>, %arg4: memref<632x8xf32, #tpu.memory_space<hbm>>, %arg5: memref<2x10112x8xf32, #tpu.memory_space<hbm>>, %arg6: memref<80x125xi32, #tpu.memory_space<vmem>>, %arg7: memref<125x8xf32, #tpu.memory_space<vmem>>, %arg8: memref<10112x8xf32, #tpu.memory_space<vmem_shared>>, %arg9: memref<!tpu.dma_semaphore, #tpu.memory_space<semaphore_mem>>) attributes {dimension_semantics = [#tpu.dimension_semantics<core_parallel>, #tpu.dimension_semantics<subcore_parallel>], iteration_bounds = array<i64: 2, 16>, scalar_prefetch = 0 : i64, scratch_operands = 4 : i64, tpu.core_type = #tpu.core_type<sc_vector_subcore>, window_params = [{transform_indices = #map}, {transform_indices = #map1}, {transform_indices = #map1}, {transform_indices = #map2}]} {
    %mul3A = arith.constant 16 : i32
    %mul3A_0 = arith.muli %arg0, %mul3A : i32
    %add3A = arith.addi %mul3A_0, %arg1 : i32
    %mul3A_1 = arith.constant 632 : i32
    %mul3A_2 = arith.muli %arg1, %mul3A_1 : i32
    "tpu.region"() ({
      %run_scoped3A_35 = tpu.sem_alloc : memref<!tpu.dma_semaphore, #tpu.memory_space<semaphore_mem>>
      %dma_start3A_36 = arith.constant 0 : i32
      %dma_start3A_37 = tpu.memref_slice %arg8[%mul3A_2, %dma_start3A_36] : memref<10112x8xf32, #tpu.memory_space<vmem_shared>> -> memref<632x8xf32, #tpu.memory_space<vmem_shared>>
      tpu.enqueue_dma source(%arg4 : memref<632x8xf32, #tpu.memory_space<hbm>>) target(%dma_start3A_37 : memref<632x8xf32, #tpu.memory_space<vmem_shared>>) target_semaphore(%run_scoped3A_35 : memref<!tpu.dma_semaphore, #tpu.memory_space<semaphore_mem>>)
      %dma_wait3A_38 = arith.constant 0 : i32
      %dma_wait3A_39 = tpu.memref_slice %arg8[%mul3A_2, %dma_wait3A_38] : memref<10112x8xf32, #tpu.memory_space<vmem_shared>> -> memref<632x8xf32, #tpu.memory_space<vmem_shared>>
      tpu.wait_dma2 semaphore(%run_scoped3A_35 : memref<!tpu.dma_semaphore, #tpu.memory_space<semaphore_mem>>) src(%arg4 : memref<632x8xf32, #tpu.memory_space<hbm>>) dst(%dma_wait3A_39 : memref<632x8xf32, #tpu.memory_space<vmem_shared>>)
      tpu.yield
    }) : () -> ()
    %run_scoped3A = arith.constant 1 : i32
    "tpu.region"() ({
      %run_scoped3A_35 = tpu.sem_alloc : memref<!tpu.dma_semaphore, #tpu.memory_space<semaphore_mem>>
      %dma_start3A_36 = arith.constant 0 : i32
      %dma_start3A_37 = arith.constant 0 : i32
      %dma_start3A_38 = tpu.memref_slice %arg2[%run_scoped3A, %add3A, %dma_start3A_36, %dma_start3A_37] : memref<2x32x80x125xi32, #tpu.memory_space<hbm>> -> memref<1x1x80x125xi32, #tpu.memory_space<hbm>>
      %dma_start3A_39 = tpu.memref_squeeze %dma_start3A_38 : memref<1x1x80x125xi32, #tpu.memory_space<hbm>> -> memref<80x125xi32, #tpu.memory_space<hbm>>
      %dma_start3A_40 = arith.constant 0 : i32
      %dma_start3A_41 = arith.constant 0 : i32
      %dma_start3A_42 = tpu.memref_slice %arg2[%run_scoped3A, %add3A, %dma_start3A_40, %dma_start3A_41] : memref<2x32x80x125xi32, #tpu.memory_space<hbm>> -> memref<1x1x80x125xi32, #tpu.memory_space<hbm>>
      %dma_start3A_43 = tpu.memref_squeeze %dma_start3A_42 : memref<1x1x80x125xi32, #tpu.memory_space<hbm>> -> memref<80x125xi32, #tpu.memory_space<hbm>>
      tpu.enqueue_dma source(%dma_start3A_43 : memref<80x125xi32, #tpu.memory_space<hbm>>) target(%arg6 : memref<80x125xi32, #tpu.memory_space<vmem>>) target_semaphore(%run_scoped3A_35 : memref<!tpu.dma_semaphore, #tpu.memory_space<semaphore_mem>>)
      %dma_wait3A_44 = arith.constant 0 : i32
      %dma_wait3A_45 = arith.constant 0 : i32
      %dma_wait3A_46 = tpu.memref_slice %arg2[%run_scoped3A, %add3A, %dma_wait3A_44, %dma_wait3A_45] : memref<2x32x80x125xi32, #tpu.memory_space<hbm>> -> memref<1x1x80x125xi32, #tpu.memory_space<hbm>>
      %dma_wait3A_47 = tpu.memref_squeeze %dma_wait3A_46 : memref<1x1x80x125xi32, #tpu.memory_space<hbm>> -> memref<80x125xi32, #tpu.memory_space<hbm>>
      %dma_wait3A_48 = arith.constant 0 : i32
      %dma_wait3A_49 = arith.constant 0 : i32
      %dma_wait3A_50 = tpu.memref_slice %arg2[%run_scoped3A, %add3A, %dma_wait3A_48, %dma_wait3A_49] : memref<2x32x80x125xi32, #tpu.memory_space<hbm>> -> memref<1x1x80x125xi32, #tpu.memory_space<hbm>>
      %dma_wait3A_51 = tpu.memref_squeeze %dma_wait3A_50 : memref<1x1x80x125xi32, #tpu.memory_space<hbm>> -> memref<80x125xi32, #tpu.memory_space<hbm>>
      tpu.wait_dma2 semaphore(%run_scoped3A_35 : memref<!tpu.dma_semaphore, #tpu.memory_space<semaphore_mem>>) src(%dma_wait3A_51 : memref<80x125xi32, #tpu.memory_space<hbm>>) dst(%arg6 : memref<80x125xi32, #tpu.memory_space<vmem>>)
      tpu.yield
    }) : () -> ()
    "tpu.region"() ({
      %run_scoped3A_35 = tpu.sem_alloc : memref<!tpu.dma_semaphore, #tpu.memory_space<semaphore_mem>>
      tpu.enqueue_dma source(%arg3 : memref<125x8xf32, #tpu.memory_space<hbm>>) target(%arg7 : memref<125x8xf32, #tpu.memory_space<vmem>>) target_semaphore(%run_scoped3A_35 : memref<!tpu.dma_semaphore, #tpu.memory_space<semaphore_mem>>)
      tpu.wait_dma2 semaphore(%run_scoped3A_35 : memref<!tpu.dma_semaphore, #tpu.memory_space<semaphore_mem>>) src(%arg3 : memref<125x8xf32, #tpu.memory_space<hbm>>) dst(%arg7 : memref<125x8xf32, #tpu.memory_space<vmem>>)
      tpu.yield
    }) : () -> ()
    %barrier3A = arith.constant 0 : index
    tpu.barrier barrier_id(%barrier3A)
    %dma_start3A = arith.constant 0 : i32
    %dma_start3A_3 = arith.constant 0 : i32
    %dma_start3A_4 = tpu.memref_slice %arg6[%dma_start3A, %dma_start3A_3] : memref<80x125xi32, #tpu.memory_space<vmem>> -> memref<1x125xi32, #tpu.memory_space<vmem>>
    %dma_start3A_5 = tpu.memref_squeeze %dma_start3A_4 : memref<1x125xi32, #tpu.memory_space<vmem>> -> memref<125xi32, #tpu.memory_space<vmem>>
    %dma_start3A_6 = arith.constant 0 : i32
    %dma_start3A_7 = arith.constant 0 : i32
    %dma_start3A_8 = tpu.memref_slice %arg8[%dma_start3A_6, %dma_start3A_7] : memref<10112x8xf32, #tpu.memory_space<vmem_shared>> -> memref<10112x8xf32, #tpu.memory_space<vmem_shared>>
    tpu.enqueue_indirect_dma source(%arg7 : memref<125x8xf32, #tpu.memory_space<vmem>>) target(%dma_start3A_8 : memref<10112x8xf32, #tpu.memory_space<vmem_shared>>) offsets(%dma_start3A_5 : memref<125xi32, #tpu.memory_space<vmem>>) semaphore(%arg9 : memref<!tpu.dma_semaphore, #tpu.memory_space<semaphore_mem>>) {add = true}
    %dma_start3A_9 = arith.constant 1 : i32
    %dma_start3A_10 = arith.constant 0 : i32
    %dma_start3A_11 = tpu.memref_slice %arg6[%dma_start3A_9, %dma_start3A_10] : memref<80x125xi32, #tpu.memory_space<vmem>> -> memref<1x125xi32, #tpu.memory_space<vmem>>
    %dma_start3A_12 = tpu.memref_squeeze %dma_start3A_11 : memref<1x125xi32, #tpu.memory_space<vmem>> -> memref<125xi32, #tpu.memory_space<vmem>>
    %dma_start3A_13 = arith.constant 0 : i32
    %dma_start3A_14 = arith.constant 0 : i32
    %dma_start3A_15 = tpu.memref_slice %arg8[%dma_start3A_13, %dma_start3A_14] : memref<10112x8xf32, #tpu.memory_space<vmem_shared>> -> memref<10112x8xf32, #tpu.memory_space<vmem_shared>>
    tpu.enqueue_indirect_dma source(%arg7 : memref<125x8xf32, #tpu.memory_space<vmem>>) target(%dma_start3A_15 : memref<10112x8xf32, #tpu.memory_space<vmem_shared>>) offsets(%dma_start3A_12 : memref<125xi32, #tpu.memory_space<vmem>>) semaphore(%arg9 : memref<!tpu.dma_semaphore, #tpu.memory_space<semaphore_mem>>) {add = true}
    %scan3A = arith.constant 0 : i32
    %scan3A_16 = arith.constant 2 : i32
    %scan3A_17 = arith.constant 78 : i32
    %scan3A_18 = arith.addi %scan3A_16, %scan3A_17 : i32
    %scan3A_19 = arith.constant 1 : i32
    scf.for %scan3A_35 = %scan3A_16 to %scan3A_18 step %scan3A_19  : i32 {
      %dma_start3A_36 = arith.constant 0 : i32
      %dma_start3A_37 = tpu.memref_slice %arg6[%scan3A_35, %dma_start3A_36] : memref<80x125xi32, #tpu.memory_space<vmem>> -> memref<1x125xi32, #tpu.memory_space<vmem>>
      %dma_start3A_38 = tpu.memref_squeeze %dma_start3A_37 : memref<1x125xi32, #tpu.memory_space<vmem>> -> memref<125xi32, #tpu.memory_space<vmem>>
      %dma_start3A_39 = arith.constant 0 : i32
      %dma_start3A_40 = arith.constant 0 : i32
      %dma_start3A_41 = tpu.memref_slice %arg8[%dma_start3A_39, %dma_start3A_40] : memref<10112x8xf32, #tpu.memory_space<vmem_shared>> -> memref<10112x8xf32, #tpu.memory_space<vmem_shared>>
      tpu.enqueue_indirect_dma source(%arg7 : memref<125x8xf32, #tpu.memory_space<vmem>>) target(%dma_start3A_41 : memref<10112x8xf32, #tpu.memory_space<vmem_shared>>) offsets(%dma_start3A_38 : memref<125xi32, #tpu.memory_space<vmem>>) semaphore(%arg9 : memref<!tpu.dma_semaphore, #tpu.memory_space<semaphore_mem>>) {add = true}
      %sub3A = arith.constant 2 : i32
      %sub3A_42 = arith.subi %scan3A_35, %sub3A : i32
      %dma_wait3A_43 = arith.constant 0 : i32
      %dma_wait3A_44 = tpu.memref_slice %arg6[%sub3A_42, %dma_wait3A_43] : memref<80x125xi32, #tpu.memory_space<vmem>> -> memref<1x125xi32, #tpu.memory_space<vmem>>
      %dma_wait3A_45 = tpu.memref_squeeze %dma_wait3A_44 : memref<1x125xi32, #tpu.memory_space<vmem>> -> memref<125xi32, #tpu.memory_space<vmem>>
      %dma_wait3A_46 = arith.constant 0 : i32
      %dma_wait3A_47 = arith.constant 0 : i32
      %dma_wait3A_48 = tpu.memref_slice %arg8[%dma_wait3A_46, %dma_wait3A_47] : memref<10112x8xf32, #tpu.memory_space<vmem_shared>> -> memref<10112x8xf32, #tpu.memory_space<vmem_shared>>
      tpu.wait_indirect_dma semaphore(%arg9 : memref<!tpu.dma_semaphore, #tpu.memory_space<semaphore_mem>>) src(%arg7 : memref<125x8xf32, #tpu.memory_space<vmem>>) dst(%dma_wait3A_48 : memref<10112x8xf32, #tpu.memory_space<vmem_shared>>)
    }
    %scan3A_20 = arith.constant 78 : i32
    %dma_wait3A = arith.constant 78 : i32
    %dma_wait3A_21 = arith.constant 0 : i32
    %dma_wait3A_22 = tpu.memref_slice %arg6[%dma_wait3A, %dma_wait3A_21] : memref<80x125xi32, #tpu.memory_space<vmem>> -> memref<1x125xi32, #tpu.memory_space<vmem>>
    %dma_wait3A_23 = tpu.memref_squeeze %dma_wait3A_22 : memref<1x125xi32, #tpu.memory_space<vmem>> -> memref<125xi32, #tpu.memory_space<vmem>>
    %dma_wait3A_24 = arith.constant 0 : i32
    %dma_wait3A_25 = arith.constant 0 : i32
    %dma_wait3A_26 = tpu.memref_slice %arg8[%dma_wait3A_24, %dma_wait3A_25] : memref<10112x8xf32, #tpu.memory_space<vmem_shared>> -> memref<10112x8xf32, #tpu.memory_space<vmem_shared>>
    tpu.wait_indirect_dma semaphore(%arg9 : memref<!tpu.dma_semaphore, #tpu.memory_space<semaphore_mem>>) src(%arg7 : memref<125x8xf32, #tpu.memory_space<vmem>>) dst(%dma_wait3A_26 : memref<10112x8xf32, #tpu.memory_space<vmem_shared>>)
    %dma_wait3A_27 = arith.constant 79 : i32
    %dma_wait3A_28 = arith.constant 0 : i32
    %dma_wait3A_29 = tpu.memref_slice %arg6[%dma_wait3A_27, %dma_wait3A_28] : memref<80x125xi32, #tpu.memory_space<vmem>> -> memref<1x125xi32, #tpu.memory_space<vmem>>
    %dma_wait3A_30 = tpu.memref_squeeze %dma_wait3A_29 : memref<1x125xi32, #tpu.memory_space<vmem>> -> memref<125xi32, #tpu.memory_space<vmem>>
    %dma_wait3A_31 = arith.constant 0 : i32
    %dma_wait3A_32 = arith.constant 0 : i32
    %dma_wait3A_33 = tpu.memref_slice %arg8[%dma_wait3A_31, %dma_wait3A_32] : memref<10112x8xf32, #tpu.memory_space<vmem_shared>> -> memref<10112x8xf32, #tpu.memory_space<vmem_shared>>
    tpu.wait_indirect_dma semaphore(%arg9 : memref<!tpu.dma_semaphore, #tpu.memory_space<semaphore_mem>>) src(%arg7 : memref<125x8xf32, #tpu.memory_space<vmem>>) dst(%dma_wait3A_33 : memref<10112x8xf32, #tpu.memory_space<vmem_shared>>)
    %barrier3A_34 = arith.constant 0 : index
    tpu.barrier barrier_id(%barrier3A_34)
    "tpu.region"() ({
      %run_scoped3A_35 = tpu.sem_alloc : memref<!tpu.dma_semaphore, #tpu.memory_space<semaphore_mem>>
      %dma_start3A_36 = arith.constant 0 : i32
      %dma_start3A_37 = tpu.memref_slice %arg5[%arg0, %mul3A_2, %dma_start3A_36] : memref<2x10112x8xf32, #tpu.memory_space<hbm>> -> memref<1x632x8xf32, #tpu.memory_space<hbm>>
      %dma_start3A_38 = tpu.memref_squeeze %dma_start3A_37 : memref<1x632x8xf32, #tpu.memory_space<hbm>> -> memref<632x8xf32, #tpu.memory_space<hbm>>
      %dma_start3A_39 = arith.constant 0 : i32
      %dma_start3A_40 = tpu.memref_slice %arg8[%mul3A_2, %dma_start3A_39] : memref<10112x8xf32, #tpu.memory_space<vmem_shared>> -> memref<632x8xf32, #tpu.memory_space<vmem_shared>>
      tpu.enqueue_dma source(%dma_start3A_40 : memref<632x8xf32, #tpu.memory_space<vmem_shared>>) target(%dma_start3A_38 : memref<632x8xf32, #tpu.memory_space<hbm>>) target_semaphore(%run_scoped3A_35 : memref<!tpu.dma_semaphore, #tpu.memory_space<semaphore_mem>>)
      %dma_wait3A_41 = arith.constant 0 : i32
      %dma_wait3A_42 = tpu.memref_slice %arg5[%arg0, %mul3A_2, %dma_wait3A_41] : memref<2x10112x8xf32, #tpu.memory_space<hbm>> -> memref<1x632x8xf32, #tpu.memory_space<hbm>>
      %dma_wait3A_43 = tpu.memref_squeeze %dma_wait3A_42 : memref<1x632x8xf32, #tpu.memory_space<hbm>> -> memref<632x8xf32, #tpu.memory_space<hbm>>
      %dma_wait3A_44 = arith.constant 0 : i32
      %dma_wait3A_45 = tpu.memref_slice %arg8[%mul3A_2, %dma_wait3A_44] : memref<10112x8xf32, #tpu.memory_space<vmem_shared>> -> memref<632x8xf32, #tpu.memory_space<vmem_shared>>
      tpu.wait_dma2 semaphore(%run_scoped3A_35 : memref<!tpu.dma_semaphore, #tpu.memory_space<semaphore_mem>>) src(%dma_wait3A_45 : memref<632x8xf32, #tpu.memory_space<vmem_shared>>) dst(%dma_wait3A_43 : memref<632x8xf32, #tpu.memory_space<hbm>>)
      tpu.yield
    }) : () -> ()
    return
  }
}

#map = affine_map<(d0, d1) -> (0, 0)>
#map1 = affine_map<(d0, d1) -> (0, 0, 0, 0)>
#map2 = affine_map<(d0, d1) -> (0, 0, 0)>
module attributes {stable_mosaic.version = 14 : i64} {
  func.func @agg(%arg0: i32, %arg1: i32, %arg2: memref<10112x16xf32, #tpu.memory_space<hbm>>, %arg3: memref<2x32x80x125xi32, #tpu.memory_space<hbm>>, %arg4: memref<6x125xi32, #tpu.memory_space<hbm>>, %arg5: memref<632x16xf32, #tpu.memory_space<hbm>>, %arg6: memref<2x10112x16xf32, #tpu.memory_space<hbm>>, %arg7: memref<86x125xi32, #tpu.memory_space<vmem>>, %arg8: memref<80x125xi32, #tpu.memory_space<vmem>>, %arg9: memref<8x125x16xf32, #tpu.memory_space<vmem>>, %arg10: memref<10112x16xf32, #tpu.memory_space<vmem_shared>>, %arg11: memref<!tpu.dma_semaphore, #tpu.memory_space<semaphore_mem>>, %arg12: memref<!tpu.dma_semaphore, #tpu.memory_space<semaphore_mem>>) attributes {dimension_semantics = [#tpu.dimension_semantics<core_parallel>, #tpu.dimension_semantics<subcore_parallel>], iteration_bounds = array<i64: 2, 16>, scalar_prefetch = 0 : i64, scratch_operands = 6 : i64, tpu.core_type = #tpu.core_type<sc_vector_subcore>, window_params = [{transform_indices = #map}, {transform_indices = #map1}, {transform_indices = #map}, {transform_indices = #map}, {transform_indices = #map2}]} {
    %mul3A = arith.constant 16 : i32
    %mul3A_0 = arith.muli %arg0, %mul3A : i32
    %add3A = arith.addi %mul3A_0, %arg1 : i32
    %mul3A_1 = arith.constant 632 : i32
    %mul3A_2 = arith.muli %arg1, %mul3A_1 : i32
    %eq3A = arith.constant 0 : i32
    %eq3A_3 = arith.cmpi eq, %arg0, %eq3A : i32
    %convert_element_type3A = arith.extui %eq3A_3 : i1 to i32
    %cond3A = arith.constant 0 : i32
    %cond3A_4 = arith.cmpi ne, %convert_element_type3A, %cond3A : i32
    scf.if %cond3A_4 {
      "tpu.region"() ({
        %run_scoped3A_254 = tpu.sem_alloc : memref<!tpu.dma_semaphore, #tpu.memory_space<semaphore_mem>>
        %dma_start3A_255 = arith.constant 0 : i32
        %dma_start3A_256 = tpu.memref_slice %arg10[%mul3A_2, %dma_start3A_255] : memref<10112x16xf32, #tpu.memory_space<vmem_shared>> -> memref<632x16xf32, #tpu.memory_space<vmem_shared>>
        %dma_start3A_257 = arith.constant 0 : i32
        %dma_start3A_258 = tpu.memref_slice %arg2[%mul3A_2, %dma_start3A_257] : memref<10112x16xf32, #tpu.memory_space<hbm>> -> memref<632x16xf32, #tpu.memory_space<hbm>>
        tpu.enqueue_dma source(%dma_start3A_258 : memref<632x16xf32, #tpu.memory_space<hbm>>) target(%dma_start3A_256 : memref<632x16xf32, #tpu.memory_space<vmem_shared>>) target_semaphore(%run_scoped3A_254 : memref<!tpu.dma_semaphore, #tpu.memory_space<semaphore_mem>>)
        %dma_wait3A_259 = arith.constant 0 : i32
        %dma_wait3A_260 = tpu.memref_slice %arg10[%mul3A_2, %dma_wait3A_259] : memref<10112x16xf32, #tpu.memory_space<vmem_shared>> -> memref<632x16xf32, #tpu.memory_space<vmem_shared>>
        %dma_wait3A_261 = arith.constant 0 : i32
        %dma_wait3A_262 = tpu.memref_slice %arg2[%mul3A_2, %dma_wait3A_261] : memref<10112x16xf32, #tpu.memory_space<hbm>> -> memref<632x16xf32, #tpu.memory_space<hbm>>
        tpu.wait_dma2 semaphore(%run_scoped3A_254 : memref<!tpu.dma_semaphore, #tpu.memory_space<semaphore_mem>>) src(%dma_wait3A_262 : memref<632x16xf32, #tpu.memory_space<hbm>>) dst(%dma_wait3A_260 : memref<632x16xf32, #tpu.memory_space<vmem_shared>>)
        tpu.yield
      }) : () -> ()
    } else {
    }
    %ne3A = arith.constant 0 : i32
    %ne3A_5 = arith.cmpi ne, %arg0, %ne3A : i32
    %convert_element_type3A_6 = arith.extui %ne3A_5 : i1 to i32
    %cond3A_7 = arith.constant 0 : i32
    %cond3A_8 = arith.cmpi ne, %convert_element_type3A_6, %cond3A_7 : i32
    scf.if %cond3A_8 {
      "tpu.region"() ({
        %run_scoped3A_254 = tpu.sem_alloc : memref<!tpu.dma_semaphore, #tpu.memory_space<semaphore_mem>>
        %dma_start3A_255 = arith.constant 0 : i32
        %dma_start3A_256 = tpu.memref_slice %arg10[%mul3A_2, %dma_start3A_255] : memref<10112x16xf32, #tpu.memory_space<vmem_shared>> -> memref<632x16xf32, #tpu.memory_space<vmem_shared>>
        tpu.enqueue_dma source(%arg5 : memref<632x16xf32, #tpu.memory_space<hbm>>) target(%dma_start3A_256 : memref<632x16xf32, #tpu.memory_space<vmem_shared>>) target_semaphore(%run_scoped3A_254 : memref<!tpu.dma_semaphore, #tpu.memory_space<semaphore_mem>>)
        %dma_wait3A_257 = arith.constant 0 : i32
        %dma_wait3A_258 = tpu.memref_slice %arg10[%mul3A_2, %dma_wait3A_257] : memref<10112x16xf32, #tpu.memory_space<vmem_shared>> -> memref<632x16xf32, #tpu.memory_space<vmem_shared>>
        tpu.wait_dma2 semaphore(%run_scoped3A_254 : memref<!tpu.dma_semaphore, #tpu.memory_space<semaphore_mem>>) src(%arg5 : memref<632x16xf32, #tpu.memory_space<hbm>>) dst(%dma_wait3A_258 : memref<632x16xf32, #tpu.memory_space<vmem_shared>>)
        tpu.yield
      }) : () -> ()
    } else {
    }
    %run_scoped3A = arith.constant 0 : i32
    "tpu.region"() ({
      %run_scoped3A_254 = tpu.sem_alloc : memref<!tpu.dma_semaphore, #tpu.memory_space<semaphore_mem>>
      %dma_start3A_255 = arith.constant 0 : i32
      %dma_start3A_256 = arith.constant 0 : i32
      %dma_start3A_257 = tpu.memref_slice %arg7[%dma_start3A_255, %dma_start3A_256] : memref<86x125xi32, #tpu.memory_space<vmem>> -> memref<80x125xi32, #tpu.memory_space<vmem>>
      %dma_start3A_258 = arith.constant 0 : i32
      %dma_start3A_259 = arith.constant 0 : i32
      %dma_start3A_260 = tpu.memref_slice %arg3[%run_scoped3A, %add3A, %dma_start3A_258, %dma_start3A_259] : memref<2x32x80x125xi32, #tpu.memory_space<hbm>> -> memref<1x1x80x125xi32, #tpu.memory_space<hbm>>
      %dma_start3A_261 = tpu.memref_squeeze %dma_start3A_260 : memref<1x1x80x125xi32, #tpu.memory_space<hbm>> -> memref<80x125xi32, #tpu.memory_space<hbm>>
      %dma_start3A_262 = arith.constant 0 : i32
      %dma_start3A_263 = arith.constant 0 : i32
      %dma_start3A_264 = tpu.memref_slice %arg7[%dma_start3A_262, %dma_start3A_263] : memref<86x125xi32, #tpu.memory_space<vmem>> -> memref<80x125xi32, #tpu.memory_space<vmem>>
      %dma_start3A_265 = arith.constant 0 : i32
      %dma_start3A_266 = arith.constant 0 : i32
      %dma_start3A_267 = tpu.memref_slice %arg3[%run_scoped3A, %add3A, %dma_start3A_265, %dma_start3A_266] : memref<2x32x80x125xi32, #tpu.memory_space<hbm>> -> memref<1x1x80x125xi32, #tpu.memory_space<hbm>>
      %dma_start3A_268 = tpu.memref_squeeze %dma_start3A_267 : memref<1x1x80x125xi32, #tpu.memory_space<hbm>> -> memref<80x125xi32, #tpu.memory_space<hbm>>
      tpu.enqueue_dma source(%dma_start3A_268 : memref<80x125xi32, #tpu.memory_space<hbm>>) target(%dma_start3A_264 : memref<80x125xi32, #tpu.memory_space<vmem>>) target_semaphore(%run_scoped3A_254 : memref<!tpu.dma_semaphore, #tpu.memory_space<semaphore_mem>>)
      %dma_wait3A_269 = arith.constant 0 : i32
      %dma_wait3A_270 = arith.constant 0 : i32
      %dma_wait3A_271 = tpu.memref_slice %arg7[%dma_wait3A_269, %dma_wait3A_270] : memref<86x125xi32, #tpu.memory_space<vmem>> -> memref<80x125xi32, #tpu.memory_space<vmem>>
      %dma_wait3A_272 = arith.constant 0 : i32
      %dma_wait3A_273 = arith.constant 0 : i32
      %dma_wait3A_274 = tpu.memref_slice %arg3[%run_scoped3A, %add3A, %dma_wait3A_272, %dma_wait3A_273] : memref<2x32x80x125xi32, #tpu.memory_space<hbm>> -> memref<1x1x80x125xi32, #tpu.memory_space<hbm>>
      %dma_wait3A_275 = tpu.memref_squeeze %dma_wait3A_274 : memref<1x1x80x125xi32, #tpu.memory_space<hbm>> -> memref<80x125xi32, #tpu.memory_space<hbm>>
      %dma_wait3A_276 = arith.constant 0 : i32
      %dma_wait3A_277 = arith.constant 0 : i32
      %dma_wait3A_278 = tpu.memref_slice %arg7[%dma_wait3A_276, %dma_wait3A_277] : memref<86x125xi32, #tpu.memory_space<vmem>> -> memref<80x125xi32, #tpu.memory_space<vmem>>
      %dma_wait3A_279 = arith.constant 0 : i32
      %dma_wait3A_280 = arith.constant 0 : i32
      %dma_wait3A_281 = tpu.memref_slice %arg3[%run_scoped3A, %add3A, %dma_wait3A_279, %dma_wait3A_280] : memref<2x32x80x125xi32, #tpu.memory_space<hbm>> -> memref<1x1x80x125xi32, #tpu.memory_space<hbm>>
      %dma_wait3A_282 = tpu.memref_squeeze %dma_wait3A_281 : memref<1x1x80x125xi32, #tpu.memory_space<hbm>> -> memref<80x125xi32, #tpu.memory_space<hbm>>
      tpu.wait_dma2 semaphore(%run_scoped3A_254 : memref<!tpu.dma_semaphore, #tpu.memory_space<semaphore_mem>>) src(%dma_wait3A_282 : memref<80x125xi32, #tpu.memory_space<hbm>>) dst(%dma_wait3A_278 : memref<80x125xi32, #tpu.memory_space<vmem>>)
      tpu.yield
    }) : () -> ()
    "tpu.region"() ({
      %run_scoped3A_254 = tpu.sem_alloc : memref<!tpu.dma_semaphore, #tpu.memory_space<semaphore_mem>>
      %dma_start3A_255 = arith.constant 80 : i32
      %dma_start3A_256 = arith.constant 0 : i32
      %dma_start3A_257 = tpu.memref_slice %arg7[%dma_start3A_255, %dma_start3A_256] : memref<86x125xi32, #tpu.memory_space<vmem>> -> memref<6x125xi32, #tpu.memory_space<vmem>>
      %dma_start3A_258 = arith.constant 0 : i32
      %dma_start3A_259 = arith.constant 0 : i32
      %dma_start3A_260 = tpu.memref_slice %arg4[%dma_start3A_258, %dma_start3A_259] : memref<6x125xi32, #tpu.memory_space<hbm>> -> memref<6x125xi32, #tpu.memory_space<hbm>>
      %dma_start3A_261 = arith.constant 80 : i32
      %dma_start3A_262 = arith.constant 0 : i32
      %dma_start3A_263 = tpu.memref_slice %arg7[%dma_start3A_261, %dma_start3A_262] : memref<86x125xi32, #tpu.memory_space<vmem>> -> memref<6x125xi32, #tpu.memory_space<vmem>>
      %dma_start3A_264 = arith.constant 0 : i32
      %dma_start3A_265 = arith.constant 0 : i32
      %dma_start3A_266 = tpu.memref_slice %arg4[%dma_start3A_264, %dma_start3A_265] : memref<6x125xi32, #tpu.memory_space<hbm>> -> memref<6x125xi32, #tpu.memory_space<hbm>>
      tpu.enqueue_dma source(%dma_start3A_266 : memref<6x125xi32, #tpu.memory_space<hbm>>) target(%dma_start3A_263 : memref<6x125xi32, #tpu.memory_space<vmem>>) target_semaphore(%run_scoped3A_254 : memref<!tpu.dma_semaphore, #tpu.memory_space<semaphore_mem>>)
      %dma_wait3A_267 = arith.constant 80 : i32
      %dma_wait3A_268 = arith.constant 0 : i32
      %dma_wait3A_269 = tpu.memref_slice %arg7[%dma_wait3A_267, %dma_wait3A_268] : memref<86x125xi32, #tpu.memory_space<vmem>> -> memref<6x125xi32, #tpu.memory_space<vmem>>
      %dma_wait3A_270 = arith.constant 0 : i32
      %dma_wait3A_271 = arith.constant 0 : i32
      %dma_wait3A_272 = tpu.memref_slice %arg4[%dma_wait3A_270, %dma_wait3A_271] : memref<6x125xi32, #tpu.memory_space<hbm>> -> memref<6x125xi32, #tpu.memory_space<hbm>>
      %dma_wait3A_273 = arith.constant 80 : i32
      %dma_wait3A_274 = arith.constant 0 : i32
      %dma_wait3A_275 = tpu.memref_slice %arg7[%dma_wait3A_273, %dma_wait3A_274] : memref<86x125xi32, #tpu.memory_space<vmem>> -> memref<6x125xi32, #tpu.memory_space<vmem>>
      %dma_wait3A_276 = arith.constant 0 : i32
      %dma_wait3A_277 = arith.constant 0 : i32
      %dma_wait3A_278 = tpu.memref_slice %arg4[%dma_wait3A_276, %dma_wait3A_277] : memref<6x125xi32, #tpu.memory_space<hbm>> -> memref<6x125xi32, #tpu.memory_space<hbm>>
      tpu.wait_dma2 semaphore(%run_scoped3A_254 : memref<!tpu.dma_semaphore, #tpu.memory_space<semaphore_mem>>) src(%dma_wait3A_278 : memref<6x125xi32, #tpu.memory_space<hbm>>) dst(%dma_wait3A_275 : memref<6x125xi32, #tpu.memory_space<vmem>>)
      tpu.yield
    }) : () -> ()
    %run_scoped3A_9 = arith.constant 1 : i32
    "tpu.region"() ({
      %run_scoped3A_254 = tpu.sem_alloc : memref<!tpu.dma_semaphore, #tpu.memory_space<semaphore_mem>>
      %dma_start3A_255 = arith.constant 0 : i32
      %dma_start3A_256 = arith.constant 0 : i32
      %dma_start3A_257 = tpu.memref_slice %arg3[%run_scoped3A_9, %add3A, %dma_start3A_255, %dma_start3A_256] : memref<2x32x80x125xi32, #tpu.memory_space<hbm>> -> memref<1x1x80x125xi32, #tpu.memory_space<hbm>>
      %dma_start3A_258 = tpu.memref_squeeze %dma_start3A_257 : memref<1x1x80x125xi32, #tpu.memory_space<hbm>> -> memref<80x125xi32, #tpu.memory_space<hbm>>
      %dma_start3A_259 = arith.constant 0 : i32
      %dma_start3A_260 = arith.constant 0 : i32
      %dma_start3A_261 = tpu.memref_slice %arg3[%run_scoped3A_9, %add3A, %dma_start3A_259, %dma_start3A_260] : memref<2x32x80x125xi32, #tpu.memory_space<hbm>> -> memref<1x1x80x125xi32, #tpu.memory_space<hbm>>
      %dma_start3A_262 = tpu.memref_squeeze %dma_start3A_261 : memref<1x1x80x125xi32, #tpu.memory_space<hbm>> -> memref<80x125xi32, #tpu.memory_space<hbm>>
      tpu.enqueue_dma source(%dma_start3A_262 : memref<80x125xi32, #tpu.memory_space<hbm>>) target(%arg8 : memref<80x125xi32, #tpu.memory_space<vmem>>) target_semaphore(%run_scoped3A_254 : memref<!tpu.dma_semaphore, #tpu.memory_space<semaphore_mem>>)
      %dma_wait3A_263 = arith.constant 0 : i32
      %dma_wait3A_264 = arith.constant 0 : i32
      %dma_wait3A_265 = tpu.memref_slice %arg3[%run_scoped3A_9, %add3A, %dma_wait3A_263, %dma_wait3A_264] : memref<2x32x80x125xi32, #tpu.memory_space<hbm>> -> memref<1x1x80x125xi32, #tpu.memory_space<hbm>>
      %dma_wait3A_266 = tpu.memref_squeeze %dma_wait3A_265 : memref<1x1x80x125xi32, #tpu.memory_space<hbm>> -> memref<80x125xi32, #tpu.memory_space<hbm>>
      %dma_wait3A_267 = arith.constant 0 : i32
      %dma_wait3A_268 = arith.constant 0 : i32
      %dma_wait3A_269 = tpu.memref_slice %arg3[%run_scoped3A_9, %add3A, %dma_wait3A_267, %dma_wait3A_268] : memref<2x32x80x125xi32, #tpu.memory_space<hbm>> -> memref<1x1x80x125xi32, #tpu.memory_space<hbm>>
      %dma_wait3A_270 = tpu.memref_squeeze %dma_wait3A_269 : memref<1x1x80x125xi32, #tpu.memory_space<hbm>> -> memref<80x125xi32, #tpu.memory_space<hbm>>
      tpu.wait_dma2 semaphore(%run_scoped3A_254 : memref<!tpu.dma_semaphore, #tpu.memory_space<semaphore_mem>>) src(%dma_wait3A_270 : memref<80x125xi32, #tpu.memory_space<hbm>>) dst(%arg8 : memref<80x125xi32, #tpu.memory_space<vmem>>)
      tpu.yield
    }) : () -> ()
    %barrier3A = arith.constant 0 : index
    tpu.barrier barrier_id(%barrier3A)
    %dma_start3A = arith.constant 0 : i32
    %dma_start3A_10 = arith.constant 0 : i32
    %dma_start3A_11 = arith.constant 0 : i32
    %dma_start3A_12 = arith.constant 0 : i32
    %dma_start3A_13 = tpu.memref_slice %arg9[%dma_start3A_10, %dma_start3A_11, %dma_start3A_12] : memref<8x125x16xf32, #tpu.memory_space<vmem>> -> memref<1x125x16xf32, #tpu.memory_space<vmem>>
    %dma_start3A_14 = tpu.memref_squeeze %dma_start3A_13 : memref<1x125x16xf32, #tpu.memory_space<vmem>> -> memref<125x16xf32, #tpu.memory_space<vmem>>
    %dma_start3A_15 = arith.constant 0 : i32
    %dma_start3A_16 = tpu.memref_slice %arg7[%dma_start3A, %dma_start3A_15] : memref<86x125xi32, #tpu.memory_space<vmem>> -> memref<1x125xi32, #tpu.memory_space<vmem>>
    %dma_start3A_17 = tpu.memref_squeeze %dma_start3A_16 : memref<1x125xi32, #tpu.memory_space<vmem>> -> memref<125xi32, #tpu.memory_space<vmem>>
    %dma_start3A_18 = arith.constant 0 : i32
    %dma_start3A_19 = arith.constant 0 : i32
    %dma_start3A_20 = tpu.memref_slice %arg2[%dma_start3A_18, %dma_start3A_19] : memref<10112x16xf32, #tpu.memory_space<hbm>> -> memref<10112x16xf32, #tpu.memory_space<hbm>>
    tpu.enqueue_indirect_dma source(%dma_start3A_20 : memref<10112x16xf32, #tpu.memory_space<hbm>>) target(%dma_start3A_14 : memref<125x16xf32, #tpu.memory_space<vmem>>) offsets(%dma_start3A_17 : memref<125xi32, #tpu.memory_space<vmem>>) semaphore(%arg11 : memref<!tpu.dma_semaphore, #tpu.memory_space<semaphore_mem>>)
    %dma_start3A_21 = arith.constant 1 : i32
    %dma_start3A_22 = arith.constant 1 : i32
    %dma_start3A_23 = arith.constant 0 : i32
    %dma_start3A_24 = arith.constant 0 : i32
    %dma_start3A_25 = tpu.memref_slice %arg9[%dma_start3A_22, %dma_start3A_23, %dma_start3A_24] : memref<8x125x16xf32, #tpu.memory_space<vmem>> -> memref<1x125x16xf32, #tpu.memory_space<vmem>>
    %dma_start3A_26 = tpu.memref_squeeze %dma_start3A_25 : memref<1x125x16xf32, #tpu.memory_space<vmem>> -> memref<125x16xf32, #tpu.memory_space<vmem>>
    %dma_start3A_27 = arith.constant 0 : i32
    %dma_start3A_28 = tpu.memref_slice %arg7[%dma_start3A_21, %dma_start3A_27] : memref<86x125xi32, #tpu.memory_space<vmem>> -> memref<1x125xi32, #tpu.memory_space<vmem>>
    %dma_start3A_29 = tpu.memref_squeeze %dma_start3A_28 : memref<1x125xi32, #tpu.memory_space<vmem>> -> memref<125xi32, #tpu.memory_space<vmem>>
    %dma_start3A_30 = arith.constant 0 : i32
    %dma_start3A_31 = arith.constant 0 : i32
    %dma_start3A_32 = tpu.memref_slice %arg2[%dma_start3A_30, %dma_start3A_31] : memref<10112x16xf32, #tpu.memory_space<hbm>> -> memref<10112x16xf32, #tpu.memory_space<hbm>>
    tpu.enqueue_indirect_dma source(%dma_start3A_32 : memref<10112x16xf32, #tpu.memory_space<hbm>>) target(%dma_start3A_26 : memref<125x16xf32, #tpu.memory_space<vmem>>) offsets(%dma_start3A_29 : memref<125xi32, #tpu.memory_space<vmem>>) semaphore(%arg11 : memref<!tpu.dma_semaphore, #tpu.memory_space<semaphore_mem>>)
    %dma_start3A_33 = arith.constant 2 : i32
    %dma_start3A_34 = arith.constant 2 : i32
    %dma_start3A_35 = arith.constant 0 : i32
    %dma_start3A_36 = arith.constant 0 : i32
    %dma_start3A_37 = tpu.memref_slice %arg9[%dma_start3A_34, %dma_start3A_35, %dma_start3A_36] : memref<8x125x16xf32, #tpu.memory_space<vmem>> -> memref<1x125x16xf32, #tpu.memory_space<vmem>>
    %dma_start3A_38 = tpu.memref_squeeze %dma_start3A_37 : memref<1x125x16xf32, #tpu.memory_space<vmem>> -> memref<125x16xf32, #tpu.memory_space<vmem>>
    %dma_start3A_39 = arith.constant 0 : i32
    %dma_start3A_40 = tpu.memref_slice %arg7[%dma_start3A_33, %dma_start3A_39] : memref<86x125xi32, #tpu.memory_space<vmem>> -> memref<1x125xi32, #tpu.memory_space<vmem>>
    %dma_start3A_41 = tpu.memref_squeeze %dma_start3A_40 : memref<1x125xi32, #tpu.memory_space<vmem>> -> memref<125xi32, #tpu.memory_space<vmem>>
    %dma_start3A_42 = arith.constant 0 : i32
    %dma_start3A_43 = arith.constant 0 : i32
    %dma_start3A_44 = tpu.memref_slice %arg2[%dma_start3A_42, %dma_start3A_43] : memref<10112x16xf32, #tpu.memory_space<hbm>> -> memref<10112x16xf32, #tpu.memory_space<hbm>>
    tpu.enqueue_indirect_dma source(%dma_start3A_44 : memref<10112x16xf32, #tpu.memory_space<hbm>>) target(%dma_start3A_38 : memref<125x16xf32, #tpu.memory_space<vmem>>) offsets(%dma_start3A_41 : memref<125xi32, #tpu.memory_space<vmem>>) semaphore(%arg11 : memref<!tpu.dma_semaphore, #tpu.memory_space<semaphore_mem>>)
    %dma_start3A_45 = arith.constant 3 : i32
    %dma_start3A_46 = arith.constant 3 : i32
    %dma_start3A_47 = arith.constant 0 : i32
    %dma_start3A_48 = arith.constant 0 : i32
    %dma_start3A_49 = tpu.memref_slice %arg9[%dma_start3A_46, %dma_start3A_47, %dma_start3A_48] : memref<8x125x16xf32, #tpu.memory_space<vmem>> -> memref<1x125x16xf32, #tpu.memory_space<vmem>>
    %dma_start3A_50 = tpu.memref_squeeze %dma_start3A_49 : memref<1x125x16xf32, #tpu.memory_space<vmem>> -> memref<125x16xf32, #tpu.memory_space<vmem>>
    %dma_start3A_51 = arith.constant 0 : i32
    %dma_start3A_52 = tpu.memref_slice %arg7[%dma_start3A_45, %dma_start3A_51] : memref<86x125xi32, #tpu.memory_space<vmem>> -> memref<1x125xi32, #tpu.memory_space<vmem>>
    %dma_start3A_53 = tpu.memref_squeeze %dma_start3A_52 : memref<1x125xi32, #tpu.memory_space<vmem>> -> memref<125xi32, #tpu.memory_space<vmem>>
    %dma_start3A_54 = arith.constant 0 : i32
    %dma_start3A_55 = arith.constant 0 : i32
    %dma_start3A_56 = tpu.memref_slice %arg2[%dma_start3A_54, %dma_start3A_55] : memref<10112x16xf32, #tpu.memory_space<hbm>> -> memref<10112x16xf32, #tpu.memory_space<hbm>>
    tpu.enqueue_indirect_dma source(%dma_start3A_56 : memref<10112x16xf32, #tpu.memory_space<hbm>>) target(%dma_start3A_50 : memref<125x16xf32, #tpu.memory_space<vmem>>) offsets(%dma_start3A_53 : memref<125xi32, #tpu.memory_space<vmem>>) semaphore(%arg11 : memref<!tpu.dma_semaphore, #tpu.memory_space<semaphore_mem>>)
    %dma_start3A_57 = arith.constant 4 : i32
    %dma_start3A_58 = arith.constant 4 : i32
    %dma_start3A_59 = arith.constant 0 : i32
    %dma_start3A_60 = arith.constant 0 : i32
    %dma_start3A_61 = tpu.memref_slice %arg9[%dma_start3A_58, %dma_start3A_59, %dma_start3A_60] : memref<8x125x16xf32, #tpu.memory_space<vmem>> -> memref<1x125x16xf32, #tpu.memory_space<vmem>>
    %dma_start3A_62 = tpu.memref_squeeze %dma_start3A_61 : memref<1x125x16xf32, #tpu.memory_space<vmem>> -> memref<125x16xf32, #tpu.memory_space<vmem>>
    %dma_start3A_63 = arith.constant 0 : i32
    %dma_start3A_64 = tpu.memref_slice %arg7[%dma_start3A_57, %dma_start3A_63] : memref<86x125xi32, #tpu.memory_space<vmem>> -> memref<1x125xi32, #tpu.memory_space<vmem>>
    %dma_start3A_65 = tpu.memref_squeeze %dma_start3A_64 : memref<1x125xi32, #tpu.memory_space<vmem>> -> memref<125xi32, #tpu.memory_space<vmem>>
    %dma_start3A_66 = arith.constant 0 : i32
    %dma_start3A_67 = arith.constant 0 : i32
    %dma_start3A_68 = tpu.memref_slice %arg2[%dma_start3A_66, %dma_start3A_67] : memref<10112x16xf32, #tpu.memory_space<hbm>> -> memref<10112x16xf32, #tpu.memory_space<hbm>>
    tpu.enqueue_indirect_dma source(%dma_start3A_68 : memref<10112x16xf32, #tpu.memory_space<hbm>>) target(%dma_start3A_62 : memref<125x16xf32, #tpu.memory_space<vmem>>) offsets(%dma_start3A_65 : memref<125xi32, #tpu.memory_space<vmem>>) semaphore(%arg11 : memref<!tpu.dma_semaphore, #tpu.memory_space<semaphore_mem>>)
    %dma_start3A_69 = arith.constant 5 : i32
    %dma_start3A_70 = arith.constant 5 : i32
    %dma_start3A_71 = arith.constant 0 : i32
    %dma_start3A_72 = arith.constant 0 : i32
    %dma_start3A_73 = tpu.memref_slice %arg9[%dma_start3A_70, %dma_start3A_71, %dma_start3A_72] : memref<8x125x16xf32, #tpu.memory_space<vmem>> -> memref<1x125x16xf32, #tpu.memory_space<vmem>>
    %dma_start3A_74 = tpu.memref_squeeze %dma_start3A_73 : memref<1x125x16xf32, #tpu.memory_space<vmem>> -> memref<125x16xf32, #tpu.memory_space<vmem>>
    %dma_start3A_75 = arith.constant 0 : i32
    %dma_start3A_76 = tpu.memref_slice %arg7[%dma_start3A_69, %dma_start3A_75] : memref<86x125xi32, #tpu.memory_space<vmem>> -> memref<1x125xi32, #tpu.memory_space<vmem>>
    %dma_start3A_77 = tpu.memref_squeeze %dma_start3A_76 : memref<1x125xi32, #tpu.memory_space<vmem>> -> memref<125xi32, #tpu.memory_space<vmem>>
    %dma_start3A_78 = arith.constant 0 : i32
    %dma_start3A_79 = arith.constant 0 : i32
    %dma_start3A_80 = tpu.memref_slice %arg2[%dma_start3A_78, %dma_start3A_79] : memref<10112x16xf32, #tpu.memory_space<hbm>> -> memref<10112x16xf32, #tpu.memory_space<hbm>>
    tpu.enqueue_indirect_dma source(%dma_start3A_80 : memref<10112x16xf32, #tpu.memory_space<hbm>>) target(%dma_start3A_74 : memref<125x16xf32, #tpu.memory_space<vmem>>) offsets(%dma_start3A_77 : memref<125xi32, #tpu.memory_space<vmem>>) semaphore(%arg11 : memref<!tpu.dma_semaphore, #tpu.memory_space<semaphore_mem>>)
    %dma_wait3A = arith.constant 0 : i32
    %dma_wait3A_81 = arith.constant 0 : i32
    %dma_wait3A_82 = arith.constant 0 : i32
    %dma_wait3A_83 = arith.constant 0 : i32
    %dma_wait3A_84 = tpu.memref_slice %arg9[%dma_wait3A_81, %dma_wait3A_82, %dma_wait3A_83] : memref<8x125x16xf32, #tpu.memory_space<vmem>> -> memref<1x125x16xf32, #tpu.memory_space<vmem>>
    %dma_wait3A_85 = tpu.memref_squeeze %dma_wait3A_84 : memref<1x125x16xf32, #tpu.memory_space<vmem>> -> memref<125x16xf32, #tpu.memory_space<vmem>>
    %dma_wait3A_86 = arith.constant 0 : i32
    %dma_wait3A_87 = tpu.memref_slice %arg7[%dma_wait3A, %dma_wait3A_86] : memref<86x125xi32, #tpu.memory_space<vmem>> -> memref<1x125xi32, #tpu.memory_space<vmem>>
    %dma_wait3A_88 = tpu.memref_squeeze %dma_wait3A_87 : memref<1x125xi32, #tpu.memory_space<vmem>> -> memref<125xi32, #tpu.memory_space<vmem>>
    %dma_wait3A_89 = arith.constant 0 : i32
    %dma_wait3A_90 = arith.constant 0 : i32
    %dma_wait3A_91 = tpu.memref_slice %arg2[%dma_wait3A_89, %dma_wait3A_90] : memref<10112x16xf32, #tpu.memory_space<hbm>> -> memref<10112x16xf32, #tpu.memory_space<hbm>>
    tpu.wait_indirect_dma semaphore(%arg11 : memref<!tpu.dma_semaphore, #tpu.memory_space<semaphore_mem>>) src(%dma_wait3A_91 : memref<10112x16xf32, #tpu.memory_space<hbm>>) dst(%dma_wait3A_85 : memref<125x16xf32, #tpu.memory_space<vmem>>)
    %dma_start3A_92 = arith.constant 0 : i32
    %dma_start3A_93 = arith.constant 0 : i32
    %dma_start3A_94 = arith.constant 0 : i32
    %dma_start3A_95 = arith.constant 0 : i32
    %dma_start3A_96 = tpu.memref_slice %arg9[%dma_start3A_92, %dma_start3A_94, %dma_start3A_95] : memref<8x125x16xf32, #tpu.memory_space<vmem>> -> memref<1x125x16xf32, #tpu.memory_space<vmem>>
    %dma_start3A_97 = tpu.memref_squeeze %dma_start3A_96 : memref<1x125x16xf32, #tpu.memory_space<vmem>> -> memref<125x16xf32, #tpu.memory_space<vmem>>
    %dma_start3A_98 = arith.constant 0 : i32
    %dma_start3A_99 = tpu.memref_slice %arg8[%dma_start3A_93, %dma_start3A_98] : memref<80x125xi32, #tpu.memory_space<vmem>> -> memref<1x125xi32, #tpu.memory_space<vmem>>
    %dma_start3A_100 = tpu.memref_squeeze %dma_start3A_99 : memref<1x125xi32, #tpu.memory_space<vmem>> -> memref<125xi32, #tpu.memory_space<vmem>>
    %dma_start3A_101 = arith.constant 0 : i32
    %dma_start3A_102 = arith.constant 0 : i32
    %dma_start3A_103 = tpu.memref_slice %arg10[%dma_start3A_101, %dma_start3A_102] : memref<10112x16xf32, #tpu.memory_space<vmem_shared>> -> memref<10112x16xf32, #tpu.memory_space<vmem_shared>>
    tpu.enqueue_indirect_dma source(%dma_start3A_97 : memref<125x16xf32, #tpu.memory_space<vmem>>) target(%dma_start3A_103 : memref<10112x16xf32, #tpu.memory_space<vmem_shared>>) offsets(%dma_start3A_100 : memref<125xi32, #tpu.memory_space<vmem>>) semaphore(%arg12 : memref<!tpu.dma_semaphore, #tpu.memory_space<semaphore_mem>>) {add = true}
    %dma_start3A_104 = arith.constant 6 : i32
    %dma_start3A_105 = arith.constant 6 : i32
    %dma_start3A_106 = arith.constant 0 : i32
    %dma_start3A_107 = arith.constant 0 : i32
    %dma_start3A_108 = tpu.memref_slice %arg9[%dma_start3A_105, %dma_start3A_106, %dma_start3A_107] : memref<8x125x16xf32, #tpu.memory_space<vmem>> -> memref<1x125x16xf32, #tpu.memory_space<vmem>>
    %dma_start3A_109 = tpu.memref_squeeze %dma_start3A_108 : memref<1x125x16xf32, #tpu.memory_space<vmem>> -> memref<125x16xf32, #tpu.memory_space<vmem>>
    %dma_start3A_110 = arith.constant 0 : i32
    %dma_start3A_111 = tpu.memref_slice %arg7[%dma_start3A_104, %dma_start3A_110] : memref<86x125xi32, #tpu.memory_space<vmem>> -> memref<1x125xi32, #tpu.memory_space<vmem>>
    %dma_start3A_112 = tpu.memref_squeeze %dma_start3A_111 : memref<1x125xi32, #tpu.memory_space<vmem>> -> memref<125xi32, #tpu.memory_space<vmem>>
    %dma_start3A_113 = arith.constant 0 : i32
    %dma_start3A_114 = arith.constant 0 : i32
    %dma_start3A_115 = tpu.memref_slice %arg2[%dma_start3A_113, %dma_start3A_114] : memref<10112x16xf32, #tpu.memory_space<hbm>> -> memref<10112x16xf32, #tpu.memory_space<hbm>>
    tpu.enqueue_indirect_dma source(%dma_start3A_115 : memref<10112x16xf32, #tpu.memory_space<hbm>>) target(%dma_start3A_109 : memref<125x16xf32, #tpu.memory_space<vmem>>) offsets(%dma_start3A_112 : memref<125xi32, #tpu.memory_space<vmem>>) semaphore(%arg11 : memref<!tpu.dma_semaphore, #tpu.memory_space<semaphore_mem>>)
    %dma_wait3A_116 = arith.constant 1 : i32
    %dma_wait3A_117 = arith.constant 1 : i32
    %dma_wait3A_118 = arith.constant 0 : i32
    %dma_wait3A_119 = arith.constant 0 : i32
    %dma_wait3A_120 = tpu.memref_slice %arg9[%dma_wait3A_117, %dma_wait3A_118, %dma_wait3A_119] : memref<8x125x16xf32, #tpu.memory_space<vmem>> -> memref<1x125x16xf32, #tpu.memory_space<vmem>>
    %dma_wait3A_121 = tpu.memref_squeeze %dma_wait3A_120 : memref<1x125x16xf32, #tpu.memory_space<vmem>> -> memref<125x16xf32, #tpu.memory_space<vmem>>
    %dma_wait3A_122 = arith.constant 0 : i32
    %dma_wait3A_123 = tpu.memref_slice %arg7[%dma_wait3A_116, %dma_wait3A_122] : memref<86x125xi32, #tpu.memory_space<vmem>> -> memref<1x125xi32, #tpu.memory_space<vmem>>
    %dma_wait3A_124 = tpu.memref_squeeze %dma_wait3A_123 : memref<1x125xi32, #tpu.memory_space<vmem>> -> memref<125xi32, #tpu.memory_space<vmem>>
    %dma_wait3A_125 = arith.constant 0 : i32
    %dma_wait3A_126 = arith.constant 0 : i32
    %dma_wait3A_127 = tpu.memref_slice %arg2[%dma_wait3A_125, %dma_wait3A_126] : memref<10112x16xf32, #tpu.memory_space<hbm>> -> memref<10112x16xf32, #tpu.memory_space<hbm>>
    tpu.wait_indirect_dma semaphore(%arg11 : memref<!tpu.dma_semaphore, #tpu.memory_space<semaphore_mem>>) src(%dma_wait3A_127 : memref<10112x16xf32, #tpu.memory_space<hbm>>) dst(%dma_wait3A_121 : memref<125x16xf32, #tpu.memory_space<vmem>>)
    %dma_start3A_128 = arith.constant 1 : i32
    %dma_start3A_129 = arith.constant 1 : i32
    %dma_start3A_130 = arith.constant 0 : i32
    %dma_start3A_131 = arith.constant 0 : i32
    %dma_start3A_132 = tpu.memref_slice %arg9[%dma_start3A_128, %dma_start3A_130, %dma_start3A_131] : memref<8x125x16xf32, #tpu.memory_space<vmem>> -> memref<1x125x16xf32, #tpu.memory_space<vmem>>
    %dma_start3A_133 = tpu.memref_squeeze %dma_start3A_132 : memref<1x125x16xf32, #tpu.memory_space<vmem>> -> memref<125x16xf32, #tpu.memory_space<vmem>>
    %dma_start3A_134 = arith.constant 0 : i32
    %dma_start3A_135 = tpu.memref_slice %arg8[%dma_start3A_129, %dma_start3A_134] : memref<80x125xi32, #tpu.memory_space<vmem>> -> memref<1x125xi32, #tpu.memory_space<vmem>>
    %dma_start3A_136 = tpu.memref_squeeze %dma_start3A_135 : memref<1x125xi32, #tpu.memory_space<vmem>> -> memref<125xi32, #tpu.memory_space<vmem>>
    %dma_start3A_137 = arith.constant 0 : i32
    %dma_start3A_138 = arith.constant 0 : i32
    %dma_start3A_139 = tpu.memref_slice %arg10[%dma_start3A_137, %dma_start3A_138] : memref<10112x16xf32, #tpu.memory_space<vmem_shared>> -> memref<10112x16xf32, #tpu.memory_space<vmem_shared>>
    tpu.enqueue_indirect_dma source(%dma_start3A_133 : memref<125x16xf32, #tpu.memory_space<vmem>>) target(%dma_start3A_139 : memref<10112x16xf32, #tpu.memory_space<vmem_shared>>) offsets(%dma_start3A_136 : memref<125xi32, #tpu.memory_space<vmem>>) semaphore(%arg12 : memref<!tpu.dma_semaphore, #tpu.memory_space<semaphore_mem>>) {add = true}
    %dma_start3A_140 = arith.constant 7 : i32
    %dma_start3A_141 = arith.constant 7 : i32
    %dma_start3A_142 = arith.constant 0 : i32
    %dma_start3A_143 = arith.constant 0 : i32
    %dma_start3A_144 = tpu.memref_slice %arg9[%dma_start3A_141, %dma_start3A_142, %dma_start3A_143] : memref<8x125x16xf32, #tpu.memory_space<vmem>> -> memref<1x125x16xf32, #tpu.memory_space<vmem>>
    %dma_start3A_145 = tpu.memref_squeeze %dma_start3A_144 : memref<1x125x16xf32, #tpu.memory_space<vmem>> -> memref<125x16xf32, #tpu.memory_space<vmem>>
    %dma_start3A_146 = arith.constant 0 : i32
    %dma_start3A_147 = tpu.memref_slice %arg7[%dma_start3A_140, %dma_start3A_146] : memref<86x125xi32, #tpu.memory_space<vmem>> -> memref<1x125xi32, #tpu.memory_space<vmem>>
    %dma_start3A_148 = tpu.memref_squeeze %dma_start3A_147 : memref<1x125xi32, #tpu.memory_space<vmem>> -> memref<125xi32, #tpu.memory_space<vmem>>
    %dma_start3A_149 = arith.constant 0 : i32
    %dma_start3A_150 = arith.constant 0 : i32
    %dma_start3A_151 = tpu.memref_slice %arg2[%dma_start3A_149, %dma_start3A_150] : memref<10112x16xf32, #tpu.memory_space<hbm>> -> memref<10112x16xf32, #tpu.memory_space<hbm>>
    tpu.enqueue_indirect_dma source(%dma_start3A_151 : memref<10112x16xf32, #tpu.memory_space<hbm>>) target(%dma_start3A_145 : memref<125x16xf32, #tpu.memory_space<vmem>>) offsets(%dma_start3A_148 : memref<125xi32, #tpu.memory_space<vmem>>) semaphore(%arg11 : memref<!tpu.dma_semaphore, #tpu.memory_space<semaphore_mem>>)
    %scan3A = arith.constant 0 : i32
    %scan3A_152 = arith.constant 2 : i32
    %scan3A_153 = arith.constant 78 : i32
    %scan3A_154 = arith.addi %scan3A_152, %scan3A_153 : i32
    %scan3A_155 = arith.constant 1 : i32
    scf.for %scan3A_254 = %scan3A_152 to %scan3A_154 step %scan3A_155  : i32 {
      %and3A = arith.constant 7 : i32
      %and3A_255 = arith.andi %scan3A_254, %and3A : i32
      %add3A_256 = arith.constant 6 : i32
      %add3A_257 = arith.addi %scan3A_254, %add3A_256 : i32
      %and3A_258 = arith.constant 7 : i32
      %and3A_259 = arith.andi %add3A_257, %and3A_258 : i32
      %dma_wait3A_260 = arith.constant 0 : i32
      %dma_wait3A_261 = arith.constant 0 : i32
      %dma_wait3A_262 = tpu.memref_slice %arg9[%and3A_255, %dma_wait3A_260, %dma_wait3A_261] : memref<8x125x16xf32, #tpu.memory_space<vmem>> -> memref<1x125x16xf32, #tpu.memory_space<vmem>>
      %dma_wait3A_263 = tpu.memref_squeeze %dma_wait3A_262 : memref<1x125x16xf32, #tpu.memory_space<vmem>> -> memref<125x16xf32, #tpu.memory_space<vmem>>
      %dma_wait3A_264 = arith.constant 0 : i32
      %dma_wait3A_265 = tpu.memref_slice %arg7[%scan3A_254, %dma_wait3A_264] : memref<86x125xi32, #tpu.memory_space<vmem>> -> memref<1x125xi32, #tpu.memory_space<vmem>>
      %dma_wait3A_266 = tpu.memref_squeeze %dma_wait3A_265 : memref<1x125xi32, #tpu.memory_space<vmem>> -> memref<125xi32, #tpu.memory_space<vmem>>
      %dma_wait3A_267 = arith.constant 0 : i32
      %dma_wait3A_268 = arith.constant 0 : i32
      %dma_wait3A_269 = tpu.memref_slice %arg2[%dma_wait3A_267, %dma_wait3A_268] : memref<10112x16xf32, #tpu.memory_space<hbm>> -> memref<10112x16xf32, #tpu.memory_space<hbm>>
      tpu.wait_indirect_dma semaphore(%arg11 : memref<!tpu.dma_semaphore, #tpu.memory_space<semaphore_mem>>) src(%dma_wait3A_269 : memref<10112x16xf32, #tpu.memory_space<hbm>>) dst(%dma_wait3A_263 : memref<125x16xf32, #tpu.memory_space<vmem>>)
      %dma_start3A_270 = arith.constant 0 : i32
      %dma_start3A_271 = arith.constant 0 : i32
      %dma_start3A_272 = tpu.memref_slice %arg9[%and3A_255, %dma_start3A_270, %dma_start3A_271] : memref<8x125x16xf32, #tpu.memory_space<vmem>> -> memref<1x125x16xf32, #tpu.memory_space<vmem>>
      %dma_start3A_273 = tpu.memref_squeeze %dma_start3A_272 : memref<1x125x16xf32, #tpu.memory_space<vmem>> -> memref<125x16xf32, #tpu.memory_space<vmem>>
      %dma_start3A_274 = arith.constant 0 : i32
      %dma_start3A_275 = tpu.memref_slice %arg8[%scan3A_254, %dma_start3A_274] : memref<80x125xi32, #tpu.memory_space<vmem>> -> memref<1x125xi32, #tpu.memory_space<vmem>>
      %dma_start3A_276 = tpu.memref_squeeze %dma_start3A_275 : memref<1x125xi32, #tpu.memory_space<vmem>> -> memref<125xi32, #tpu.memory_space<vmem>>
      %dma_start3A_277 = arith.constant 0 : i32
      %dma_start3A_278 = arith.constant 0 : i32
      %dma_start3A_279 = tpu.memref_slice %arg10[%dma_start3A_277, %dma_start3A_278] : memref<10112x16xf32, #tpu.memory_space<vmem_shared>> -> memref<10112x16xf32, #tpu.memory_space<vmem_shared>>
      tpu.enqueue_indirect_dma source(%dma_start3A_273 : memref<125x16xf32, #tpu.memory_space<vmem>>) target(%dma_start3A_279 : memref<10112x16xf32, #tpu.memory_space<vmem_shared>>) offsets(%dma_start3A_276 : memref<125xi32, #tpu.memory_space<vmem>>) semaphore(%arg12 : memref<!tpu.dma_semaphore, #tpu.memory_space<semaphore_mem>>) {add = true}
      %sub3A = arith.constant 2 : i32
      %sub3A_280 = arith.subi %scan3A_254, %sub3A : i32
      %dma_wait3A_281 = arith.constant 0 : i32
      %dma_wait3A_282 = arith.constant 0 : i32
      %dma_wait3A_283 = tpu.memref_slice %arg9[%and3A_259, %dma_wait3A_281, %dma_wait3A_282] : memref<8x125x16xf32, #tpu.memory_space<vmem>> -> memref<1x125x16xf32, #tpu.memory_space<vmem>>
      %dma_wait3A_284 = tpu.memref_squeeze %dma_wait3A_283 : memref<1x125x16xf32, #tpu.memory_space<vmem>> -> memref<125x16xf32, #tpu.memory_space<vmem>>
      %dma_wait3A_285 = arith.constant 0 : i32
      %dma_wait3A_286 = tpu.memref_slice %arg8[%sub3A_280, %dma_wait3A_285] : memref<80x125xi32, #tpu.memory_space<vmem>> -> memref<1x125xi32, #tpu.memory_space<vmem>>
      %dma_wait3A_287 = tpu.memref_squeeze %dma_wait3A_286 : memref<1x125xi32, #tpu.memory_space<vmem>> -> memref<125xi32, #tpu.memory_space<vmem>>
      %dma_wait3A_288 = arith.constant 0 : i32
      %dma_wait3A_289 = arith.constant 0 : i32
      %dma_wait3A_290 = tpu.memref_slice %arg10[%dma_wait3A_288, %dma_wait3A_289] : memref<10112x16xf32, #tpu.memory_space<vmem_shared>> -> memref<10112x16xf32, #tpu.memory_space<vmem_shared>>
      tpu.wait_indirect_dma semaphore(%arg12 : memref<!tpu.dma_semaphore, #tpu.memory_space<semaphore_mem>>) src(%dma_wait3A_284 : memref<125x16xf32, #tpu.memory_space<vmem>>) dst(%dma_wait3A_290 : memref<10112x16xf32, #tpu.memory_space<vmem_shared>>)
      %add3A_291 = arith.constant 6 : i32
      %add3A_292 = arith.addi %scan3A_254, %add3A_291 : i32
      %dma_start3A_293 = arith.constant 0 : i32
      %dma_start3A_294 = arith.constant 0 : i32
      %dma_start3A_295 = tpu.memref_slice %arg9[%and3A_259, %dma_start3A_293, %dma_start3A_294] : memref<8x125x16xf32, #tpu.memory_space<vmem>> -> memref<1x125x16xf32, #tpu.memory_space<vmem>>
      %dma_start3A_296 = tpu.memref_squeeze %dma_start3A_295 : memref<1x125x16xf32, #tpu.memory_space<vmem>> -> memref<125x16xf32, #tpu.memory_space<vmem>>
      %dma_start3A_297 = arith.constant 0 : i32
      %dma_start3A_298 = tpu.memref_slice %arg7[%add3A_292, %dma_start3A_297] : memref<86x125xi32, #tpu.memory_space<vmem>> -> memref<1x125xi32, #tpu.memory_space<vmem>>
      %dma_start3A_299 = tpu.memref_squeeze %dma_start3A_298 : memref<1x125xi32, #tpu.memory_space<vmem>> -> memref<125xi32, #tpu.memory_space<vmem>>
      %dma_start3A_300 = arith.constant 0 : i32
      %dma_start3A_301 = arith.constant 0 : i32
      %dma_start3A_302 = tpu.memref_slice %arg2[%dma_start3A_300, %dma_start3A_301] : memref<10112x16xf32, #tpu.memory_space<hbm>> -> memref<10112x16xf32, #tpu.memory_space<hbm>>
      tpu.enqueue_indirect_dma source(%dma_start3A_302 : memref<10112x16xf32, #tpu.memory_space<hbm>>) target(%dma_start3A_296 : memref<125x16xf32, #tpu.memory_space<vmem>>) offsets(%dma_start3A_299 : memref<125xi32, #tpu.memory_space<vmem>>) semaphore(%arg11 : memref<!tpu.dma_semaphore, #tpu.memory_space<semaphore_mem>>)
    }
    %scan3A_156 = arith.constant 78 : i32
    %dma_wait3A_157 = arith.constant 6 : i32
    %dma_wait3A_158 = arith.constant 78 : i32
    %dma_wait3A_159 = arith.constant 0 : i32
    %dma_wait3A_160 = arith.constant 0 : i32
    %dma_wait3A_161 = tpu.memref_slice %arg9[%dma_wait3A_157, %dma_wait3A_159, %dma_wait3A_160] : memref<8x125x16xf32, #tpu.memory_space<vmem>> -> memref<1x125x16xf32, #tpu.memory_space<vmem>>
    %dma_wait3A_162 = tpu.memref_squeeze %dma_wait3A_161 : memref<1x125x16xf32, #tpu.memory_space<vmem>> -> memref<125x16xf32, #tpu.memory_space<vmem>>
    %dma_wait3A_163 = arith.constant 0 : i32
    %dma_wait3A_164 = tpu.memref_slice %arg8[%dma_wait3A_158, %dma_wait3A_163] : memref<80x125xi32, #tpu.memory_space<vmem>> -> memref<1x125xi32, #tpu.memory_space<vmem>>
    %dma_wait3A_165 = tpu.memref_squeeze %dma_wait3A_164 : memref<1x125xi32, #tpu.memory_space<vmem>> -> memref<125xi32, #tpu.memory_space<vmem>>
    %dma_wait3A_166 = arith.constant 0 : i32
    %dma_wait3A_167 = arith.constant 0 : i32
    %dma_wait3A_168 = tpu.memref_slice %arg10[%dma_wait3A_166, %dma_wait3A_167] : memref<10112x16xf32, #tpu.memory_space<vmem_shared>> -> memref<10112x16xf32, #tpu.memory_space<vmem_shared>>
    tpu.wait_indirect_dma semaphore(%arg12 : memref<!tpu.dma_semaphore, #tpu.memory_space<semaphore_mem>>) src(%dma_wait3A_162 : memref<125x16xf32, #tpu.memory_space<vmem>>) dst(%dma_wait3A_168 : memref<10112x16xf32, #tpu.memory_space<vmem_shared>>)
    %dma_wait3A_169 = arith.constant 7 : i32
    %dma_wait3A_170 = arith.constant 79 : i32
    %dma_wait3A_171 = arith.constant 0 : i32
    %dma_wait3A_172 = arith.constant 0 : i32
    %dma_wait3A_173 = tpu.memref_slice %arg9[%dma_wait3A_169, %dma_wait3A_171, %dma_wait3A_172] : memref<8x125x16xf32, #tpu.memory_space<vmem>> -> memref<1x125x16xf32, #tpu.memory_space<vmem>>
    %dma_wait3A_174 = tpu.memref_squeeze %dma_wait3A_173 : memref<1x125x16xf32, #tpu.memory_space<vmem>> -> memref<125x16xf32, #tpu.memory_space<vmem>>
    %dma_wait3A_175 = arith.constant 0 : i32
    %dma_wait3A_176 = tpu.memref_slice %arg8[%dma_wait3A_170, %dma_wait3A_175] : memref<80x125xi32, #tpu.memory_space<vmem>> -> memref<1x125xi32, #tpu.memory_space<vmem>>
    %dma_wait3A_177 = tpu.memref_squeeze %dma_wait3A_176 : memref<1x125xi32, #tpu.memory_space<vmem>> -> memref<125xi32, #tpu.memory_space<vmem>>
    %dma_wait3A_178 = arith.constant 0 : i32
    %dma_wait3A_179 = arith.constant 0 : i32
    %dma_wait3A_180 = tpu.memref_slice %arg10[%dma_wait3A_178, %dma_wait3A_179] : memref<10112x16xf32, #tpu.memory_space<vmem_shared>> -> memref<10112x16xf32, #tpu.memory_space<vmem_shared>>
    tpu.wait_indirect_dma semaphore(%arg12 : memref<!tpu.dma_semaphore, #tpu.memory_space<semaphore_mem>>) src(%dma_wait3A_174 : memref<125x16xf32, #tpu.memory_space<vmem>>) dst(%dma_wait3A_180 : memref<10112x16xf32, #tpu.memory_space<vmem_shared>>)
    %dma_wait3A_181 = arith.constant 80 : i32
    %dma_wait3A_182 = arith.constant 0 : i32
    %dma_wait3A_183 = arith.constant 0 : i32
    %dma_wait3A_184 = arith.constant 0 : i32
    %dma_wait3A_185 = tpu.memref_slice %arg9[%dma_wait3A_182, %dma_wait3A_183, %dma_wait3A_184] : memref<8x125x16xf32, #tpu.memory_space<vmem>> -> memref<1x125x16xf32, #tpu.memory_space<vmem>>
    %dma_wait3A_186 = tpu.memref_squeeze %dma_wait3A_185 : memref<1x125x16xf32, #tpu.memory_space<vmem>> -> memref<125x16xf32, #tpu.memory_space<vmem>>
    %dma_wait3A_187 = arith.constant 0 : i32
    %dma_wait3A_188 = tpu.memref_slice %arg7[%dma_wait3A_181, %dma_wait3A_187] : memref<86x125xi32, #tpu.memory_space<vmem>> -> memref<1x125xi32, #tpu.memory_space<vmem>>
    %dma_wait3A_189 = tpu.memref_squeeze %dma_wait3A_188 : memref<1x125xi32, #tpu.memory_space<vmem>> -> memref<125xi32, #tpu.memory_space<vmem>>
    %dma_wait3A_190 = arith.constant 0 : i32
    %dma_wait3A_191 = arith.constant 0 : i32
    %dma_wait3A_192 = tpu.memref_slice %arg2[%dma_wait3A_190, %dma_wait3A_191] : memref<10112x16xf32, #tpu.memory_space<hbm>> -> memref<10112x16xf32, #tpu.memory_space<hbm>>
    tpu.wait_indirect_dma semaphore(%arg11 : memref<!tpu.dma_semaphore, #tpu.memory_space<semaphore_mem>>) src(%dma_wait3A_192 : memref<10112x16xf32, #tpu.memory_space<hbm>>) dst(%dma_wait3A_186 : memref<125x16xf32, #tpu.memory_space<vmem>>)
    %dma_wait3A_193 = arith.constant 81 : i32
    %dma_wait3A_194 = arith.constant 1 : i32
    %dma_wait3A_195 = arith.constant 0 : i32
    %dma_wait3A_196 = arith.constant 0 : i32
    %dma_wait3A_197 = tpu.memref_slice %arg9[%dma_wait3A_194, %dma_wait3A_195, %dma_wait3A_196] : memref<8x125x16xf32, #tpu.memory_space<vmem>> -> memref<1x125x16xf32, #tpu.memory_space<vmem>>
    %dma_wait3A_198 = tpu.memref_squeeze %dma_wait3A_197 : memref<1x125x16xf32, #tpu.memory_space<vmem>> -> memref<125x16xf32, #tpu.memory_space<vmem>>
    %dma_wait3A_199 = arith.constant 0 : i32
    %dma_wait3A_200 = tpu.memref_slice %arg7[%dma_wait3A_193, %dma_wait3A_199] : memref<86x125xi32, #tpu.memory_space<vmem>> -> memref<1x125xi32, #tpu.memory_space<vmem>>
    %dma_wait3A_201 = tpu.memref_squeeze %dma_wait3A_200 : memref<1x125xi32, #tpu.memory_space<vmem>> -> memref<125xi32, #tpu.memory_space<vmem>>
    %dma_wait3A_202 = arith.constant 0 : i32
    %dma_wait3A_203 = arith.constant 0 : i32
    %dma_wait3A_204 = tpu.memref_slice %arg2[%dma_wait3A_202, %dma_wait3A_203] : memref<10112x16xf32, #tpu.memory_space<hbm>> -> memref<10112x16xf32, #tpu.memory_space<hbm>>
    tpu.wait_indirect_dma semaphore(%arg11 : memref<!tpu.dma_semaphore, #tpu.memory_space<semaphore_mem>>) src(%dma_wait3A_204 : memref<10112x16xf32, #tpu.memory_space<hbm>>) dst(%dma_wait3A_198 : memref<125x16xf32, #tpu.memory_space<vmem>>)
    %dma_wait3A_205 = arith.constant 82 : i32
    %dma_wait3A_206 = arith.constant 2 : i32
    %dma_wait3A_207 = arith.constant 0 : i32
    %dma_wait3A_208 = arith.constant 0 : i32
    %dma_wait3A_209 = tpu.memref_slice %arg9[%dma_wait3A_206, %dma_wait3A_207, %dma_wait3A_208] : memref<8x125x16xf32, #tpu.memory_space<vmem>> -> memref<1x125x16xf32, #tpu.memory_space<vmem>>
    %dma_wait3A_210 = tpu.memref_squeeze %dma_wait3A_209 : memref<1x125x16xf32, #tpu.memory_space<vmem>> -> memref<125x16xf32, #tpu.memory_space<vmem>>
    %dma_wait3A_211 = arith.constant 0 : i32
    %dma_wait3A_212 = tpu.memref_slice %arg7[%dma_wait3A_205, %dma_wait3A_211] : memref<86x125xi32, #tpu.memory_space<vmem>> -> memref<1x125xi32, #tpu.memory_space<vmem>>
    %dma_wait3A_213 = tpu.memref_squeeze %dma_wait3A_212 : memref<1x125xi32, #tpu.memory_space<vmem>> -> memref<125xi32, #tpu.memory_space<vmem>>
    %dma_wait3A_214 = arith.constant 0 : i32
    %dma_wait3A_215 = arith.constant 0 : i32
    %dma_wait3A_216 = tpu.memref_slice %arg2[%dma_wait3A_214, %dma_wait3A_215] : memref<10112x16xf32, #tpu.memory_space<hbm>> -> memref<10112x16xf32, #tpu.memory_space<hbm>>
    tpu.wait_indirect_dma semaphore(%arg11 : memref<!tpu.dma_semaphore, #tpu.memory_space<semaphore_mem>>) src(%dma_wait3A_216 : memref<10112x16xf32, #tpu.memory_space<hbm>>) dst(%dma_wait3A_210 : memref<125x16xf32, #tpu.memory_space<vmem>>)
    %dma_wait3A_217 = arith.constant 83 : i32
    %dma_wait3A_218 = arith.constant 3 : i32
    %dma_wait3A_219 = arith.constant 0 : i32
    %dma_wait3A_220 = arith.constant 0 : i32
    %dma_wait3A_221 = tpu.memref_slice %arg9[%dma_wait3A_218, %dma_wait3A_219, %dma_wait3A_220] : memref<8x125x16xf32, #tpu.memory_space<vmem>> -> memref<1x125x16xf32, #tpu.memory_space<vmem>>
    %dma_wait3A_222 = tpu.memref_squeeze %dma_wait3A_221 : memref<1x125x16xf32, #tpu.memory_space<vmem>> -> memref<125x16xf32, #tpu.memory_space<vmem>>
    %dma_wait3A_223 = arith.constant 0 : i32
    %dma_wait3A_224 = tpu.memref_slice %arg7[%dma_wait3A_217, %dma_wait3A_223] : memref<86x125xi32, #tpu.memory_space<vmem>> -> memref<1x125xi32, #tpu.memory_space<vmem>>
    %dma_wait3A_225 = tpu.memref_squeeze %dma_wait3A_224 : memref<1x125xi32, #tpu.memory_space<vmem>> -> memref<125xi32, #tpu.memory_space<vmem>>
    %dma_wait3A_226 = arith.constant 0 : i32
    %dma_wait3A_227 = arith.constant 0 : i32
    %dma_wait3A_228 = tpu.memref_slice %arg2[%dma_wait3A_226, %dma_wait3A_227] : memref<10112x16xf32, #tpu.memory_space<hbm>> -> memref<10112x16xf32, #tpu.memory_space<hbm>>
    tpu.wait_indirect_dma semaphore(%arg11 : memref<!tpu.dma_semaphore, #tpu.memory_space<semaphore_mem>>) src(%dma_wait3A_228 : memref<10112x16xf32, #tpu.memory_space<hbm>>) dst(%dma_wait3A_222 : memref<125x16xf32, #tpu.memory_space<vmem>>)
    %dma_wait3A_229 = arith.constant 84 : i32
    %dma_wait3A_230 = arith.constant 4 : i32
    %dma_wait3A_231 = arith.constant 0 : i32
    %dma_wait3A_232 = arith.constant 0 : i32
    %dma_wait3A_233 = tpu.memref_slice %arg9[%dma_wait3A_230, %dma_wait3A_231, %dma_wait3A_232] : memref<8x125x16xf32, #tpu.memory_space<vmem>> -> memref<1x125x16xf32, #tpu.memory_space<vmem>>
    %dma_wait3A_234 = tpu.memref_squeeze %dma_wait3A_233 : memref<1x125x16xf32, #tpu.memory_space<vmem>> -> memref<125x16xf32, #tpu.memory_space<vmem>>
    %dma_wait3A_235 = arith.constant 0 : i32
    %dma_wait3A_236 = tpu.memref_slice %arg7[%dma_wait3A_229, %dma_wait3A_235] : memref<86x125xi32, #tpu.memory_space<vmem>> -> memref<1x125xi32, #tpu.memory_space<vmem>>
    %dma_wait3A_237 = tpu.memref_squeeze %dma_wait3A_236 : memref<1x125xi32, #tpu.memory_space<vmem>> -> memref<125xi32, #tpu.memory_space<vmem>>
    %dma_wait3A_238 = arith.constant 0 : i32
    %dma_wait3A_239 = arith.constant 0 : i32
    %dma_wait3A_240 = tpu.memref_slice %arg2[%dma_wait3A_238, %dma_wait3A_239] : memref<10112x16xf32, #tpu.memory_space<hbm>> -> memref<10112x16xf32, #tpu.memory_space<hbm>>
    tpu.wait_indirect_dma semaphore(%arg11 : memref<!tpu.dma_semaphore, #tpu.memory_space<semaphore_mem>>) src(%dma_wait3A_240 : memref<10112x16xf32, #tpu.memory_space<hbm>>) dst(%dma_wait3A_234 : memref<125x16xf32, #tpu.memory_space<vmem>>)
    %dma_wait3A_241 = arith.constant 85 : i32
    %dma_wait3A_242 = arith.constant 5 : i32
    %dma_wait3A_243 = arith.constant 0 : i32
    %dma_wait3A_244 = arith.constant 0 : i32
    %dma_wait3A_245 = tpu.memref_slice %arg9[%dma_wait3A_242, %dma_wait3A_243, %dma_wait3A_244] : memref<8x125x16xf32, #tpu.memory_space<vmem>> -> memref<1x125x16xf32, #tpu.memory_space<vmem>>
    %dma_wait3A_246 = tpu.memref_squeeze %dma_wait3A_245 : memref<1x125x16xf32, #tpu.memory_space<vmem>> -> memref<125x16xf32, #tpu.memory_space<vmem>>
    %dma_wait3A_247 = arith.constant 0 : i32
    %dma_wait3A_248 = tpu.memref_slice %arg7[%dma_wait3A_241, %dma_wait3A_247] : memref<86x125xi32, #tpu.memory_space<vmem>> -> memref<1x125xi32, #tpu.memory_space<vmem>>
    %dma_wait3A_249 = tpu.memref_squeeze %dma_wait3A_248 : memref<1x125xi32, #tpu.memory_space<vmem>> -> memref<125xi32, #tpu.memory_space<vmem>>
    %dma_wait3A_250 = arith.constant 0 : i32
    %dma_wait3A_251 = arith.constant 0 : i32
    %dma_wait3A_252 = tpu.memref_slice %arg2[%dma_wait3A_250, %dma_wait3A_251] : memref<10112x16xf32, #tpu.memory_space<hbm>> -> memref<10112x16xf32, #tpu.memory_space<hbm>>
    tpu.wait_indirect_dma semaphore(%arg11 : memref<!tpu.dma_semaphore, #tpu.memory_space<semaphore_mem>>) src(%dma_wait3A_252 : memref<10112x16xf32, #tpu.memory_space<hbm>>) dst(%dma_wait3A_246 : memref<125x16xf32, #tpu.memory_space<vmem>>)
    %barrier3A_253 = arith.constant 0 : index
    tpu.barrier barrier_id(%barrier3A_253)
    "tpu.region"() ({
      %run_scoped3A_254 = tpu.sem_alloc : memref<!tpu.dma_semaphore, #tpu.memory_space<semaphore_mem>>
      %dma_start3A_255 = arith.constant 0 : i32
      %dma_start3A_256 = tpu.memref_slice %arg6[%arg0, %mul3A_2, %dma_start3A_255] : memref<2x10112x16xf32, #tpu.memory_space<hbm>> -> memref<1x632x16xf32, #tpu.memory_space<hbm>>
      %dma_start3A_257 = tpu.memref_squeeze %dma_start3A_256 : memref<1x632x16xf32, #tpu.memory_space<hbm>> -> memref<632x16xf32, #tpu.memory_space<hbm>>
      %dma_start3A_258 = arith.constant 0 : i32
      %dma_start3A_259 = tpu.memref_slice %arg10[%mul3A_2, %dma_start3A_258] : memref<10112x16xf32, #tpu.memory_space<vmem_shared>> -> memref<632x16xf32, #tpu.memory_space<vmem_shared>>
      tpu.enqueue_dma source(%dma_start3A_259 : memref<632x16xf32, #tpu.memory_space<vmem_shared>>) target(%dma_start3A_257 : memref<632x16xf32, #tpu.memory_space<hbm>>) target_semaphore(%run_scoped3A_254 : memref<!tpu.dma_semaphore, #tpu.memory_space<semaphore_mem>>)
      %dma_wait3A_260 = arith.constant 0 : i32
      %dma_wait3A_261 = tpu.memref_slice %arg6[%arg0, %mul3A_2, %dma_wait3A_260] : memref<2x10112x16xf32, #tpu.memory_space<hbm>> -> memref<1x632x16xf32, #tpu.memory_space<hbm>>
      %dma_wait3A_262 = tpu.memref_squeeze %dma_wait3A_261 : memref<1x632x16xf32, #tpu.memory_space<hbm>> -> memref<632x16xf32, #tpu.memory_space<hbm>>
      %dma_wait3A_263 = arith.constant 0 : i32
      %dma_wait3A_264 = tpu.memref_slice %arg10[%mul3A_2, %dma_wait3A_263] : memref<10112x16xf32, #tpu.memory_space<vmem_shared>> -> memref<632x16xf32, #tpu.memory_space<vmem_shared>>
      tpu.wait_dma2 semaphore(%run_scoped3A_254 : memref<!tpu.dma_semaphore, #tpu.memory_space<semaphore_mem>>) src(%dma_wait3A_264 : memref<632x16xf32, #tpu.memory_space<vmem_shared>>) dst(%dma_wait3A_262 : memref<632x16xf32, #tpu.memory_space<hbm>>)
      tpu.yield
    }) : () -> ()
    return
  }
}

#map = affine_map<(d0, d1) -> (0, 0)>
#map1 = affine_map<(d0, d1) -> (0, 0, 0, 0)>
#map2 = affine_map<(d0, d1) -> (0, 0, 0)>
module attributes {stable_mosaic.version = 14 : i64} {
  func.func @agg(%arg0: i32, %arg1: i32, %arg2: memref<10112x64xf32, #tpu.memory_space<hbm>>, %arg3: memref<2x32x80x125xi32, #tpu.memory_space<hbm>>, %arg4: memref<6x125xi32, #tpu.memory_space<hbm>>, %arg5: memref<632x64xf32, #tpu.memory_space<hbm>>, %arg6: memref<2x10112x64xf32, #tpu.memory_space<hbm>>, %arg7: memref<82x125xi32, #tpu.memory_space<vmem>>, %arg8: memref<80x125xi32, #tpu.memory_space<vmem>>, %arg9: memref<4x125x64xf32, #tpu.memory_space<vmem>>, %arg10: memref<10112x64xf32, #tpu.memory_space<vmem_shared>>, %arg11: memref<!tpu.dma_semaphore, #tpu.memory_space<semaphore_mem>>, %arg12: memref<!tpu.dma_semaphore, #tpu.memory_space<semaphore_mem>>) attributes {dimension_semantics = [#tpu.dimension_semantics<core_parallel>, #tpu.dimension_semantics<subcore_parallel>], iteration_bounds = array<i64: 2, 16>, scalar_prefetch = 0 : i64, scratch_operands = 6 : i64, tpu.core_type = #tpu.core_type<sc_vector_subcore>, window_params = [{transform_indices = #map}, {transform_indices = #map1}, {transform_indices = #map}, {transform_indices = #map}, {transform_indices = #map2}]} {
    %mul3A = arith.constant 16 : i32
    %mul3A_0 = arith.muli %arg0, %mul3A : i32
    %add3A = arith.addi %mul3A_0, %arg1 : i32
    %mul3A_1 = arith.constant 632 : i32
    %mul3A_2 = arith.muli %arg1, %mul3A_1 : i32
    %eq3A = arith.constant 0 : i32
    %eq3A_3 = arith.cmpi eq, %arg0, %eq3A : i32
    %convert_element_type3A = arith.extui %eq3A_3 : i1 to i32
    %cond3A = arith.constant 0 : i32
    %cond3A_4 = arith.cmpi ne, %convert_element_type3A, %cond3A : i32
    scf.if %cond3A_4 {
      "tpu.region"() ({
        %run_scoped3A_158 = tpu.sem_alloc : memref<!tpu.dma_semaphore, #tpu.memory_space<semaphore_mem>>
        %dma_start3A_159 = arith.constant 0 : i32
        %dma_start3A_160 = tpu.memref_slice %arg10[%mul3A_2, %dma_start3A_159] : memref<10112x64xf32, #tpu.memory_space<vmem_shared>> -> memref<632x64xf32, #tpu.memory_space<vmem_shared>>
        %dma_start3A_161 = arith.constant 0 : i32
        %dma_start3A_162 = tpu.memref_slice %arg2[%mul3A_2, %dma_start3A_161] : memref<10112x64xf32, #tpu.memory_space<hbm>> -> memref<632x64xf32, #tpu.memory_space<hbm>>
        tpu.enqueue_dma source(%dma_start3A_162 : memref<632x64xf32, #tpu.memory_space<hbm>>) target(%dma_start3A_160 : memref<632x64xf32, #tpu.memory_space<vmem_shared>>) target_semaphore(%run_scoped3A_158 : memref<!tpu.dma_semaphore, #tpu.memory_space<semaphore_mem>>)
        %dma_wait3A_163 = arith.constant 0 : i32
        %dma_wait3A_164 = tpu.memref_slice %arg10[%mul3A_2, %dma_wait3A_163] : memref<10112x64xf32, #tpu.memory_space<vmem_shared>> -> memref<632x64xf32, #tpu.memory_space<vmem_shared>>
        %dma_wait3A_165 = arith.constant 0 : i32
        %dma_wait3A_166 = tpu.memref_slice %arg2[%mul3A_2, %dma_wait3A_165] : memref<10112x64xf32, #tpu.memory_space<hbm>> -> memref<632x64xf32, #tpu.memory_space<hbm>>
        tpu.wait_dma2 semaphore(%run_scoped3A_158 : memref<!tpu.dma_semaphore, #tpu.memory_space<semaphore_mem>>) src(%dma_wait3A_166 : memref<632x64xf32, #tpu.memory_space<hbm>>) dst(%dma_wait3A_164 : memref<632x64xf32, #tpu.memory_space<vmem_shared>>)
        tpu.yield
      }) : () -> ()
    } else {
    }
    %ne3A = arith.constant 0 : i32
    %ne3A_5 = arith.cmpi ne, %arg0, %ne3A : i32
    %convert_element_type3A_6 = arith.extui %ne3A_5 : i1 to i32
    %cond3A_7 = arith.constant 0 : i32
    %cond3A_8 = arith.cmpi ne, %convert_element_type3A_6, %cond3A_7 : i32
    scf.if %cond3A_8 {
      "tpu.region"() ({
        %run_scoped3A_158 = tpu.sem_alloc : memref<!tpu.dma_semaphore, #tpu.memory_space<semaphore_mem>>
        %dma_start3A_159 = arith.constant 0 : i32
        %dma_start3A_160 = tpu.memref_slice %arg10[%mul3A_2, %dma_start3A_159] : memref<10112x64xf32, #tpu.memory_space<vmem_shared>> -> memref<632x64xf32, #tpu.memory_space<vmem_shared>>
        tpu.enqueue_dma source(%arg5 : memref<632x64xf32, #tpu.memory_space<hbm>>) target(%dma_start3A_160 : memref<632x64xf32, #tpu.memory_space<vmem_shared>>) target_semaphore(%run_scoped3A_158 : memref<!tpu.dma_semaphore, #tpu.memory_space<semaphore_mem>>)
        %dma_wait3A_161 = arith.constant 0 : i32
        %dma_wait3A_162 = tpu.memref_slice %arg10[%mul3A_2, %dma_wait3A_161] : memref<10112x64xf32, #tpu.memory_space<vmem_shared>> -> memref<632x64xf32, #tpu.memory_space<vmem_shared>>
        tpu.wait_dma2 semaphore(%run_scoped3A_158 : memref<!tpu.dma_semaphore, #tpu.memory_space<semaphore_mem>>) src(%arg5 : memref<632x64xf32, #tpu.memory_space<hbm>>) dst(%dma_wait3A_162 : memref<632x64xf32, #tpu.memory_space<vmem_shared>>)
        tpu.yield
      }) : () -> ()
    } else {
    }
    %run_scoped3A = arith.constant 0 : i32
    "tpu.region"() ({
      %run_scoped3A_158 = tpu.sem_alloc : memref<!tpu.dma_semaphore, #tpu.memory_space<semaphore_mem>>
      %dma_start3A_159 = arith.constant 0 : i32
      %dma_start3A_160 = arith.constant 0 : i32
      %dma_start3A_161 = tpu.memref_slice %arg7[%dma_start3A_159, %dma_start3A_160] : memref<82x125xi32, #tpu.memory_space<vmem>> -> memref<80x125xi32, #tpu.memory_space<vmem>>
      %dma_start3A_162 = arith.constant 0 : i32
      %dma_start3A_163 = arith.constant 0 : i32
      %dma_start3A_164 = tpu.memref_slice %arg3[%run_scoped3A, %add3A, %dma_start3A_162, %dma_start3A_163] : memref<2x32x80x125xi32, #tpu.memory_space<hbm>> -> memref<1x1x80x125xi32, #tpu.memory_space<hbm>>
      %dma_start3A_165 = tpu.memref_squeeze %dma_start3A_164 : memref<1x1x80x125xi32, #tpu.memory_space<hbm>> -> memref<80x125xi32, #tpu.memory_space<hbm>>
      %dma_start3A_166 = arith.constant 0 : i32
      %dma_start3A_167 = arith.constant 0 : i32
      %dma_start3A_168 = tpu.memref_slice %arg7[%dma_start3A_166, %dma_start3A_167] : memref<82x125xi32, #tpu.memory_space<vmem>> -> memref<80x125xi32, #tpu.memory_space<vmem>>
      %dma_start3A_169 = arith.constant 0 : i32
      %dma_start3A_170 = arith.constant 0 : i32
      %dma_start3A_171 = tpu.memref_slice %arg3[%run_scoped3A, %add3A, %dma_start3A_169, %dma_start3A_170] : memref<2x32x80x125xi32, #tpu.memory_space<hbm>> -> memref<1x1x80x125xi32, #tpu.memory_space<hbm>>
      %dma_start3A_172 = tpu.memref_squeeze %dma_start3A_171 : memref<1x1x80x125xi32, #tpu.memory_space<hbm>> -> memref<80x125xi32, #tpu.memory_space<hbm>>
      tpu.enqueue_dma source(%dma_start3A_172 : memref<80x125xi32, #tpu.memory_space<hbm>>) target(%dma_start3A_168 : memref<80x125xi32, #tpu.memory_space<vmem>>) target_semaphore(%run_scoped3A_158 : memref<!tpu.dma_semaphore, #tpu.memory_space<semaphore_mem>>)
      %dma_wait3A_173 = arith.constant 0 : i32
      %dma_wait3A_174 = arith.constant 0 : i32
      %dma_wait3A_175 = tpu.memref_slice %arg7[%dma_wait3A_173, %dma_wait3A_174] : memref<82x125xi32, #tpu.memory_space<vmem>> -> memref<80x125xi32, #tpu.memory_space<vmem>>
      %dma_wait3A_176 = arith.constant 0 : i32
      %dma_wait3A_177 = arith.constant 0 : i32
      %dma_wait3A_178 = tpu.memref_slice %arg3[%run_scoped3A, %add3A, %dma_wait3A_176, %dma_wait3A_177] : memref<2x32x80x125xi32, #tpu.memory_space<hbm>> -> memref<1x1x80x125xi32, #tpu.memory_space<hbm>>
      %dma_wait3A_179 = tpu.memref_squeeze %dma_wait3A_178 : memref<1x1x80x125xi32, #tpu.memory_space<hbm>> -> memref<80x125xi32, #tpu.memory_space<hbm>>
      %dma_wait3A_180 = arith.constant 0 : i32
      %dma_wait3A_181 = arith.constant 0 : i32
      %dma_wait3A_182 = tpu.memref_slice %arg7[%dma_wait3A_180, %dma_wait3A_181] : memref<82x125xi32, #tpu.memory_space<vmem>> -> memref<80x125xi32, #tpu.memory_space<vmem>>
      %dma_wait3A_183 = arith.constant 0 : i32
      %dma_wait3A_184 = arith.constant 0 : i32
      %dma_wait3A_185 = tpu.memref_slice %arg3[%run_scoped3A, %add3A, %dma_wait3A_183, %dma_wait3A_184] : memref<2x32x80x125xi32, #tpu.memory_space<hbm>> -> memref<1x1x80x125xi32, #tpu.memory_space<hbm>>
      %dma_wait3A_186 = tpu.memref_squeeze %dma_wait3A_185 : memref<1x1x80x125xi32, #tpu.memory_space<hbm>> -> memref<80x125xi32, #tpu.memory_space<hbm>>
      tpu.wait_dma2 semaphore(%run_scoped3A_158 : memref<!tpu.dma_semaphore, #tpu.memory_space<semaphore_mem>>) src(%dma_wait3A_186 : memref<80x125xi32, #tpu.memory_space<hbm>>) dst(%dma_wait3A_182 : memref<80x125xi32, #tpu.memory_space<vmem>>)
      tpu.yield
    }) : () -> ()
    "tpu.region"() ({
      %run_scoped3A_158 = tpu.sem_alloc : memref<!tpu.dma_semaphore, #tpu.memory_space<semaphore_mem>>
      %dma_start3A_159 = arith.constant 80 : i32
      %dma_start3A_160 = arith.constant 0 : i32
      %dma_start3A_161 = tpu.memref_slice %arg7[%dma_start3A_159, %dma_start3A_160] : memref<82x125xi32, #tpu.memory_space<vmem>> -> memref<2x125xi32, #tpu.memory_space<vmem>>
      %dma_start3A_162 = arith.constant 0 : i32
      %dma_start3A_163 = arith.constant 0 : i32
      %dma_start3A_164 = tpu.memref_slice %arg4[%dma_start3A_162, %dma_start3A_163] : memref<6x125xi32, #tpu.memory_space<hbm>> -> memref<2x125xi32, #tpu.memory_space<hbm>>
      %dma_start3A_165 = arith.constant 80 : i32
      %dma_start3A_166 = arith.constant 0 : i32
      %dma_start3A_167 = tpu.memref_slice %arg7[%dma_start3A_165, %dma_start3A_166] : memref<82x125xi32, #tpu.memory_space<vmem>> -> memref<2x125xi32, #tpu.memory_space<vmem>>
      %dma_start3A_168 = arith.constant 0 : i32
      %dma_start3A_169 = arith.constant 0 : i32
      %dma_start3A_170 = tpu.memref_slice %arg4[%dma_start3A_168, %dma_start3A_169] : memref<6x125xi32, #tpu.memory_space<hbm>> -> memref<2x125xi32, #tpu.memory_space<hbm>>
      tpu.enqueue_dma source(%dma_start3A_170 : memref<2x125xi32, #tpu.memory_space<hbm>>) target(%dma_start3A_167 : memref<2x125xi32, #tpu.memory_space<vmem>>) target_semaphore(%run_scoped3A_158 : memref<!tpu.dma_semaphore, #tpu.memory_space<semaphore_mem>>)
      %dma_wait3A_171 = arith.constant 80 : i32
      %dma_wait3A_172 = arith.constant 0 : i32
      %dma_wait3A_173 = tpu.memref_slice %arg7[%dma_wait3A_171, %dma_wait3A_172] : memref<82x125xi32, #tpu.memory_space<vmem>> -> memref<2x125xi32, #tpu.memory_space<vmem>>
      %dma_wait3A_174 = arith.constant 0 : i32
      %dma_wait3A_175 = arith.constant 0 : i32
      %dma_wait3A_176 = tpu.memref_slice %arg4[%dma_wait3A_174, %dma_wait3A_175] : memref<6x125xi32, #tpu.memory_space<hbm>> -> memref<2x125xi32, #tpu.memory_space<hbm>>
      %dma_wait3A_177 = arith.constant 80 : i32
      %dma_wait3A_178 = arith.constant 0 : i32
      %dma_wait3A_179 = tpu.memref_slice %arg7[%dma_wait3A_177, %dma_wait3A_178] : memref<82x125xi32, #tpu.memory_space<vmem>> -> memref<2x125xi32, #tpu.memory_space<vmem>>
      %dma_wait3A_180 = arith.constant 0 : i32
      %dma_wait3A_181 = arith.constant 0 : i32
      %dma_wait3A_182 = tpu.memref_slice %arg4[%dma_wait3A_180, %dma_wait3A_181] : memref<6x125xi32, #tpu.memory_space<hbm>> -> memref<2x125xi32, #tpu.memory_space<hbm>>
      tpu.wait_dma2 semaphore(%run_scoped3A_158 : memref<!tpu.dma_semaphore, #tpu.memory_space<semaphore_mem>>) src(%dma_wait3A_182 : memref<2x125xi32, #tpu.memory_space<hbm>>) dst(%dma_wait3A_179 : memref<2x125xi32, #tpu.memory_space<vmem>>)
      tpu.yield
    }) : () -> ()
    %run_scoped3A_9 = arith.constant 1 : i32
    "tpu.region"() ({
      %run_scoped3A_158 = tpu.sem_alloc : memref<!tpu.dma_semaphore, #tpu.memory_space<semaphore_mem>>
      %dma_start3A_159 = arith.constant 0 : i32
      %dma_start3A_160 = arith.constant 0 : i32
      %dma_start3A_161 = tpu.memref_slice %arg3[%run_scoped3A_9, %add3A, %dma_start3A_159, %dma_start3A_160] : memref<2x32x80x125xi32, #tpu.memory_space<hbm>> -> memref<1x1x80x125xi32, #tpu.memory_space<hbm>>
      %dma_start3A_162 = tpu.memref_squeeze %dma_start3A_161 : memref<1x1x80x125xi32, #tpu.memory_space<hbm>> -> memref<80x125xi32, #tpu.memory_space<hbm>>
      %dma_start3A_163 = arith.constant 0 : i32
      %dma_start3A_164 = arith.constant 0 : i32
      %dma_start3A_165 = tpu.memref_slice %arg3[%run_scoped3A_9, %add3A, %dma_start3A_163, %dma_start3A_164] : memref<2x32x80x125xi32, #tpu.memory_space<hbm>> -> memref<1x1x80x125xi32, #tpu.memory_space<hbm>>
      %dma_start3A_166 = tpu.memref_squeeze %dma_start3A_165 : memref<1x1x80x125xi32, #tpu.memory_space<hbm>> -> memref<80x125xi32, #tpu.memory_space<hbm>>
      tpu.enqueue_dma source(%dma_start3A_166 : memref<80x125xi32, #tpu.memory_space<hbm>>) target(%arg8 : memref<80x125xi32, #tpu.memory_space<vmem>>) target_semaphore(%run_scoped3A_158 : memref<!tpu.dma_semaphore, #tpu.memory_space<semaphore_mem>>)
      %dma_wait3A_167 = arith.constant 0 : i32
      %dma_wait3A_168 = arith.constant 0 : i32
      %dma_wait3A_169 = tpu.memref_slice %arg3[%run_scoped3A_9, %add3A, %dma_wait3A_167, %dma_wait3A_168] : memref<2x32x80x125xi32, #tpu.memory_space<hbm>> -> memref<1x1x80x125xi32, #tpu.memory_space<hbm>>
      %dma_wait3A_170 = tpu.memref_squeeze %dma_wait3A_169 : memref<1x1x80x125xi32, #tpu.memory_space<hbm>> -> memref<80x125xi32, #tpu.memory_space<hbm>>
      %dma_wait3A_171 = arith.constant 0 : i32
      %dma_wait3A_172 = arith.constant 0 : i32
      %dma_wait3A_173 = tpu.memref_slice %arg3[%run_scoped3A_9, %add3A, %dma_wait3A_171, %dma_wait3A_172] : memref<2x32x80x125xi32, #tpu.memory_space<hbm>> -> memref<1x1x80x125xi32, #tpu.memory_space<hbm>>
      %dma_wait3A_174 = tpu.memref_squeeze %dma_wait3A_173 : memref<1x1x80x125xi32, #tpu.memory_space<hbm>> -> memref<80x125xi32, #tpu.memory_space<hbm>>
      tpu.wait_dma2 semaphore(%run_scoped3A_158 : memref<!tpu.dma_semaphore, #tpu.memory_space<semaphore_mem>>) src(%dma_wait3A_174 : memref<80x125xi32, #tpu.memory_space<hbm>>) dst(%arg8 : memref<80x125xi32, #tpu.memory_space<vmem>>)
      tpu.yield
    }) : () -> ()
    %barrier3A = arith.constant 0 : index
    tpu.barrier barrier_id(%barrier3A)
    %dma_start3A = arith.constant 0 : i32
    %dma_start3A_10 = arith.constant 0 : i32
    %dma_start3A_11 = arith.constant 0 : i32
    %dma_start3A_12 = arith.constant 0 : i32
    %dma_start3A_13 = tpu.memref_slice %arg9[%dma_start3A_10, %dma_start3A_11, %dma_start3A_12] : memref<4x125x64xf32, #tpu.memory_space<vmem>> -> memref<1x125x64xf32, #tpu.memory_space<vmem>>
    %dma_start3A_14 = tpu.memref_squeeze %dma_start3A_13 : memref<1x125x64xf32, #tpu.memory_space<vmem>> -> memref<125x64xf32, #tpu.memory_space<vmem>>
    %dma_start3A_15 = arith.constant 0 : i32
    %dma_start3A_16 = tpu.memref_slice %arg7[%dma_start3A, %dma_start3A_15] : memref<82x125xi32, #tpu.memory_space<vmem>> -> memref<1x125xi32, #tpu.memory_space<vmem>>
    %dma_start3A_17 = tpu.memref_squeeze %dma_start3A_16 : memref<1x125xi32, #tpu.memory_space<vmem>> -> memref<125xi32, #tpu.memory_space<vmem>>
    %dma_start3A_18 = arith.constant 0 : i32
    %dma_start3A_19 = arith.constant 0 : i32
    %dma_start3A_20 = tpu.memref_slice %arg2[%dma_start3A_18, %dma_start3A_19] : memref<10112x64xf32, #tpu.memory_space<hbm>> -> memref<10112x64xf32, #tpu.memory_space<hbm>>
    tpu.enqueue_indirect_dma source(%dma_start3A_20 : memref<10112x64xf32, #tpu.memory_space<hbm>>) target(%dma_start3A_14 : memref<125x64xf32, #tpu.memory_space<vmem>>) offsets(%dma_start3A_17 : memref<125xi32, #tpu.memory_space<vmem>>) semaphore(%arg11 : memref<!tpu.dma_semaphore, #tpu.memory_space<semaphore_mem>>)
    %dma_start3A_21 = arith.constant 1 : i32
    %dma_start3A_22 = arith.constant 1 : i32
    %dma_start3A_23 = arith.constant 0 : i32
    %dma_start3A_24 = arith.constant 0 : i32
    %dma_start3A_25 = tpu.memref_slice %arg9[%dma_start3A_22, %dma_start3A_23, %dma_start3A_24] : memref<4x125x64xf32, #tpu.memory_space<vmem>> -> memref<1x125x64xf32, #tpu.memory_space<vmem>>
    %dma_start3A_26 = tpu.memref_squeeze %dma_start3A_25 : memref<1x125x64xf32, #tpu.memory_space<vmem>> -> memref<125x64xf32, #tpu.memory_space<vmem>>
    %dma_start3A_27 = arith.constant 0 : i32
    %dma_start3A_28 = tpu.memref_slice %arg7[%dma_start3A_21, %dma_start3A_27] : memref<82x125xi32, #tpu.memory_space<vmem>> -> memref<1x125xi32, #tpu.memory_space<vmem>>
    %dma_start3A_29 = tpu.memref_squeeze %dma_start3A_28 : memref<1x125xi32, #tpu.memory_space<vmem>> -> memref<125xi32, #tpu.memory_space<vmem>>
    %dma_start3A_30 = arith.constant 0 : i32
    %dma_start3A_31 = arith.constant 0 : i32
    %dma_start3A_32 = tpu.memref_slice %arg2[%dma_start3A_30, %dma_start3A_31] : memref<10112x64xf32, #tpu.memory_space<hbm>> -> memref<10112x64xf32, #tpu.memory_space<hbm>>
    tpu.enqueue_indirect_dma source(%dma_start3A_32 : memref<10112x64xf32, #tpu.memory_space<hbm>>) target(%dma_start3A_26 : memref<125x64xf32, #tpu.memory_space<vmem>>) offsets(%dma_start3A_29 : memref<125xi32, #tpu.memory_space<vmem>>) semaphore(%arg11 : memref<!tpu.dma_semaphore, #tpu.memory_space<semaphore_mem>>)
    %dma_wait3A = arith.constant 0 : i32
    %dma_wait3A_33 = arith.constant 0 : i32
    %dma_wait3A_34 = arith.constant 0 : i32
    %dma_wait3A_35 = arith.constant 0 : i32
    %dma_wait3A_36 = tpu.memref_slice %arg9[%dma_wait3A_33, %dma_wait3A_34, %dma_wait3A_35] : memref<4x125x64xf32, #tpu.memory_space<vmem>> -> memref<1x125x64xf32, #tpu.memory_space<vmem>>
    %dma_wait3A_37 = tpu.memref_squeeze %dma_wait3A_36 : memref<1x125x64xf32, #tpu.memory_space<vmem>> -> memref<125x64xf32, #tpu.memory_space<vmem>>
    %dma_wait3A_38 = arith.constant 0 : i32
    %dma_wait3A_39 = tpu.memref_slice %arg7[%dma_wait3A, %dma_wait3A_38] : memref<82x125xi32, #tpu.memory_space<vmem>> -> memref<1x125xi32, #tpu.memory_space<vmem>>
    %dma_wait3A_40 = tpu.memref_squeeze %dma_wait3A_39 : memref<1x125xi32, #tpu.memory_space<vmem>> -> memref<125xi32, #tpu.memory_space<vmem>>
    %dma_wait3A_41 = arith.constant 0 : i32
    %dma_wait3A_42 = arith.constant 0 : i32
    %dma_wait3A_43 = tpu.memref_slice %arg2[%dma_wait3A_41, %dma_wait3A_42] : memref<10112x64xf32, #tpu.memory_space<hbm>> -> memref<10112x64xf32, #tpu.memory_space<hbm>>
    tpu.wait_indirect_dma semaphore(%arg11 : memref<!tpu.dma_semaphore, #tpu.memory_space<semaphore_mem>>) src(%dma_wait3A_43 : memref<10112x64xf32, #tpu.memory_space<hbm>>) dst(%dma_wait3A_37 : memref<125x64xf32, #tpu.memory_space<vmem>>)
    %dma_start3A_44 = arith.constant 0 : i32
    %dma_start3A_45 = arith.constant 0 : i32
    %dma_start3A_46 = arith.constant 0 : i32
    %dma_start3A_47 = arith.constant 0 : i32
    %dma_start3A_48 = tpu.memref_slice %arg9[%dma_start3A_44, %dma_start3A_46, %dma_start3A_47] : memref<4x125x64xf32, #tpu.memory_space<vmem>> -> memref<1x125x64xf32, #tpu.memory_space<vmem>>
    %dma_start3A_49 = tpu.memref_squeeze %dma_start3A_48 : memref<1x125x64xf32, #tpu.memory_space<vmem>> -> memref<125x64xf32, #tpu.memory_space<vmem>>
    %dma_start3A_50 = arith.constant 0 : i32
    %dma_start3A_51 = tpu.memref_slice %arg8[%dma_start3A_45, %dma_start3A_50] : memref<80x125xi32, #tpu.memory_space<vmem>> -> memref<1x125xi32, #tpu.memory_space<vmem>>
    %dma_start3A_52 = tpu.memref_squeeze %dma_start3A_51 : memref<1x125xi32, #tpu.memory_space<vmem>> -> memref<125xi32, #tpu.memory_space<vmem>>
    %dma_start3A_53 = arith.constant 0 : i32
    %dma_start3A_54 = arith.constant 0 : i32
    %dma_start3A_55 = tpu.memref_slice %arg10[%dma_start3A_53, %dma_start3A_54] : memref<10112x64xf32, #tpu.memory_space<vmem_shared>> -> memref<10112x64xf32, #tpu.memory_space<vmem_shared>>
    tpu.enqueue_indirect_dma source(%dma_start3A_49 : memref<125x64xf32, #tpu.memory_space<vmem>>) target(%dma_start3A_55 : memref<10112x64xf32, #tpu.memory_space<vmem_shared>>) offsets(%dma_start3A_52 : memref<125xi32, #tpu.memory_space<vmem>>) semaphore(%arg12 : memref<!tpu.dma_semaphore, #tpu.memory_space<semaphore_mem>>) {add = true}
    %dma_start3A_56 = arith.constant 2 : i32
    %dma_start3A_57 = arith.constant 2 : i32
    %dma_start3A_58 = arith.constant 0 : i32
    %dma_start3A_59 = arith.constant 0 : i32
    %dma_start3A_60 = tpu.memref_slice %arg9[%dma_start3A_57, %dma_start3A_58, %dma_start3A_59] : memref<4x125x64xf32, #tpu.memory_space<vmem>> -> memref<1x125x64xf32, #tpu.memory_space<vmem>>
    %dma_start3A_61 = tpu.memref_squeeze %dma_start3A_60 : memref<1x125x64xf32, #tpu.memory_space<vmem>> -> memref<125x64xf32, #tpu.memory_space<vmem>>
    %dma_start3A_62 = arith.constant 0 : i32
    %dma_start3A_63 = tpu.memref_slice %arg7[%dma_start3A_56, %dma_start3A_62] : memref<82x125xi32, #tpu.memory_space<vmem>> -> memref<1x125xi32, #tpu.memory_space<vmem>>
    %dma_start3A_64 = tpu.memref_squeeze %dma_start3A_63 : memref<1x125xi32, #tpu.memory_space<vmem>> -> memref<125xi32, #tpu.memory_space<vmem>>
    %dma_start3A_65 = arith.constant 0 : i32
    %dma_start3A_66 = arith.constant 0 : i32
    %dma_start3A_67 = tpu.memref_slice %arg2[%dma_start3A_65, %dma_start3A_66] : memref<10112x64xf32, #tpu.memory_space<hbm>> -> memref<10112x64xf32, #tpu.memory_space<hbm>>
    tpu.enqueue_indirect_dma source(%dma_start3A_67 : memref<10112x64xf32, #tpu.memory_space<hbm>>) target(%dma_start3A_61 : memref<125x64xf32, #tpu.memory_space<vmem>>) offsets(%dma_start3A_64 : memref<125xi32, #tpu.memory_space<vmem>>) semaphore(%arg11 : memref<!tpu.dma_semaphore, #tpu.memory_space<semaphore_mem>>)
    %dma_wait3A_68 = arith.constant 1 : i32
    %dma_wait3A_69 = arith.constant 1 : i32
    %dma_wait3A_70 = arith.constant 0 : i32
    %dma_wait3A_71 = arith.constant 0 : i32
    %dma_wait3A_72 = tpu.memref_slice %arg9[%dma_wait3A_69, %dma_wait3A_70, %dma_wait3A_71] : memref<4x125x64xf32, #tpu.memory_space<vmem>> -> memref<1x125x64xf32, #tpu.memory_space<vmem>>
    %dma_wait3A_73 = tpu.memref_squeeze %dma_wait3A_72 : memref<1x125x64xf32, #tpu.memory_space<vmem>> -> memref<125x64xf32, #tpu.memory_space<vmem>>
    %dma_wait3A_74 = arith.constant 0 : i32
    %dma_wait3A_75 = tpu.memref_slice %arg7[%dma_wait3A_68, %dma_wait3A_74] : memref<82x125xi32, #tpu.memory_space<vmem>> -> memref<1x125xi32, #tpu.memory_space<vmem>>
    %dma_wait3A_76 = tpu.memref_squeeze %dma_wait3A_75 : memref<1x125xi32, #tpu.memory_space<vmem>> -> memref<125xi32, #tpu.memory_space<vmem>>
    %dma_wait3A_77 = arith.constant 0 : i32
    %dma_wait3A_78 = arith.constant 0 : i32
    %dma_wait3A_79 = tpu.memref_slice %arg2[%dma_wait3A_77, %dma_wait3A_78] : memref<10112x64xf32, #tpu.memory_space<hbm>> -> memref<10112x64xf32, #tpu.memory_space<hbm>>
    tpu.wait_indirect_dma semaphore(%arg11 : memref<!tpu.dma_semaphore, #tpu.memory_space<semaphore_mem>>) src(%dma_wait3A_79 : memref<10112x64xf32, #tpu.memory_space<hbm>>) dst(%dma_wait3A_73 : memref<125x64xf32, #tpu.memory_space<vmem>>)
    %dma_start3A_80 = arith.constant 1 : i32
    %dma_start3A_81 = arith.constant 1 : i32
    %dma_start3A_82 = arith.constant 0 : i32
    %dma_start3A_83 = arith.constant 0 : i32
    %dma_start3A_84 = tpu.memref_slice %arg9[%dma_start3A_80, %dma_start3A_82, %dma_start3A_83] : memref<4x125x64xf32, #tpu.memory_space<vmem>> -> memref<1x125x64xf32, #tpu.memory_space<vmem>>
    %dma_start3A_85 = tpu.memref_squeeze %dma_start3A_84 : memref<1x125x64xf32, #tpu.memory_space<vmem>> -> memref<125x64xf32, #tpu.memory_space<vmem>>
    %dma_start3A_86 = arith.constant 0 : i32
    %dma_start3A_87 = tpu.memref_slice %arg8[%dma_start3A_81, %dma_start3A_86] : memref<80x125xi32, #tpu.memory_space<vmem>> -> memref<1x125xi32, #tpu.memory_space<vmem>>
    %dma_start3A_88 = tpu.memref_squeeze %dma_start3A_87 : memref<1x125xi32, #tpu.memory_space<vmem>> -> memref<125xi32, #tpu.memory_space<vmem>>
    %dma_start3A_89 = arith.constant 0 : i32
    %dma_start3A_90 = arith.constant 0 : i32
    %dma_start3A_91 = tpu.memref_slice %arg10[%dma_start3A_89, %dma_start3A_90] : memref<10112x64xf32, #tpu.memory_space<vmem_shared>> -> memref<10112x64xf32, #tpu.memory_space<vmem_shared>>
    tpu.enqueue_indirect_dma source(%dma_start3A_85 : memref<125x64xf32, #tpu.memory_space<vmem>>) target(%dma_start3A_91 : memref<10112x64xf32, #tpu.memory_space<vmem_shared>>) offsets(%dma_start3A_88 : memref<125xi32, #tpu.memory_space<vmem>>) semaphore(%arg12 : memref<!tpu.dma_semaphore, #tpu.memory_space<semaphore_mem>>) {add = true}
    %dma_start3A_92 = arith.constant 3 : i32
    %dma_start3A_93 = arith.constant 3 : i32
    %dma_start3A_94 = arith.constant 0 : i32
    %dma_start3A_95 = arith.constant 0 : i32
    %dma_start3A_96 = tpu.memref_slice %arg9[%dma_start3A_93, %dma_start3A_94, %dma_start3A_95] : memref<4x125x64xf32, #tpu.memory_space<vmem>> -> memref<1x125x64xf32, #tpu.memory_space<vmem>>
    %dma_start3A_97 = tpu.memref_squeeze %dma_start3A_96 : memref<1x125x64xf32, #tpu.memory_space<vmem>> -> memref<125x64xf32, #tpu.memory_space<vmem>>
    %dma_start3A_98 = arith.constant 0 : i32
    %dma_start3A_99 = tpu.memref_slice %arg7[%dma_start3A_92, %dma_start3A_98] : memref<82x125xi32, #tpu.memory_space<vmem>> -> memref<1x125xi32, #tpu.memory_space<vmem>>
    %dma_start3A_100 = tpu.memref_squeeze %dma_start3A_99 : memref<1x125xi32, #tpu.memory_space<vmem>> -> memref<125xi32, #tpu.memory_space<vmem>>
    %dma_start3A_101 = arith.constant 0 : i32
    %dma_start3A_102 = arith.constant 0 : i32
    %dma_start3A_103 = tpu.memref_slice %arg2[%dma_start3A_101, %dma_start3A_102] : memref<10112x64xf32, #tpu.memory_space<hbm>> -> memref<10112x64xf32, #tpu.memory_space<hbm>>
    tpu.enqueue_indirect_dma source(%dma_start3A_103 : memref<10112x64xf32, #tpu.memory_space<hbm>>) target(%dma_start3A_97 : memref<125x64xf32, #tpu.memory_space<vmem>>) offsets(%dma_start3A_100 : memref<125xi32, #tpu.memory_space<vmem>>) semaphore(%arg11 : memref<!tpu.dma_semaphore, #tpu.memory_space<semaphore_mem>>)
    %scan3A = arith.constant 0 : i32
    %scan3A_104 = arith.constant 2 : i32
    %scan3A_105 = arith.constant 78 : i32
    %scan3A_106 = arith.addi %scan3A_104, %scan3A_105 : i32
    %scan3A_107 = arith.constant 1 : i32
    scf.for %scan3A_158 = %scan3A_104 to %scan3A_106 step %scan3A_107  : i32 {
      %and3A = arith.constant 3 : i32
      %and3A_159 = arith.andi %scan3A_158, %and3A : i32
      %add3A_160 = arith.constant 2 : i32
      %add3A_161 = arith.addi %scan3A_158, %add3A_160 : i32
      %and3A_162 = arith.constant 3 : i32
      %and3A_163 = arith.andi %add3A_161, %and3A_162 : i32
      %dma_wait3A_164 = arith.constant 0 : i32
      %dma_wait3A_165 = arith.constant 0 : i32
      %dma_wait3A_166 = tpu.memref_slice %arg9[%and3A_159, %dma_wait3A_164, %dma_wait3A_165] : memref<4x125x64xf32, #tpu.memory_space<vmem>> -> memref<1x125x64xf32, #tpu.memory_space<vmem>>
      %dma_wait3A_167 = tpu.memref_squeeze %dma_wait3A_166 : memref<1x125x64xf32, #tpu.memory_space<vmem>> -> memref<125x64xf32, #tpu.memory_space<vmem>>
      %dma_wait3A_168 = arith.constant 0 : i32
      %dma_wait3A_169 = tpu.memref_slice %arg7[%scan3A_158, %dma_wait3A_168] : memref<82x125xi32, #tpu.memory_space<vmem>> -> memref<1x125xi32, #tpu.memory_space<vmem>>
      %dma_wait3A_170 = tpu.memref_squeeze %dma_wait3A_169 : memref<1x125xi32, #tpu.memory_space<vmem>> -> memref<125xi32, #tpu.memory_space<vmem>>
      %dma_wait3A_171 = arith.constant 0 : i32
      %dma_wait3A_172 = arith.constant 0 : i32
      %dma_wait3A_173 = tpu.memref_slice %arg2[%dma_wait3A_171, %dma_wait3A_172] : memref<10112x64xf32, #tpu.memory_space<hbm>> -> memref<10112x64xf32, #tpu.memory_space<hbm>>
      tpu.wait_indirect_dma semaphore(%arg11 : memref<!tpu.dma_semaphore, #tpu.memory_space<semaphore_mem>>) src(%dma_wait3A_173 : memref<10112x64xf32, #tpu.memory_space<hbm>>) dst(%dma_wait3A_167 : memref<125x64xf32, #tpu.memory_space<vmem>>)
      %dma_start3A_174 = arith.constant 0 : i32
      %dma_start3A_175 = arith.constant 0 : i32
      %dma_start3A_176 = tpu.memref_slice %arg9[%and3A_159, %dma_start3A_174, %dma_start3A_175] : memref<4x125x64xf32, #tpu.memory_space<vmem>> -> memref<1x125x64xf32, #tpu.memory_space<vmem>>
      %dma_start3A_177 = tpu.memref_squeeze %dma_start3A_176 : memref<1x125x64xf32, #tpu.memory_space<vmem>> -> memref<125x64xf32, #tpu.memory_space<vmem>>
      %dma_start3A_178 = arith.constant 0 : i32
      %dma_start3A_179 = tpu.memref_slice %arg8[%scan3A_158, %dma_start3A_178] : memref<80x125xi32, #tpu.memory_space<vmem>> -> memref<1x125xi32, #tpu.memory_space<vmem>>
      %dma_start3A_180 = tpu.memref_squeeze %dma_start3A_179 : memref<1x125xi32, #tpu.memory_space<vmem>> -> memref<125xi32, #tpu.memory_space<vmem>>
      %dma_start3A_181 = arith.constant 0 : i32
      %dma_start3A_182 = arith.constant 0 : i32
      %dma_start3A_183 = tpu.memref_slice %arg10[%dma_start3A_181, %dma_start3A_182] : memref<10112x64xf32, #tpu.memory_space<vmem_shared>> -> memref<10112x64xf32, #tpu.memory_space<vmem_shared>>
      tpu.enqueue_indirect_dma source(%dma_start3A_177 : memref<125x64xf32, #tpu.memory_space<vmem>>) target(%dma_start3A_183 : memref<10112x64xf32, #tpu.memory_space<vmem_shared>>) offsets(%dma_start3A_180 : memref<125xi32, #tpu.memory_space<vmem>>) semaphore(%arg12 : memref<!tpu.dma_semaphore, #tpu.memory_space<semaphore_mem>>) {add = true}
      %sub3A = arith.constant 2 : i32
      %sub3A_184 = arith.subi %scan3A_158, %sub3A : i32
      %dma_wait3A_185 = arith.constant 0 : i32
      %dma_wait3A_186 = arith.constant 0 : i32
      %dma_wait3A_187 = tpu.memref_slice %arg9[%and3A_163, %dma_wait3A_185, %dma_wait3A_186] : memref<4x125x64xf32, #tpu.memory_space<vmem>> -> memref<1x125x64xf32, #tpu.memory_space<vmem>>
      %dma_wait3A_188 = tpu.memref_squeeze %dma_wait3A_187 : memref<1x125x64xf32, #tpu.memory_space<vmem>> -> memref<125x64xf32, #tpu.memory_space<vmem>>
      %dma_wait3A_189 = arith.constant 0 : i32
      %dma_wait3A_190 = tpu.memref_slice %arg8[%sub3A_184, %dma_wait3A_189] : memref<80x125xi32, #tpu.memory_space<vmem>> -> memref<1x125xi32, #tpu.memory_space<vmem>>
      %dma_wait3A_191 = tpu.memref_squeeze %dma_wait3A_190 : memref<1x125xi32, #tpu.memory_space<vmem>> -> memref<125xi32, #tpu.memory_space<vmem>>
      %dma_wait3A_192 = arith.constant 0 : i32
      %dma_wait3A_193 = arith.constant 0 : i32
      %dma_wait3A_194 = tpu.memref_slice %arg10[%dma_wait3A_192, %dma_wait3A_193] : memref<10112x64xf32, #tpu.memory_space<vmem_shared>> -> memref<10112x64xf32, #tpu.memory_space<vmem_shared>>
      tpu.wait_indirect_dma semaphore(%arg12 : memref<!tpu.dma_semaphore, #tpu.memory_space<semaphore_mem>>) src(%dma_wait3A_188 : memref<125x64xf32, #tpu.memory_space<vmem>>) dst(%dma_wait3A_194 : memref<10112x64xf32, #tpu.memory_space<vmem_shared>>)
      %add3A_195 = arith.constant 2 : i32
      %add3A_196 = arith.addi %scan3A_158, %add3A_195 : i32
      %dma_start3A_197 = arith.constant 0 : i32
      %dma_start3A_198 = arith.constant 0 : i32
      %dma_start3A_199 = tpu.memref_slice %arg9[%and3A_163, %dma_start3A_197, %dma_start3A_198] : memref<4x125x64xf32, #tpu.memory_space<vmem>> -> memref<1x125x64xf32, #tpu.memory_space<vmem>>
      %dma_start3A_200 = tpu.memref_squeeze %dma_start3A_199 : memref<1x125x64xf32, #tpu.memory_space<vmem>> -> memref<125x64xf32, #tpu.memory_space<vmem>>
      %dma_start3A_201 = arith.constant 0 : i32
      %dma_start3A_202 = tpu.memref_slice %arg7[%add3A_196, %dma_start3A_201] : memref<82x125xi32, #tpu.memory_space<vmem>> -> memref<1x125xi32, #tpu.memory_space<vmem>>
      %dma_start3A_203 = tpu.memref_squeeze %dma_start3A_202 : memref<1x125xi32, #tpu.memory_space<vmem>> -> memref<125xi32, #tpu.memory_space<vmem>>
      %dma_start3A_204 = arith.constant 0 : i32
      %dma_start3A_205 = arith.constant 0 : i32
      %dma_start3A_206 = tpu.memref_slice %arg2[%dma_start3A_204, %dma_start3A_205] : memref<10112x64xf32, #tpu.memory_space<hbm>> -> memref<10112x64xf32, #tpu.memory_space<hbm>>
      tpu.enqueue_indirect_dma source(%dma_start3A_206 : memref<10112x64xf32, #tpu.memory_space<hbm>>) target(%dma_start3A_200 : memref<125x64xf32, #tpu.memory_space<vmem>>) offsets(%dma_start3A_203 : memref<125xi32, #tpu.memory_space<vmem>>) semaphore(%arg11 : memref<!tpu.dma_semaphore, #tpu.memory_space<semaphore_mem>>)
    }
    %scan3A_108 = arith.constant 78 : i32
    %dma_wait3A_109 = arith.constant 2 : i32
    %dma_wait3A_110 = arith.constant 78 : i32
    %dma_wait3A_111 = arith.constant 0 : i32
    %dma_wait3A_112 = arith.constant 0 : i32
    %dma_wait3A_113 = tpu.memref_slice %arg9[%dma_wait3A_109, %dma_wait3A_111, %dma_wait3A_112] : memref<4x125x64xf32, #tpu.memory_space<vmem>> -> memref<1x125x64xf32, #tpu.memory_space<vmem>>
    %dma_wait3A_114 = tpu.memref_squeeze %dma_wait3A_113 : memref<1x125x64xf32, #tpu.memory_space<vmem>> -> memref<125x64xf32, #tpu.memory_space<vmem>>
    %dma_wait3A_115 = arith.constant 0 : i32
    %dma_wait3A_116 = tpu.memref_slice %arg8[%dma_wait3A_110, %dma_wait3A_115] : memref<80x125xi32, #tpu.memory_space<vmem>> -> memref<1x125xi32, #tpu.memory_space<vmem>>
    %dma_wait3A_117 = tpu.memref_squeeze %dma_wait3A_116 : memref<1x125xi32, #tpu.memory_space<vmem>> -> memref<125xi32, #tpu.memory_space<vmem>>
    %dma_wait3A_118 = arith.constant 0 : i32
    %dma_wait3A_119 = arith.constant 0 : i32
    %dma_wait3A_120 = tpu.memref_slice %arg10[%dma_wait3A_118, %dma_wait3A_119] : memref<10112x64xf32, #tpu.memory_space<vmem_shared>> -> memref<10112x64xf32, #tpu.memory_space<vmem_shared>>
    tpu.wait_indirect_dma semaphore(%arg12 : memref<!tpu.dma_semaphore, #tpu.memory_space<semaphore_mem>>) src(%dma_wait3A_114 : memref<125x64xf32, #tpu.memory_space<vmem>>) dst(%dma_wait3A_120 : memref<10112x64xf32, #tpu.memory_space<vmem_shared>>)
    %dma_wait3A_121 = arith.constant 3 : i32
    %dma_wait3A_122 = arith.constant 79 : i32
    %dma_wait3A_123 = arith.constant 0 : i32
    %dma_wait3A_124 = arith.constant 0 : i32
    %dma_wait3A_125 = tpu.memref_slice %arg9[%dma_wait3A_121, %dma_wait3A_123, %dma_wait3A_124] : memref<4x125x64xf32, #tpu.memory_space<vmem>> -> memref<1x125x64xf32, #tpu.memory_space<vmem>>
    %dma_wait3A_126 = tpu.memref_squeeze %dma_wait3A_125 : memref<1x125x64xf32, #tpu.memory_space<vmem>> -> memref<125x64xf32, #tpu.memory_space<vmem>>
    %dma_wait3A_127 = arith.constant 0 : i32
    %dma_wait3A_128 = tpu.memref_slice %arg8[%dma_wait3A_122, %dma_wait3A_127] : memref<80x125xi32, #tpu.memory_space<vmem>> -> memref<1x125xi32, #tpu.memory_space<vmem>>
    %dma_wait3A_129 = tpu.memref_squeeze %dma_wait3A_128 : memref<1x125xi32, #tpu.memory_space<vmem>> -> memref<125xi32, #tpu.memory_space<vmem>>
    %dma_wait3A_130 = arith.constant 0 : i32
    %dma_wait3A_131 = arith.constant 0 : i32
    %dma_wait3A_132 = tpu.memref_slice %arg10[%dma_wait3A_130, %dma_wait3A_131] : memref<10112x64xf32, #tpu.memory_space<vmem_shared>> -> memref<10112x64xf32, #tpu.memory_space<vmem_shared>>
    tpu.wait_indirect_dma semaphore(%arg12 : memref<!tpu.dma_semaphore, #tpu.memory_space<semaphore_mem>>) src(%dma_wait3A_126 : memref<125x64xf32, #tpu.memory_space<vmem>>) dst(%dma_wait3A_132 : memref<10112x64xf32, #tpu.memory_space<vmem_shared>>)
    %dma_wait3A_133 = arith.constant 80 : i32
    %dma_wait3A_134 = arith.constant 0 : i32
    %dma_wait3A_135 = arith.constant 0 : i32
    %dma_wait3A_136 = arith.constant 0 : i32
    %dma_wait3A_137 = tpu.memref_slice %arg9[%dma_wait3A_134, %dma_wait3A_135, %dma_wait3A_136] : memref<4x125x64xf32, #tpu.memory_space<vmem>> -> memref<1x125x64xf32, #tpu.memory_space<vmem>>
    %dma_wait3A_138 = tpu.memref_squeeze %dma_wait3A_137 : memref<1x125x64xf32, #tpu.memory_space<vmem>> -> memref<125x64xf32, #tpu.memory_space<vmem>>
    %dma_wait3A_139 = arith.constant 0 : i32
    %dma_wait3A_140 = tpu.memref_slice %arg7[%dma_wait3A_133, %dma_wait3A_139] : memref<82x125xi32, #tpu.memory_space<vmem>> -> memref<1x125xi32, #tpu.memory_space<vmem>>
    %dma_wait3A_141 = tpu.memref_squeeze %dma_wait3A_140 : memref<1x125xi32, #tpu.memory_space<vmem>> -> memref<125xi32, #tpu.memory_space<vmem>>
    %dma_wait3A_142 = arith.constant 0 : i32
    %dma_wait3A_143 = arith.constant 0 : i32
    %dma_wait3A_144 = tpu.memref_slice %arg2[%dma_wait3A_142, %dma_wait3A_143] : memref<10112x64xf32, #tpu.memory_space<hbm>> -> memref<10112x64xf32, #tpu.memory_space<hbm>>
    tpu.wait_indirect_dma semaphore(%arg11 : memref<!tpu.dma_semaphore, #tpu.memory_space<semaphore_mem>>) src(%dma_wait3A_144 : memref<10112x64xf32, #tpu.memory_space<hbm>>) dst(%dma_wait3A_138 : memref<125x64xf32, #tpu.memory_space<vmem>>)
    %dma_wait3A_145 = arith.constant 81 : i32
    %dma_wait3A_146 = arith.constant 1 : i32
    %dma_wait3A_147 = arith.constant 0 : i32
    %dma_wait3A_148 = arith.constant 0 : i32
    %dma_wait3A_149 = tpu.memref_slice %arg9[%dma_wait3A_146, %dma_wait3A_147, %dma_wait3A_148] : memref<4x125x64xf32, #tpu.memory_space<vmem>> -> memref<1x125x64xf32, #tpu.memory_space<vmem>>
    %dma_wait3A_150 = tpu.memref_squeeze %dma_wait3A_149 : memref<1x125x64xf32, #tpu.memory_space<vmem>> -> memref<125x64xf32, #tpu.memory_space<vmem>>
    %dma_wait3A_151 = arith.constant 0 : i32
    %dma_wait3A_152 = tpu.memref_slice %arg7[%dma_wait3A_145, %dma_wait3A_151] : memref<82x125xi32, #tpu.memory_space<vmem>> -> memref<1x125xi32, #tpu.memory_space<vmem>>
    %dma_wait3A_153 = tpu.memref_squeeze %dma_wait3A_152 : memref<1x125xi32, #tpu.memory_space<vmem>> -> memref<125xi32, #tpu.memory_space<vmem>>
    %dma_wait3A_154 = arith.constant 0 : i32
    %dma_wait3A_155 = arith.constant 0 : i32
    %dma_wait3A_156 = tpu.memref_slice %arg2[%dma_wait3A_154, %dma_wait3A_155] : memref<10112x64xf32, #tpu.memory_space<hbm>> -> memref<10112x64xf32, #tpu.memory_space<hbm>>
    tpu.wait_indirect_dma semaphore(%arg11 : memref<!tpu.dma_semaphore, #tpu.memory_space<semaphore_mem>>) src(%dma_wait3A_156 : memref<10112x64xf32, #tpu.memory_space<hbm>>) dst(%dma_wait3A_150 : memref<125x64xf32, #tpu.memory_space<vmem>>)
    %barrier3A_157 = arith.constant 0 : index
    tpu.barrier barrier_id(%barrier3A_157)
    "tpu.region"() ({
      %run_scoped3A_158 = tpu.sem_alloc : memref<!tpu.dma_semaphore, #tpu.memory_space<semaphore_mem>>
      %dma_start3A_159 = arith.constant 0 : i32
      %dma_start3A_160 = tpu.memref_slice %arg6[%arg0, %mul3A_2, %dma_start3A_159] : memref<2x10112x64xf32, #tpu.memory_space<hbm>> -> memref<1x632x64xf32, #tpu.memory_space<hbm>>
      %dma_start3A_161 = tpu.memref_squeeze %dma_start3A_160 : memref<1x632x64xf32, #tpu.memory_space<hbm>> -> memref<632x64xf32, #tpu.memory_space<hbm>>
      %dma_start3A_162 = arith.constant 0 : i32
      %dma_start3A_163 = tpu.memref_slice %arg10[%mul3A_2, %dma_start3A_162] : memref<10112x64xf32, #tpu.memory_space<vmem_shared>> -> memref<632x64xf32, #tpu.memory_space<vmem_shared>>
      tpu.enqueue_dma source(%dma_start3A_163 : memref<632x64xf32, #tpu.memory_space<vmem_shared>>) target(%dma_start3A_161 : memref<632x64xf32, #tpu.memory_space<hbm>>) target_semaphore(%run_scoped3A_158 : memref<!tpu.dma_semaphore, #tpu.memory_space<semaphore_mem>>)
      %dma_wait3A_164 = arith.constant 0 : i32
      %dma_wait3A_165 = tpu.memref_slice %arg6[%arg0, %mul3A_2, %dma_wait3A_164] : memref<2x10112x64xf32, #tpu.memory_space<hbm>> -> memref<1x632x64xf32, #tpu.memory_space<hbm>>
      %dma_wait3A_166 = tpu.memref_squeeze %dma_wait3A_165 : memref<1x632x64xf32, #tpu.memory_space<hbm>> -> memref<632x64xf32, #tpu.memory_space<hbm>>
      %dma_wait3A_167 = arith.constant 0 : i32
      %dma_wait3A_168 = tpu.memref_slice %arg10[%mul3A_2, %dma_wait3A_167] : memref<10112x64xf32, #tpu.memory_space<vmem_shared>> -> memref<632x64xf32, #tpu.memory_space<vmem_shared>>
      tpu.wait_dma2 semaphore(%run_scoped3A_158 : memref<!tpu.dma_semaphore, #tpu.memory_space<semaphore_mem>>) src(%dma_wait3A_168 : memref<632x64xf32, #tpu.memory_space<vmem_shared>>) dst(%dma_wait3A_166 : memref<632x64xf32, #tpu.memory_space<hbm>>)
      tpu.yield
    }) : () -> ()
    return
  }
}

#map = affine_map<(d0, d1) -> (0, 0)>
#map1 = affine_map<(d0, d1) -> (0, 0, 0, 0)>
#map2 = affine_map<(d0, d1) -> (0, 0, 0)>
module attributes {stable_mosaic.version = 14 : i64} {
  func.func @agg(%arg0: i32, %arg1: i32, %arg2: memref<10112x64xf32, #tpu.memory_space<hbm>>, %arg3: memref<2x32x80x125xi32, #tpu.memory_space<hbm>>, %arg4: memref<6x125xi32, #tpu.memory_space<hbm>>, %arg5: memref<632x64xf32, #tpu.memory_space<hbm>>, %arg6: memref<2x10112x64xf32, #tpu.memory_space<hbm>>, %arg7: memref<82x125xi32, #tpu.memory_space<vmem>>, %arg8: memref<80x125xi32, #tpu.memory_space<vmem>>, %arg9: memref<4x125x64xf32, #tpu.memory_space<vmem>>, %arg10: memref<10112x64xf32, #tpu.memory_space<vmem_shared>>, %arg11: memref<!tpu.dma_semaphore, #tpu.memory_space<semaphore_mem>>, %arg12: memref<!tpu.dma_semaphore, #tpu.memory_space<semaphore_mem>>) attributes {dimension_semantics = [#tpu.dimension_semantics<core_parallel>, #tpu.dimension_semantics<subcore_parallel>], iteration_bounds = array<i64: 2, 16>, scalar_prefetch = 0 : i64, scratch_operands = 6 : i64, tpu.core_type = #tpu.core_type<sc_vector_subcore>, window_params = [{transform_indices = #map}, {transform_indices = #map1}, {transform_indices = #map}, {transform_indices = #map}, {transform_indices = #map2}]} {
    %mul3A = arith.constant 16 : i32
    %mul3A_0 = arith.muli %arg0, %mul3A : i32
    %add3A = arith.addi %mul3A_0, %arg1 : i32
    %mul3A_1 = arith.constant 632 : i32
    %mul3A_2 = arith.muli %arg1, %mul3A_1 : i32
    %eq3A = arith.constant 0 : i32
    %eq3A_3 = arith.cmpi eq, %arg0, %eq3A : i32
    %convert_element_type3A = arith.extui %eq3A_3 : i1 to i32
    %cond3A = arith.constant 0 : i32
    %cond3A_4 = arith.cmpi ne, %convert_element_type3A, %cond3A : i32
    scf.if %cond3A_4 {
      "tpu.region"() ({
        %run_scoped3A_158 = tpu.sem_alloc : memref<!tpu.dma_semaphore, #tpu.memory_space<semaphore_mem>>
        %dma_start3A_159 = arith.constant 0 : i32
        %dma_start3A_160 = tpu.memref_slice %arg10[%mul3A_2, %dma_start3A_159] : memref<10112x64xf32, #tpu.memory_space<vmem_shared>> -> memref<632x64xf32, #tpu.memory_space<vmem_shared>>
        %dma_start3A_161 = arith.constant 0 : i32
        %dma_start3A_162 = tpu.memref_slice %arg2[%mul3A_2, %dma_start3A_161] : memref<10112x64xf32, #tpu.memory_space<hbm>> -> memref<632x64xf32, #tpu.memory_space<hbm>>
        tpu.enqueue_dma source(%dma_start3A_162 : memref<632x64xf32, #tpu.memory_space<hbm>>) target(%dma_start3A_160 : memref<632x64xf32, #tpu.memory_space<vmem_shared>>) target_semaphore(%run_scoped3A_158 : memref<!tpu.dma_semaphore, #tpu.memory_space<semaphore_mem>>)
        %dma_wait3A_163 = arith.constant 0 : i32
        %dma_wait3A_164 = tpu.memref_slice %arg10[%mul3A_2, %dma_wait3A_163] : memref<10112x64xf32, #tpu.memory_space<vmem_shared>> -> memref<632x64xf32, #tpu.memory_space<vmem_shared>>
        %dma_wait3A_165 = arith.constant 0 : i32
        %dma_wait3A_166 = tpu.memref_slice %arg2[%mul3A_2, %dma_wait3A_165] : memref<10112x64xf32, #tpu.memory_space<hbm>> -> memref<632x64xf32, #tpu.memory_space<hbm>>
        tpu.wait_dma2 semaphore(%run_scoped3A_158 : memref<!tpu.dma_semaphore, #tpu.memory_space<semaphore_mem>>) src(%dma_wait3A_166 : memref<632x64xf32, #tpu.memory_space<hbm>>) dst(%dma_wait3A_164 : memref<632x64xf32, #tpu.memory_space<vmem_shared>>)
        tpu.yield
      }) : () -> ()
    } else {
    }
    %ne3A = arith.constant 0 : i32
    %ne3A_5 = arith.cmpi ne, %arg0, %ne3A : i32
    %convert_element_type3A_6 = arith.extui %ne3A_5 : i1 to i32
    %cond3A_7 = arith.constant 0 : i32
    %cond3A_8 = arith.cmpi ne, %convert_element_type3A_6, %cond3A_7 : i32
    scf.if %cond3A_8 {
      "tpu.region"() ({
        %run_scoped3A_158 = tpu.sem_alloc : memref<!tpu.dma_semaphore, #tpu.memory_space<semaphore_mem>>
        %dma_start3A_159 = arith.constant 0 : i32
        %dma_start3A_160 = tpu.memref_slice %arg10[%mul3A_2, %dma_start3A_159] : memref<10112x64xf32, #tpu.memory_space<vmem_shared>> -> memref<632x64xf32, #tpu.memory_space<vmem_shared>>
        tpu.enqueue_dma source(%arg5 : memref<632x64xf32, #tpu.memory_space<hbm>>) target(%dma_start3A_160 : memref<632x64xf32, #tpu.memory_space<vmem_shared>>) target_semaphore(%run_scoped3A_158 : memref<!tpu.dma_semaphore, #tpu.memory_space<semaphore_mem>>)
        %dma_wait3A_161 = arith.constant 0 : i32
        %dma_wait3A_162 = tpu.memref_slice %arg10[%mul3A_2, %dma_wait3A_161] : memref<10112x64xf32, #tpu.memory_space<vmem_shared>> -> memref<632x64xf32, #tpu.memory_space<vmem_shared>>
        tpu.wait_dma2 semaphore(%run_scoped3A_158 : memref<!tpu.dma_semaphore, #tpu.memory_space<semaphore_mem>>) src(%arg5 : memref<632x64xf32, #tpu.memory_space<hbm>>) dst(%dma_wait3A_162 : memref<632x64xf32, #tpu.memory_space<vmem_shared>>)
        tpu.yield
      }) : () -> ()
    } else {
    }
    %run_scoped3A = arith.constant 0 : i32
    "tpu.region"() ({
      %run_scoped3A_158 = tpu.sem_alloc : memref<!tpu.dma_semaphore, #tpu.memory_space<semaphore_mem>>
      %dma_start3A_159 = arith.constant 0 : i32
      %dma_start3A_160 = arith.constant 0 : i32
      %dma_start3A_161 = tpu.memref_slice %arg7[%dma_start3A_159, %dma_start3A_160] : memref<82x125xi32, #tpu.memory_space<vmem>> -> memref<80x125xi32, #tpu.memory_space<vmem>>
      %dma_start3A_162 = arith.constant 0 : i32
      %dma_start3A_163 = arith.constant 0 : i32
      %dma_start3A_164 = tpu.memref_slice %arg3[%run_scoped3A, %add3A, %dma_start3A_162, %dma_start3A_163] : memref<2x32x80x125xi32, #tpu.memory_space<hbm>> -> memref<1x1x80x125xi32, #tpu.memory_space<hbm>>
      %dma_start3A_165 = tpu.memref_squeeze %dma_start3A_164 : memref<1x1x80x125xi32, #tpu.memory_space<hbm>> -> memref<80x125xi32, #tpu.memory_space<hbm>>
      %dma_start3A_166 = arith.constant 0 : i32
      %dma_start3A_167 = arith.constant 0 : i32
      %dma_start3A_168 = tpu.memref_slice %arg7[%dma_start3A_166, %dma_start3A_167] : memref<82x125xi32, #tpu.memory_space<vmem>> -> memref<80x125xi32, #tpu.memory_space<vmem>>
      %dma_start3A_169 = arith.constant 0 : i32
      %dma_start3A_170 = arith.constant 0 : i32
      %dma_start3A_171 = tpu.memref_slice %arg3[%run_scoped3A, %add3A, %dma_start3A_169, %dma_start3A_170] : memref<2x32x80x125xi32, #tpu.memory_space<hbm>> -> memref<1x1x80x125xi32, #tpu.memory_space<hbm>>
      %dma_start3A_172 = tpu.memref_squeeze %dma_start3A_171 : memref<1x1x80x125xi32, #tpu.memory_space<hbm>> -> memref<80x125xi32, #tpu.memory_space<hbm>>
      tpu.enqueue_dma source(%dma_start3A_172 : memref<80x125xi32, #tpu.memory_space<hbm>>) target(%dma_start3A_168 : memref<80x125xi32, #tpu.memory_space<vmem>>) target_semaphore(%run_scoped3A_158 : memref<!tpu.dma_semaphore, #tpu.memory_space<semaphore_mem>>)
      %dma_wait3A_173 = arith.constant 0 : i32
      %dma_wait3A_174 = arith.constant 0 : i32
      %dma_wait3A_175 = tpu.memref_slice %arg7[%dma_wait3A_173, %dma_wait3A_174] : memref<82x125xi32, #tpu.memory_space<vmem>> -> memref<80x125xi32, #tpu.memory_space<vmem>>
      %dma_wait3A_176 = arith.constant 0 : i32
      %dma_wait3A_177 = arith.constant 0 : i32
      %dma_wait3A_178 = tpu.memref_slice %arg3[%run_scoped3A, %add3A, %dma_wait3A_176, %dma_wait3A_177] : memref<2x32x80x125xi32, #tpu.memory_space<hbm>> -> memref<1x1x80x125xi32, #tpu.memory_space<hbm>>
      %dma_wait3A_179 = tpu.memref_squeeze %dma_wait3A_178 : memref<1x1x80x125xi32, #tpu.memory_space<hbm>> -> memref<80x125xi32, #tpu.memory_space<hbm>>
      %dma_wait3A_180 = arith.constant 0 : i32
      %dma_wait3A_181 = arith.constant 0 : i32
      %dma_wait3A_182 = tpu.memref_slice %arg7[%dma_wait3A_180, %dma_wait3A_181] : memref<82x125xi32, #tpu.memory_space<vmem>> -> memref<80x125xi32, #tpu.memory_space<vmem>>
      %dma_wait3A_183 = arith.constant 0 : i32
      %dma_wait3A_184 = arith.constant 0 : i32
      %dma_wait3A_185 = tpu.memref_slice %arg3[%run_scoped3A, %add3A, %dma_wait3A_183, %dma_wait3A_184] : memref<2x32x80x125xi32, #tpu.memory_space<hbm>> -> memref<1x1x80x125xi32, #tpu.memory_space<hbm>>
      %dma_wait3A_186 = tpu.memref_squeeze %dma_wait3A_185 : memref<1x1x80x125xi32, #tpu.memory_space<hbm>> -> memref<80x125xi32, #tpu.memory_space<hbm>>
      tpu.wait_dma2 semaphore(%run_scoped3A_158 : memref<!tpu.dma_semaphore, #tpu.memory_space<semaphore_mem>>) src(%dma_wait3A_186 : memref<80x125xi32, #tpu.memory_space<hbm>>) dst(%dma_wait3A_182 : memref<80x125xi32, #tpu.memory_space<vmem>>)
      tpu.yield
    }) : () -> ()
    "tpu.region"() ({
      %run_scoped3A_158 = tpu.sem_alloc : memref<!tpu.dma_semaphore, #tpu.memory_space<semaphore_mem>>
      %dma_start3A_159 = arith.constant 80 : i32
      %dma_start3A_160 = arith.constant 0 : i32
      %dma_start3A_161 = tpu.memref_slice %arg7[%dma_start3A_159, %dma_start3A_160] : memref<82x125xi32, #tpu.memory_space<vmem>> -> memref<2x125xi32, #tpu.memory_space<vmem>>
      %dma_start3A_162 = arith.constant 0 : i32
      %dma_start3A_163 = arith.constant 0 : i32
      %dma_start3A_164 = tpu.memref_slice %arg4[%dma_start3A_162, %dma_start3A_163] : memref<6x125xi32, #tpu.memory_space<hbm>> -> memref<2x125xi32, #tpu.memory_space<hbm>>
      %dma_start3A_165 = arith.constant 80 : i32
      %dma_start3A_166 = arith.constant 0 : i32
      %dma_start3A_167 = tpu.memref_slice %arg7[%dma_start3A_165, %dma_start3A_166] : memref<82x125xi32, #tpu.memory_space<vmem>> -> memref<2x125xi32, #tpu.memory_space<vmem>>
      %dma_start3A_168 = arith.constant 0 : i32
      %dma_start3A_169 = arith.constant 0 : i32
      %dma_start3A_170 = tpu.memref_slice %arg4[%dma_start3A_168, %dma_start3A_169] : memref<6x125xi32, #tpu.memory_space<hbm>> -> memref<2x125xi32, #tpu.memory_space<hbm>>
      tpu.enqueue_dma source(%dma_start3A_170 : memref<2x125xi32, #tpu.memory_space<hbm>>) target(%dma_start3A_167 : memref<2x125xi32, #tpu.memory_space<vmem>>) target_semaphore(%run_scoped3A_158 : memref<!tpu.dma_semaphore, #tpu.memory_space<semaphore_mem>>)
      %dma_wait3A_171 = arith.constant 80 : i32
      %dma_wait3A_172 = arith.constant 0 : i32
      %dma_wait3A_173 = tpu.memref_slice %arg7[%dma_wait3A_171, %dma_wait3A_172] : memref<82x125xi32, #tpu.memory_space<vmem>> -> memref<2x125xi32, #tpu.memory_space<vmem>>
      %dma_wait3A_174 = arith.constant 0 : i32
      %dma_wait3A_175 = arith.constant 0 : i32
      %dma_wait3A_176 = tpu.memref_slice %arg4[%dma_wait3A_174, %dma_wait3A_175] : memref<6x125xi32, #tpu.memory_space<hbm>> -> memref<2x125xi32, #tpu.memory_space<hbm>>
      %dma_wait3A_177 = arith.constant 80 : i32
      %dma_wait3A_178 = arith.constant 0 : i32
      %dma_wait3A_179 = tpu.memref_slice %arg7[%dma_wait3A_177, %dma_wait3A_178] : memref<82x125xi32, #tpu.memory_space<vmem>> -> memref<2x125xi32, #tpu.memory_space<vmem>>
      %dma_wait3A_180 = arith.constant 0 : i32
      %dma_wait3A_181 = arith.constant 0 : i32
      %dma_wait3A_182 = tpu.memref_slice %arg4[%dma_wait3A_180, %dma_wait3A_181] : memref<6x125xi32, #tpu.memory_space<hbm>> -> memref<2x125xi32, #tpu.memory_space<hbm>>
      tpu.wait_dma2 semaphore(%run_scoped3A_158 : memref<!tpu.dma_semaphore, #tpu.memory_space<semaphore_mem>>) src(%dma_wait3A_182 : memref<2x125xi32, #tpu.memory_space<hbm>>) dst(%dma_wait3A_179 : memref<2x125xi32, #tpu.memory_space<vmem>>)
      tpu.yield
    }) : () -> ()
    %run_scoped3A_9 = arith.constant 1 : i32
    "tpu.region"() ({
      %run_scoped3A_158 = tpu.sem_alloc : memref<!tpu.dma_semaphore, #tpu.memory_space<semaphore_mem>>
      %dma_start3A_159 = arith.constant 0 : i32
      %dma_start3A_160 = arith.constant 0 : i32
      %dma_start3A_161 = tpu.memref_slice %arg3[%run_scoped3A_9, %add3A, %dma_start3A_159, %dma_start3A_160] : memref<2x32x80x125xi32, #tpu.memory_space<hbm>> -> memref<1x1x80x125xi32, #tpu.memory_space<hbm>>
      %dma_start3A_162 = tpu.memref_squeeze %dma_start3A_161 : memref<1x1x80x125xi32, #tpu.memory_space<hbm>> -> memref<80x125xi32, #tpu.memory_space<hbm>>
      %dma_start3A_163 = arith.constant 0 : i32
      %dma_start3A_164 = arith.constant 0 : i32
      %dma_start3A_165 = tpu.memref_slice %arg3[%run_scoped3A_9, %add3A, %dma_start3A_163, %dma_start3A_164] : memref<2x32x80x125xi32, #tpu.memory_space<hbm>> -> memref<1x1x80x125xi32, #tpu.memory_space<hbm>>
      %dma_start3A_166 = tpu.memref_squeeze %dma_start3A_165 : memref<1x1x80x125xi32, #tpu.memory_space<hbm>> -> memref<80x125xi32, #tpu.memory_space<hbm>>
      tpu.enqueue_dma source(%dma_start3A_166 : memref<80x125xi32, #tpu.memory_space<hbm>>) target(%arg8 : memref<80x125xi32, #tpu.memory_space<vmem>>) target_semaphore(%run_scoped3A_158 : memref<!tpu.dma_semaphore, #tpu.memory_space<semaphore_mem>>)
      %dma_wait3A_167 = arith.constant 0 : i32
      %dma_wait3A_168 = arith.constant 0 : i32
      %dma_wait3A_169 = tpu.memref_slice %arg3[%run_scoped3A_9, %add3A, %dma_wait3A_167, %dma_wait3A_168] : memref<2x32x80x125xi32, #tpu.memory_space<hbm>> -> memref<1x1x80x125xi32, #tpu.memory_space<hbm>>
      %dma_wait3A_170 = tpu.memref_squeeze %dma_wait3A_169 : memref<1x1x80x125xi32, #tpu.memory_space<hbm>> -> memref<80x125xi32, #tpu.memory_space<hbm>>
      %dma_wait3A_171 = arith.constant 0 : i32
      %dma_wait3A_172 = arith.constant 0 : i32
      %dma_wait3A_173 = tpu.memref_slice %arg3[%run_scoped3A_9, %add3A, %dma_wait3A_171, %dma_wait3A_172] : memref<2x32x80x125xi32, #tpu.memory_space<hbm>> -> memref<1x1x80x125xi32, #tpu.memory_space<hbm>>
      %dma_wait3A_174 = tpu.memref_squeeze %dma_wait3A_173 : memref<1x1x80x125xi32, #tpu.memory_space<hbm>> -> memref<80x125xi32, #tpu.memory_space<hbm>>
      tpu.wait_dma2 semaphore(%run_scoped3A_158 : memref<!tpu.dma_semaphore, #tpu.memory_space<semaphore_mem>>) src(%dma_wait3A_174 : memref<80x125xi32, #tpu.memory_space<hbm>>) dst(%arg8 : memref<80x125xi32, #tpu.memory_space<vmem>>)
      tpu.yield
    }) : () -> ()
    %barrier3A = arith.constant 0 : index
    tpu.barrier barrier_id(%barrier3A)
    %dma_start3A = arith.constant 0 : i32
    %dma_start3A_10 = arith.constant 0 : i32
    %dma_start3A_11 = arith.constant 0 : i32
    %dma_start3A_12 = arith.constant 0 : i32
    %dma_start3A_13 = tpu.memref_slice %arg9[%dma_start3A_10, %dma_start3A_11, %dma_start3A_12] : memref<4x125x64xf32, #tpu.memory_space<vmem>> -> memref<1x125x64xf32, #tpu.memory_space<vmem>>
    %dma_start3A_14 = tpu.memref_squeeze %dma_start3A_13 : memref<1x125x64xf32, #tpu.memory_space<vmem>> -> memref<125x64xf32, #tpu.memory_space<vmem>>
    %dma_start3A_15 = arith.constant 0 : i32
    %dma_start3A_16 = tpu.memref_slice %arg7[%dma_start3A, %dma_start3A_15] : memref<82x125xi32, #tpu.memory_space<vmem>> -> memref<1x125xi32, #tpu.memory_space<vmem>>
    %dma_start3A_17 = tpu.memref_squeeze %dma_start3A_16 : memref<1x125xi32, #tpu.memory_space<vmem>> -> memref<125xi32, #tpu.memory_space<vmem>>
    %dma_start3A_18 = arith.constant 0 : i32
    %dma_start3A_19 = arith.constant 0 : i32
    %dma_start3A_20 = tpu.memref_slice %arg2[%dma_start3A_18, %dma_start3A_19] : memref<10112x64xf32, #tpu.memory_space<hbm>> -> memref<10112x64xf32, #tpu.memory_space<hbm>>
    tpu.enqueue_indirect_dma source(%dma_start3A_20 : memref<10112x64xf32, #tpu.memory_space<hbm>>) target(%dma_start3A_14 : memref<125x64xf32, #tpu.memory_space<vmem>>) offsets(%dma_start3A_17 : memref<125xi32, #tpu.memory_space<vmem>>) semaphore(%arg11 : memref<!tpu.dma_semaphore, #tpu.memory_space<semaphore_mem>>)
    %dma_start3A_21 = arith.constant 1 : i32
    %dma_start3A_22 = arith.constant 1 : i32
    %dma_start3A_23 = arith.constant 0 : i32
    %dma_start3A_24 = arith.constant 0 : i32
    %dma_start3A_25 = tpu.memref_slice %arg9[%dma_start3A_22, %dma_start3A_23, %dma_start3A_24] : memref<4x125x64xf32, #tpu.memory_space<vmem>> -> memref<1x125x64xf32, #tpu.memory_space<vmem>>
    %dma_start3A_26 = tpu.memref_squeeze %dma_start3A_25 : memref<1x125x64xf32, #tpu.memory_space<vmem>> -> memref<125x64xf32, #tpu.memory_space<vmem>>
    %dma_start3A_27 = arith.constant 0 : i32
    %dma_start3A_28 = tpu.memref_slice %arg7[%dma_start3A_21, %dma_start3A_27] : memref<82x125xi32, #tpu.memory_space<vmem>> -> memref<1x125xi32, #tpu.memory_space<vmem>>
    %dma_start3A_29 = tpu.memref_squeeze %dma_start3A_28 : memref<1x125xi32, #tpu.memory_space<vmem>> -> memref<125xi32, #tpu.memory_space<vmem>>
    %dma_start3A_30 = arith.constant 0 : i32
    %dma_start3A_31 = arith.constant 0 : i32
    %dma_start3A_32 = tpu.memref_slice %arg2[%dma_start3A_30, %dma_start3A_31] : memref<10112x64xf32, #tpu.memory_space<hbm>> -> memref<10112x64xf32, #tpu.memory_space<hbm>>
    tpu.enqueue_indirect_dma source(%dma_start3A_32 : memref<10112x64xf32, #tpu.memory_space<hbm>>) target(%dma_start3A_26 : memref<125x64xf32, #tpu.memory_space<vmem>>) offsets(%dma_start3A_29 : memref<125xi32, #tpu.memory_space<vmem>>) semaphore(%arg11 : memref<!tpu.dma_semaphore, #tpu.memory_space<semaphore_mem>>)
    %dma_wait3A = arith.constant 0 : i32
    %dma_wait3A_33 = arith.constant 0 : i32
    %dma_wait3A_34 = arith.constant 0 : i32
    %dma_wait3A_35 = arith.constant 0 : i32
    %dma_wait3A_36 = tpu.memref_slice %arg9[%dma_wait3A_33, %dma_wait3A_34, %dma_wait3A_35] : memref<4x125x64xf32, #tpu.memory_space<vmem>> -> memref<1x125x64xf32, #tpu.memory_space<vmem>>
    %dma_wait3A_37 = tpu.memref_squeeze %dma_wait3A_36 : memref<1x125x64xf32, #tpu.memory_space<vmem>> -> memref<125x64xf32, #tpu.memory_space<vmem>>
    %dma_wait3A_38 = arith.constant 0 : i32
    %dma_wait3A_39 = tpu.memref_slice %arg7[%dma_wait3A, %dma_wait3A_38] : memref<82x125xi32, #tpu.memory_space<vmem>> -> memref<1x125xi32, #tpu.memory_space<vmem>>
    %dma_wait3A_40 = tpu.memref_squeeze %dma_wait3A_39 : memref<1x125xi32, #tpu.memory_space<vmem>> -> memref<125xi32, #tpu.memory_space<vmem>>
    %dma_wait3A_41 = arith.constant 0 : i32
    %dma_wait3A_42 = arith.constant 0 : i32
    %dma_wait3A_43 = tpu.memref_slice %arg2[%dma_wait3A_41, %dma_wait3A_42] : memref<10112x64xf32, #tpu.memory_space<hbm>> -> memref<10112x64xf32, #tpu.memory_space<hbm>>
    tpu.wait_indirect_dma semaphore(%arg11 : memref<!tpu.dma_semaphore, #tpu.memory_space<semaphore_mem>>) src(%dma_wait3A_43 : memref<10112x64xf32, #tpu.memory_space<hbm>>) dst(%dma_wait3A_37 : memref<125x64xf32, #tpu.memory_space<vmem>>)
    %dma_start3A_44 = arith.constant 0 : i32
    %dma_start3A_45 = arith.constant 0 : i32
    %dma_start3A_46 = arith.constant 0 : i32
    %dma_start3A_47 = arith.constant 0 : i32
    %dma_start3A_48 = tpu.memref_slice %arg9[%dma_start3A_44, %dma_start3A_46, %dma_start3A_47] : memref<4x125x64xf32, #tpu.memory_space<vmem>> -> memref<1x125x64xf32, #tpu.memory_space<vmem>>
    %dma_start3A_49 = tpu.memref_squeeze %dma_start3A_48 : memref<1x125x64xf32, #tpu.memory_space<vmem>> -> memref<125x64xf32, #tpu.memory_space<vmem>>
    %dma_start3A_50 = arith.constant 0 : i32
    %dma_start3A_51 = tpu.memref_slice %arg8[%dma_start3A_45, %dma_start3A_50] : memref<80x125xi32, #tpu.memory_space<vmem>> -> memref<1x125xi32, #tpu.memory_space<vmem>>
    %dma_start3A_52 = tpu.memref_squeeze %dma_start3A_51 : memref<1x125xi32, #tpu.memory_space<vmem>> -> memref<125xi32, #tpu.memory_space<vmem>>
    %dma_start3A_53 = arith.constant 0 : i32
    %dma_start3A_54 = arith.constant 0 : i32
    %dma_start3A_55 = tpu.memref_slice %arg10[%dma_start3A_53, %dma_start3A_54] : memref<10112x64xf32, #tpu.memory_space<vmem_shared>> -> memref<10112x64xf32, #tpu.memory_space<vmem_shared>>
    tpu.enqueue_indirect_dma source(%dma_start3A_49 : memref<125x64xf32, #tpu.memory_space<vmem>>) target(%dma_start3A_55 : memref<10112x64xf32, #tpu.memory_space<vmem_shared>>) offsets(%dma_start3A_52 : memref<125xi32, #tpu.memory_space<vmem>>) semaphore(%arg12 : memref<!tpu.dma_semaphore, #tpu.memory_space<semaphore_mem>>) {add = true}
    %dma_start3A_56 = arith.constant 2 : i32
    %dma_start3A_57 = arith.constant 2 : i32
    %dma_start3A_58 = arith.constant 0 : i32
    %dma_start3A_59 = arith.constant 0 : i32
    %dma_start3A_60 = tpu.memref_slice %arg9[%dma_start3A_57, %dma_start3A_58, %dma_start3A_59] : memref<4x125x64xf32, #tpu.memory_space<vmem>> -> memref<1x125x64xf32, #tpu.memory_space<vmem>>
    %dma_start3A_61 = tpu.memref_squeeze %dma_start3A_60 : memref<1x125x64xf32, #tpu.memory_space<vmem>> -> memref<125x64xf32, #tpu.memory_space<vmem>>
    %dma_start3A_62 = arith.constant 0 : i32
    %dma_start3A_63 = tpu.memref_slice %arg7[%dma_start3A_56, %dma_start3A_62] : memref<82x125xi32, #tpu.memory_space<vmem>> -> memref<1x125xi32, #tpu.memory_space<vmem>>
    %dma_start3A_64 = tpu.memref_squeeze %dma_start3A_63 : memref<1x125xi32, #tpu.memory_space<vmem>> -> memref<125xi32, #tpu.memory_space<vmem>>
    %dma_start3A_65 = arith.constant 0 : i32
    %dma_start3A_66 = arith.constant 0 : i32
    %dma_start3A_67 = tpu.memref_slice %arg2[%dma_start3A_65, %dma_start3A_66] : memref<10112x64xf32, #tpu.memory_space<hbm>> -> memref<10112x64xf32, #tpu.memory_space<hbm>>
    tpu.enqueue_indirect_dma source(%dma_start3A_67 : memref<10112x64xf32, #tpu.memory_space<hbm>>) target(%dma_start3A_61 : memref<125x64xf32, #tpu.memory_space<vmem>>) offsets(%dma_start3A_64 : memref<125xi32, #tpu.memory_space<vmem>>) semaphore(%arg11 : memref<!tpu.dma_semaphore, #tpu.memory_space<semaphore_mem>>)
    %dma_wait3A_68 = arith.constant 1 : i32
    %dma_wait3A_69 = arith.constant 1 : i32
    %dma_wait3A_70 = arith.constant 0 : i32
    %dma_wait3A_71 = arith.constant 0 : i32
    %dma_wait3A_72 = tpu.memref_slice %arg9[%dma_wait3A_69, %dma_wait3A_70, %dma_wait3A_71] : memref<4x125x64xf32, #tpu.memory_space<vmem>> -> memref<1x125x64xf32, #tpu.memory_space<vmem>>
    %dma_wait3A_73 = tpu.memref_squeeze %dma_wait3A_72 : memref<1x125x64xf32, #tpu.memory_space<vmem>> -> memref<125x64xf32, #tpu.memory_space<vmem>>
    %dma_wait3A_74 = arith.constant 0 : i32
    %dma_wait3A_75 = tpu.memref_slice %arg7[%dma_wait3A_68, %dma_wait3A_74] : memref<82x125xi32, #tpu.memory_space<vmem>> -> memref<1x125xi32, #tpu.memory_space<vmem>>
    %dma_wait3A_76 = tpu.memref_squeeze %dma_wait3A_75 : memref<1x125xi32, #tpu.memory_space<vmem>> -> memref<125xi32, #tpu.memory_space<vmem>>
    %dma_wait3A_77 = arith.constant 0 : i32
    %dma_wait3A_78 = arith.constant 0 : i32
    %dma_wait3A_79 = tpu.memref_slice %arg2[%dma_wait3A_77, %dma_wait3A_78] : memref<10112x64xf32, #tpu.memory_space<hbm>> -> memref<10112x64xf32, #tpu.memory_space<hbm>>
    tpu.wait_indirect_dma semaphore(%arg11 : memref<!tpu.dma_semaphore, #tpu.memory_space<semaphore_mem>>) src(%dma_wait3A_79 : memref<10112x64xf32, #tpu.memory_space<hbm>>) dst(%dma_wait3A_73 : memref<125x64xf32, #tpu.memory_space<vmem>>)
    %dma_start3A_80 = arith.constant 1 : i32
    %dma_start3A_81 = arith.constant 1 : i32
    %dma_start3A_82 = arith.constant 0 : i32
    %dma_start3A_83 = arith.constant 0 : i32
    %dma_start3A_84 = tpu.memref_slice %arg9[%dma_start3A_80, %dma_start3A_82, %dma_start3A_83] : memref<4x125x64xf32, #tpu.memory_space<vmem>> -> memref<1x125x64xf32, #tpu.memory_space<vmem>>
    %dma_start3A_85 = tpu.memref_squeeze %dma_start3A_84 : memref<1x125x64xf32, #tpu.memory_space<vmem>> -> memref<125x64xf32, #tpu.memory_space<vmem>>
    %dma_start3A_86 = arith.constant 0 : i32
    %dma_start3A_87 = tpu.memref_slice %arg8[%dma_start3A_81, %dma_start3A_86] : memref<80x125xi32, #tpu.memory_space<vmem>> -> memref<1x125xi32, #tpu.memory_space<vmem>>
    %dma_start3A_88 = tpu.memref_squeeze %dma_start3A_87 : memref<1x125xi32, #tpu.memory_space<vmem>> -> memref<125xi32, #tpu.memory_space<vmem>>
    %dma_start3A_89 = arith.constant 0 : i32
    %dma_start3A_90 = arith.constant 0 : i32
    %dma_start3A_91 = tpu.memref_slice %arg10[%dma_start3A_89, %dma_start3A_90] : memref<10112x64xf32, #tpu.memory_space<vmem_shared>> -> memref<10112x64xf32, #tpu.memory_space<vmem_shared>>
    tpu.enqueue_indirect_dma source(%dma_start3A_85 : memref<125x64xf32, #tpu.memory_space<vmem>>) target(%dma_start3A_91 : memref<10112x64xf32, #tpu.memory_space<vmem_shared>>) offsets(%dma_start3A_88 : memref<125xi32, #tpu.memory_space<vmem>>) semaphore(%arg12 : memref<!tpu.dma_semaphore, #tpu.memory_space<semaphore_mem>>) {add = true}
    %dma_start3A_92 = arith.constant 3 : i32
    %dma_start3A_93 = arith.constant 3 : i32
    %dma_start3A_94 = arith.constant 0 : i32
    %dma_start3A_95 = arith.constant 0 : i32
    %dma_start3A_96 = tpu.memref_slice %arg9[%dma_start3A_93, %dma_start3A_94, %dma_start3A_95] : memref<4x125x64xf32, #tpu.memory_space<vmem>> -> memref<1x125x64xf32, #tpu.memory_space<vmem>>
    %dma_start3A_97 = tpu.memref_squeeze %dma_start3A_96 : memref<1x125x64xf32, #tpu.memory_space<vmem>> -> memref<125x64xf32, #tpu.memory_space<vmem>>
    %dma_start3A_98 = arith.constant 0 : i32
    %dma_start3A_99 = tpu.memref_slice %arg7[%dma_start3A_92, %dma_start3A_98] : memref<82x125xi32, #tpu.memory_space<vmem>> -> memref<1x125xi32, #tpu.memory_space<vmem>>
    %dma_start3A_100 = tpu.memref_squeeze %dma_start3A_99 : memref<1x125xi32, #tpu.memory_space<vmem>> -> memref<125xi32, #tpu.memory_space<vmem>>
    %dma_start3A_101 = arith.constant 0 : i32
    %dma_start3A_102 = arith.constant 0 : i32
    %dma_start3A_103 = tpu.memref_slice %arg2[%dma_start3A_101, %dma_start3A_102] : memref<10112x64xf32, #tpu.memory_space<hbm>> -> memref<10112x64xf32, #tpu.memory_space<hbm>>
    tpu.enqueue_indirect_dma source(%dma_start3A_103 : memref<10112x64xf32, #tpu.memory_space<hbm>>) target(%dma_start3A_97 : memref<125x64xf32, #tpu.memory_space<vmem>>) offsets(%dma_start3A_100 : memref<125xi32, #tpu.memory_space<vmem>>) semaphore(%arg11 : memref<!tpu.dma_semaphore, #tpu.memory_space<semaphore_mem>>)
    %scan3A = arith.constant 0 : i32
    %scan3A_104 = arith.constant 2 : i32
    %scan3A_105 = arith.constant 78 : i32
    %scan3A_106 = arith.addi %scan3A_104, %scan3A_105 : i32
    %scan3A_107 = arith.constant 1 : i32
    scf.for %scan3A_158 = %scan3A_104 to %scan3A_106 step %scan3A_107  : i32 {
      %and3A = arith.constant 3 : i32
      %and3A_159 = arith.andi %scan3A_158, %and3A : i32
      %add3A_160 = arith.constant 2 : i32
      %add3A_161 = arith.addi %scan3A_158, %add3A_160 : i32
      %and3A_162 = arith.constant 3 : i32
      %and3A_163 = arith.andi %add3A_161, %and3A_162 : i32
      %dma_wait3A_164 = arith.constant 0 : i32
      %dma_wait3A_165 = arith.constant 0 : i32
      %dma_wait3A_166 = tpu.memref_slice %arg9[%and3A_159, %dma_wait3A_164, %dma_wait3A_165] : memref<4x125x64xf32, #tpu.memory_space<vmem>> -> memref<1x125x64xf32, #tpu.memory_space<vmem>>
      %dma_wait3A_167 = tpu.memref_squeeze %dma_wait3A_166 : memref<1x125x64xf32, #tpu.memory_space<vmem>> -> memref<125x64xf32, #tpu.memory_space<vmem>>
      %dma_wait3A_168 = arith.constant 0 : i32
      %dma_wait3A_169 = tpu.memref_slice %arg7[%scan3A_158, %dma_wait3A_168] : memref<82x125xi32, #tpu.memory_space<vmem>> -> memref<1x125xi32, #tpu.memory_space<vmem>>
      %dma_wait3A_170 = tpu.memref_squeeze %dma_wait3A_169 : memref<1x125xi32, #tpu.memory_space<vmem>> -> memref<125xi32, #tpu.memory_space<vmem>>
      %dma_wait3A_171 = arith.constant 0 : i32
      %dma_wait3A_172 = arith.constant 0 : i32
      %dma_wait3A_173 = tpu.memref_slice %arg2[%dma_wait3A_171, %dma_wait3A_172] : memref<10112x64xf32, #tpu.memory_space<hbm>> -> memref<10112x64xf32, #tpu.memory_space<hbm>>
      tpu.wait_indirect_dma semaphore(%arg11 : memref<!tpu.dma_semaphore, #tpu.memory_space<semaphore_mem>>) src(%dma_wait3A_173 : memref<10112x64xf32, #tpu.memory_space<hbm>>) dst(%dma_wait3A_167 : memref<125x64xf32, #tpu.memory_space<vmem>>)
      %dma_start3A_174 = arith.constant 0 : i32
      %dma_start3A_175 = arith.constant 0 : i32
      %dma_start3A_176 = tpu.memref_slice %arg9[%and3A_159, %dma_start3A_174, %dma_start3A_175] : memref<4x125x64xf32, #tpu.memory_space<vmem>> -> memref<1x125x64xf32, #tpu.memory_space<vmem>>
      %dma_start3A_177 = tpu.memref_squeeze %dma_start3A_176 : memref<1x125x64xf32, #tpu.memory_space<vmem>> -> memref<125x64xf32, #tpu.memory_space<vmem>>
      %dma_start3A_178 = arith.constant 0 : i32
      %dma_start3A_179 = tpu.memref_slice %arg8[%scan3A_158, %dma_start3A_178] : memref<80x125xi32, #tpu.memory_space<vmem>> -> memref<1x125xi32, #tpu.memory_space<vmem>>
      %dma_start3A_180 = tpu.memref_squeeze %dma_start3A_179 : memref<1x125xi32, #tpu.memory_space<vmem>> -> memref<125xi32, #tpu.memory_space<vmem>>
      %dma_start3A_181 = arith.constant 0 : i32
      %dma_start3A_182 = arith.constant 0 : i32
      %dma_start3A_183 = tpu.memref_slice %arg10[%dma_start3A_181, %dma_start3A_182] : memref<10112x64xf32, #tpu.memory_space<vmem_shared>> -> memref<10112x64xf32, #tpu.memory_space<vmem_shared>>
      tpu.enqueue_indirect_dma source(%dma_start3A_177 : memref<125x64xf32, #tpu.memory_space<vmem>>) target(%dma_start3A_183 : memref<10112x64xf32, #tpu.memory_space<vmem_shared>>) offsets(%dma_start3A_180 : memref<125xi32, #tpu.memory_space<vmem>>) semaphore(%arg12 : memref<!tpu.dma_semaphore, #tpu.memory_space<semaphore_mem>>) {add = true}
      %sub3A = arith.constant 2 : i32
      %sub3A_184 = arith.subi %scan3A_158, %sub3A : i32
      %dma_wait3A_185 = arith.constant 0 : i32
      %dma_wait3A_186 = arith.constant 0 : i32
      %dma_wait3A_187 = tpu.memref_slice %arg9[%and3A_163, %dma_wait3A_185, %dma_wait3A_186] : memref<4x125x64xf32, #tpu.memory_space<vmem>> -> memref<1x125x64xf32, #tpu.memory_space<vmem>>
      %dma_wait3A_188 = tpu.memref_squeeze %dma_wait3A_187 : memref<1x125x64xf32, #tpu.memory_space<vmem>> -> memref<125x64xf32, #tpu.memory_space<vmem>>
      %dma_wait3A_189 = arith.constant 0 : i32
      %dma_wait3A_190 = tpu.memref_slice %arg8[%sub3A_184, %dma_wait3A_189] : memref<80x125xi32, #tpu.memory_space<vmem>> -> memref<1x125xi32, #tpu.memory_space<vmem>>
      %dma_wait3A_191 = tpu.memref_squeeze %dma_wait3A_190 : memref<1x125xi32, #tpu.memory_space<vmem>> -> memref<125xi32, #tpu.memory_space<vmem>>
      %dma_wait3A_192 = arith.constant 0 : i32
      %dma_wait3A_193 = arith.constant 0 : i32
      %dma_wait3A_194 = tpu.memref_slice %arg10[%dma_wait3A_192, %dma_wait3A_193] : memref<10112x64xf32, #tpu.memory_space<vmem_shared>> -> memref<10112x64xf32, #tpu.memory_space<vmem_shared>>
      tpu.wait_indirect_dma semaphore(%arg12 : memref<!tpu.dma_semaphore, #tpu.memory_space<semaphore_mem>>) src(%dma_wait3A_188 : memref<125x64xf32, #tpu.memory_space<vmem>>) dst(%dma_wait3A_194 : memref<10112x64xf32, #tpu.memory_space<vmem_shared>>)
      %add3A_195 = arith.constant 2 : i32
      %add3A_196 = arith.addi %scan3A_158, %add3A_195 : i32
      %dma_start3A_197 = arith.constant 0 : i32
      %dma_start3A_198 = arith.constant 0 : i32
      %dma_start3A_199 = tpu.memref_slice %arg9[%and3A_163, %dma_start3A_197, %dma_start3A_198] : memref<4x125x64xf32, #tpu.memory_space<vmem>> -> memref<1x125x64xf32, #tpu.memory_space<vmem>>
      %dma_start3A_200 = tpu.memref_squeeze %dma_start3A_199 : memref<1x125x64xf32, #tpu.memory_space<vmem>> -> memref<125x64xf32, #tpu.memory_space<vmem>>
      %dma_start3A_201 = arith.constant 0 : i32
      %dma_start3A_202 = tpu.memref_slice %arg7[%add3A_196, %dma_start3A_201] : memref<82x125xi32, #tpu.memory_space<vmem>> -> memref<1x125xi32, #tpu.memory_space<vmem>>
      %dma_start3A_203 = tpu.memref_squeeze %dma_start3A_202 : memref<1x125xi32, #tpu.memory_space<vmem>> -> memref<125xi32, #tpu.memory_space<vmem>>
      %dma_start3A_204 = arith.constant 0 : i32
      %dma_start3A_205 = arith.constant 0 : i32
      %dma_start3A_206 = tpu.memref_slice %arg2[%dma_start3A_204, %dma_start3A_205] : memref<10112x64xf32, #tpu.memory_space<hbm>> -> memref<10112x64xf32, #tpu.memory_space<hbm>>
      tpu.enqueue_indirect_dma source(%dma_start3A_206 : memref<10112x64xf32, #tpu.memory_space<hbm>>) target(%dma_start3A_200 : memref<125x64xf32, #tpu.memory_space<vmem>>) offsets(%dma_start3A_203 : memref<125xi32, #tpu.memory_space<vmem>>) semaphore(%arg11 : memref<!tpu.dma_semaphore, #tpu.memory_space<semaphore_mem>>)
    }
    %scan3A_108 = arith.constant 78 : i32
    %dma_wait3A_109 = arith.constant 2 : i32
    %dma_wait3A_110 = arith.constant 78 : i32
    %dma_wait3A_111 = arith.constant 0 : i32
    %dma_wait3A_112 = arith.constant 0 : i32
    %dma_wait3A_113 = tpu.memref_slice %arg9[%dma_wait3A_109, %dma_wait3A_111, %dma_wait3A_112] : memref<4x125x64xf32, #tpu.memory_space<vmem>> -> memref<1x125x64xf32, #tpu.memory_space<vmem>>
    %dma_wait3A_114 = tpu.memref_squeeze %dma_wait3A_113 : memref<1x125x64xf32, #tpu.memory_space<vmem>> -> memref<125x64xf32, #tpu.memory_space<vmem>>
    %dma_wait3A_115 = arith.constant 0 : i32
    %dma_wait3A_116 = tpu.memref_slice %arg8[%dma_wait3A_110, %dma_wait3A_115] : memref<80x125xi32, #tpu.memory_space<vmem>> -> memref<1x125xi32, #tpu.memory_space<vmem>>
    %dma_wait3A_117 = tpu.memref_squeeze %dma_wait3A_116 : memref<1x125xi32, #tpu.memory_space<vmem>> -> memref<125xi32, #tpu.memory_space<vmem>>
    %dma_wait3A_118 = arith.constant 0 : i32
    %dma_wait3A_119 = arith.constant 0 : i32
    %dma_wait3A_120 = tpu.memref_slice %arg10[%dma_wait3A_118, %dma_wait3A_119] : memref<10112x64xf32, #tpu.memory_space<vmem_shared>> -> memref<10112x64xf32, #tpu.memory_space<vmem_shared>>
    tpu.wait_indirect_dma semaphore(%arg12 : memref<!tpu.dma_semaphore, #tpu.memory_space<semaphore_mem>>) src(%dma_wait3A_114 : memref<125x64xf32, #tpu.memory_space<vmem>>) dst(%dma_wait3A_120 : memref<10112x64xf32, #tpu.memory_space<vmem_shared>>)
    %dma_wait3A_121 = arith.constant 3 : i32
    %dma_wait3A_122 = arith.constant 79 : i32
    %dma_wait3A_123 = arith.constant 0 : i32
    %dma_wait3A_124 = arith.constant 0 : i32
    %dma_wait3A_125 = tpu.memref_slice %arg9[%dma_wait3A_121, %dma_wait3A_123, %dma_wait3A_124] : memref<4x125x64xf32, #tpu.memory_space<vmem>> -> memref<1x125x64xf32, #tpu.memory_space<vmem>>
    %dma_wait3A_126 = tpu.memref_squeeze %dma_wait3A_125 : memref<1x125x64xf32, #tpu.memory_space<vmem>> -> memref<125x64xf32, #tpu.memory_space<vmem>>
    %dma_wait3A_127 = arith.constant 0 : i32
    %dma_wait3A_128 = tpu.memref_slice %arg8[%dma_wait3A_122, %dma_wait3A_127] : memref<80x125xi32, #tpu.memory_space<vmem>> -> memref<1x125xi32, #tpu.memory_space<vmem>>
    %dma_wait3A_129 = tpu.memref_squeeze %dma_wait3A_128 : memref<1x125xi32, #tpu.memory_space<vmem>> -> memref<125xi32, #tpu.memory_space<vmem>>
    %dma_wait3A_130 = arith.constant 0 : i32
    %dma_wait3A_131 = arith.constant 0 : i32
    %dma_wait3A_132 = tpu.memref_slice %arg10[%dma_wait3A_130, %dma_wait3A_131] : memref<10112x64xf32, #tpu.memory_space<vmem_shared>> -> memref<10112x64xf32, #tpu.memory_space<vmem_shared>>
    tpu.wait_indirect_dma semaphore(%arg12 : memref<!tpu.dma_semaphore, #tpu.memory_space<semaphore_mem>>) src(%dma_wait3A_126 : memref<125x64xf32, #tpu.memory_space<vmem>>) dst(%dma_wait3A_132 : memref<10112x64xf32, #tpu.memory_space<vmem_shared>>)
    %dma_wait3A_133 = arith.constant 80 : i32
    %dma_wait3A_134 = arith.constant 0 : i32
    %dma_wait3A_135 = arith.constant 0 : i32
    %dma_wait3A_136 = arith.constant 0 : i32
    %dma_wait3A_137 = tpu.memref_slice %arg9[%dma_wait3A_134, %dma_wait3A_135, %dma_wait3A_136] : memref<4x125x64xf32, #tpu.memory_space<vmem>> -> memref<1x125x64xf32, #tpu.memory_space<vmem>>
    %dma_wait3A_138 = tpu.memref_squeeze %dma_wait3A_137 : memref<1x125x64xf32, #tpu.memory_space<vmem>> -> memref<125x64xf32, #tpu.memory_space<vmem>>
    %dma_wait3A_139 = arith.constant 0 : i32
    %dma_wait3A_140 = tpu.memref_slice %arg7[%dma_wait3A_133, %dma_wait3A_139] : memref<82x125xi32, #tpu.memory_space<vmem>> -> memref<1x125xi32, #tpu.memory_space<vmem>>
    %dma_wait3A_141 = tpu.memref_squeeze %dma_wait3A_140 : memref<1x125xi32, #tpu.memory_space<vmem>> -> memref<125xi32, #tpu.memory_space<vmem>>
    %dma_wait3A_142 = arith.constant 0 : i32
    %dma_wait3A_143 = arith.constant 0 : i32
    %dma_wait3A_144 = tpu.memref_slice %arg2[%dma_wait3A_142, %dma_wait3A_143] : memref<10112x64xf32, #tpu.memory_space<hbm>> -> memref<10112x64xf32, #tpu.memory_space<hbm>>
    tpu.wait_indirect_dma semaphore(%arg11 : memref<!tpu.dma_semaphore, #tpu.memory_space<semaphore_mem>>) src(%dma_wait3A_144 : memref<10112x64xf32, #tpu.memory_space<hbm>>) dst(%dma_wait3A_138 : memref<125x64xf32, #tpu.memory_space<vmem>>)
    %dma_wait3A_145 = arith.constant 81 : i32
    %dma_wait3A_146 = arith.constant 1 : i32
    %dma_wait3A_147 = arith.constant 0 : i32
    %dma_wait3A_148 = arith.constant 0 : i32
    %dma_wait3A_149 = tpu.memref_slice %arg9[%dma_wait3A_146, %dma_wait3A_147, %dma_wait3A_148] : memref<4x125x64xf32, #tpu.memory_space<vmem>> -> memref<1x125x64xf32, #tpu.memory_space<vmem>>
    %dma_wait3A_150 = tpu.memref_squeeze %dma_wait3A_149 : memref<1x125x64xf32, #tpu.memory_space<vmem>> -> memref<125x64xf32, #tpu.memory_space<vmem>>
    %dma_wait3A_151 = arith.constant 0 : i32
    %dma_wait3A_152 = tpu.memref_slice %arg7[%dma_wait3A_145, %dma_wait3A_151] : memref<82x125xi32, #tpu.memory_space<vmem>> -> memref<1x125xi32, #tpu.memory_space<vmem>>
    %dma_wait3A_153 = tpu.memref_squeeze %dma_wait3A_152 : memref<1x125xi32, #tpu.memory_space<vmem>> -> memref<125xi32, #tpu.memory_space<vmem>>
    %dma_wait3A_154 = arith.constant 0 : i32
    %dma_wait3A_155 = arith.constant 0 : i32
    %dma_wait3A_156 = tpu.memref_slice %arg2[%dma_wait3A_154, %dma_wait3A_155] : memref<10112x64xf32, #tpu.memory_space<hbm>> -> memref<10112x64xf32, #tpu.memory_space<hbm>>
    tpu.wait_indirect_dma semaphore(%arg11 : memref<!tpu.dma_semaphore, #tpu.memory_space<semaphore_mem>>) src(%dma_wait3A_156 : memref<10112x64xf32, #tpu.memory_space<hbm>>) dst(%dma_wait3A_150 : memref<125x64xf32, #tpu.memory_space<vmem>>)
    %barrier3A_157 = arith.constant 0 : index
    tpu.barrier barrier_id(%barrier3A_157)
    "tpu.region"() ({
      %run_scoped3A_158 = tpu.sem_alloc : memref<!tpu.dma_semaphore, #tpu.memory_space<semaphore_mem>>
      %dma_start3A_159 = arith.constant 0 : i32
      %dma_start3A_160 = tpu.memref_slice %arg6[%arg0, %mul3A_2, %dma_start3A_159] : memref<2x10112x64xf32, #tpu.memory_space<hbm>> -> memref<1x632x64xf32, #tpu.memory_space<hbm>>
      %dma_start3A_161 = tpu.memref_squeeze %dma_start3A_160 : memref<1x632x64xf32, #tpu.memory_space<hbm>> -> memref<632x64xf32, #tpu.memory_space<hbm>>
      %dma_start3A_162 = arith.constant 0 : i32
      %dma_start3A_163 = tpu.memref_slice %arg10[%mul3A_2, %dma_start3A_162] : memref<10112x64xf32, #tpu.memory_space<vmem_shared>> -> memref<632x64xf32, #tpu.memory_space<vmem_shared>>
      tpu.enqueue_dma source(%dma_start3A_163 : memref<632x64xf32, #tpu.memory_space<vmem_shared>>) target(%dma_start3A_161 : memref<632x64xf32, #tpu.memory_space<hbm>>) target_semaphore(%run_scoped3A_158 : memref<!tpu.dma_semaphore, #tpu.memory_space<semaphore_mem>>)
      %dma_wait3A_164 = arith.constant 0 : i32
      %dma_wait3A_165 = tpu.memref_slice %arg6[%arg0, %mul3A_2, %dma_wait3A_164] : memref<2x10112x64xf32, #tpu.memory_space<hbm>> -> memref<1x632x64xf32, #tpu.memory_space<hbm>>
      %dma_wait3A_166 = tpu.memref_squeeze %dma_wait3A_165 : memref<1x632x64xf32, #tpu.memory_space<hbm>> -> memref<632x64xf32, #tpu.memory_space<hbm>>
      %dma_wait3A_167 = arith.constant 0 : i32
      %dma_wait3A_168 = tpu.memref_slice %arg10[%mul3A_2, %dma_wait3A_167] : memref<10112x64xf32, #tpu.memory_space<vmem_shared>> -> memref<632x64xf32, #tpu.memory_space<vmem_shared>>
      tpu.wait_dma2 semaphore(%run_scoped3A_158 : memref<!tpu.dma_semaphore, #tpu.memory_space<semaphore_mem>>) src(%dma_wait3A_168 : memref<632x64xf32, #tpu.memory_space<vmem_shared>>) dst(%dma_wait3A_166 : memref<632x64xf32, #tpu.memory_space<hbm>>)
      tpu.yield
    }) : () -> ()
    return
  }
}

module attributes {stable_mosaic.version = 14 : i64} {
  func.func @_proj_body(%arg0: memref<10000x128xf32, #tpu.memory_space<vmem>>, %arg1: memref<128x64xf32, #tpu.memory_space<vmem>>, %arg2: memref<10000x64xf32, #tpu.memory_space<vmem>>) attributes {dimension_semantics = [], scalar_prefetch = 0 : i64, scratch_operands = 0 : i64, tpu.core_type = #tpu.core_type<tc>} {
    %get3A = arith.constant 0 : index
    %get3A_0 = arith.constant 0 : index
    %get3A_1 = vector.load %arg0[%get3A, %get3A_0] : memref<10000x128xf32, #tpu.memory_space<vmem>>, vector<10000x128xf32>
    %get3A_2 = arith.constant 0 : index
    %get3A_3 = arith.constant 0 : index
    %get3A_4 = vector.load %arg1[%get3A_2, %get3A_3] : memref<128x64xf32, #tpu.memory_space<vmem>>, vector<128x64xf32>
    %dot_general3A = arith.constant dense<0.000000e+00> : vector<10000x64xf32>
    %dot_general3A_5 = tpu.matmul %get3A_1, %get3A_4, %dot_general3A {dimension_numbers = #tpu.dot_dimension_numbers<[1], [0], [0], [1], [0, 0, 1, 1], [], []>, transpose_lhs_hint = false} : vector<10000x128xf32>, vector<128x64xf32>, vector<10000x64xf32> -> vector<10000x64xf32>
    %swap3A = arith.constant 0 : index
    %swap3A_6 = arith.constant 0 : index
    %swap3A_7 = vector.load %arg2[%swap3A, %swap3A_6] : memref<10000x64xf32, #tpu.memory_space<vmem>>, vector<10000x64xf32>
    tpu.vector_store %arg2[%swap3A, %swap3A_6], %dot_general3A_5 {strides = array<i32>} : memref<10000x64xf32, #tpu.memory_space<vmem>>, vector<10000x64xf32>,
    return
  }
}

module attributes {stable_mosaic.version = 14 : i64} {
  func.func @_scale1_body(%arg0: memref<2x10112x8xf32, #tpu.memory_space<vmem>>, %arg1: memref<10000x64xf32, #tpu.memory_space<vmem>>, %arg2: memref<10112x64xf32, #tpu.memory_space<vmem>>, %arg3: memref<10112x1xf32, #tpu.memory_space<vmem>>) attributes {dimension_semantics = [], scalar_prefetch = 0 : i64, scratch_operands = 0 : i64, tpu.core_type = #tpu.core_type<tc>} {
    %get3A = arith.constant 0 : index
    %get3A_0 = arith.constant 0 : index
    %get3A_1 = arith.constant 0 : index
    %get3A_2 = vector.load %arg0[%get3A, %get3A_0, %get3A_1] : memref<2x10112x8xf32, #tpu.memory_space<vmem>>, vector<1x10112x1xf32>
    %get3A_3 = vector.shape_cast %get3A_2 : vector<1x10112x1xf32> to vector<10112x1xf32>
    %get3A_4 = arith.constant 1 : index
    %get3A_5 = arith.constant 0 : index
    %get3A_6 = arith.constant 0 : index
    %get3A_7 = vector.load %arg0[%get3A_4, %get3A_5, %get3A_6] : memref<2x10112x8xf32, #tpu.memory_space<vmem>>, vector<1x10112x1xf32>
    %get3A_8 = vector.shape_cast %get3A_7 : vector<1x10112x1xf32> to vector<10112x1xf32>
    %add3A = arith.addf %get3A_3, %get3A_8 : vector<10112x1xf32>
    %add3A_9 = arith.constant 1.000000e+00 : f32
    %add3A_10 = vector.broadcast %add3A_9 : f32 to vector<10112x1xf32>
    %add3A_11 = arith.addf %add3A, %add3A_10 : vector<10112x1xf32>
    %rsqrt3A = math.rsqrt %add3A_11 : vector<10112x1xf32>
    %swap3A = arith.constant 0 : index
    %swap3A_12 = arith.constant 0 : index
    %swap3A_13 = vector.load %arg3[%swap3A, %swap3A_12] : memref<10112x1xf32, #tpu.memory_space<vmem>>, vector<10112x1xf32>
    tpu.vector_store %arg3[%swap3A, %swap3A_12], %rsqrt3A {strides = array<i32>} : memref<10112x1xf32, #tpu.memory_space<vmem>>, vector<10112x1xf32>,
    %get3A_14 = arith.constant 0 : index
    %get3A_15 = arith.constant 0 : index
    %get3A_16 = vector.load %arg1[%get3A_14, %get3A_15] : memref<10000x64xf32, #tpu.memory_space<vmem>>, vector<10000x64xf32>
    %slice3A = vector.extract_strided_slice %rsqrt3A {offsets = [0, 0], sizes = [10000, 1], strides = [1, 1]} : vector<10112x1xf32> to vector<10000x1xf32>
    %mul3A = vector.broadcast %slice3A : vector<10000x1xf32> to vector<10000x64xf32>
    %mul3A_17 = arith.mulf %get3A_16, %mul3A : vector<10000x64xf32>
    %swap3A_18 = arith.constant 0 : index
    %swap3A_19 = arith.constant 0 : index
    %swap3A_20 = vector.load %arg2[%swap3A_18, %swap3A_19] : memref<10112x64xf32, #tpu.memory_space<vmem>>, vector<10000x64xf32>
    tpu.vector_store %arg2[%swap3A_18, %swap3A_19], %mul3A_17 {strides = array<i32>} : memref<10112x64xf32, #tpu.memory_space<vmem>>, vector<10000x64xf32>,
    %broadcast_in_dim3A = arith.constant 0.000000e+00 : f32
    %broadcast_in_dim3A_21 = vector.broadcast %broadcast_in_dim3A : f32 to vector<112x64xf32>
    %swap3A_22 = arith.constant 10000 : index
    %swap3A_23 = arith.constant 0 : index
    %swap3A_24 = vector.load %arg2[%swap3A_22, %swap3A_23] : memref<10112x64xf32, #tpu.memory_space<vmem>>, vector<112x64xf32>
    tpu.vector_store %arg2[%swap3A_22, %swap3A_23], %broadcast_in_dim3A_21 {strides = array<i32>} : memref<10112x64xf32, #tpu.memory_space<vmem>>, vector<112x64xf32>,
    return
  }
}

module attributes {stable_mosaic.version = 14 : i64} {
  func.func @_mid_body(%arg0: memref<2x10112x64xf32, #tpu.memory_space<vmem>>, %arg1: memref<10112x1xf32, #tpu.memory_space<vmem>>, %arg2: memref<1x64xf32, #tpu.memory_space<vmem>>, %arg3: memref<1x64xf32, #tpu.memory_space<vmem>>, %arg4: memref<1x64xf32, #tpu.memory_space<vmem>>, %arg5: memref<64x64xf32, #tpu.memory_space<vmem>>, %arg6: memref<10112x64xf32, #tpu.memory_space<vmem>>) attributes {dimension_semantics = [], scalar_prefetch = 0 : i64, scratch_operands = 0 : i64, tpu.core_type = #tpu.core_type<tc>} {
    %get3A = arith.constant 0 : index
    %get3A_0 = arith.constant 0 : index
    %get3A_1 = vector.load %arg1[%get3A, %get3A_0] : memref<10112x1xf32, #tpu.memory_space<vmem>>, vector<10000x1xf32>
    %get3A_2 = arith.constant 0 : index
    %get3A_3 = arith.constant 0 : index
    %get3A_4 = arith.constant 0 : index
    %get3A_5 = vector.load %arg0[%get3A_2, %get3A_3, %get3A_4] : memref<2x10112x64xf32, #tpu.memory_space<vmem>>, vector<1x10000x64xf32>
    %get3A_6 = vector.shape_cast %get3A_5 : vector<1x10000x64xf32> to vector<10000x64xf32>
    %get3A_7 = arith.constant 1 : index
    %get3A_8 = arith.constant 0 : index
    %get3A_9 = arith.constant 0 : index
    %get3A_10 = vector.load %arg0[%get3A_7, %get3A_8, %get3A_9] : memref<2x10112x64xf32, #tpu.memory_space<vmem>>, vector<1x10000x64xf32>
    %get3A_11 = vector.shape_cast %get3A_10 : vector<1x10000x64xf32> to vector<10000x64xf32>
    %add3A = arith.addf %get3A_6, %get3A_11 : vector<10000x64xf32>
    %mul3A = vector.broadcast %get3A_1 : vector<10000x1xf32> to vector<10000x64xf32>
    %mul3A_12 = arith.mulf %mul3A, %add3A : vector<10000x64xf32>
    %get3A_13 = arith.constant 0 : index
    %get3A_14 = arith.constant 0 : index
    %get3A_15 = vector.load %arg2[%get3A_13, %get3A_14] : memref<1x64xf32, #tpu.memory_space<vmem>>, vector<1x64xf32>
    %add3A_16 = vector.broadcast %get3A_15 : vector<1x64xf32> to vector<10000x64xf32>
    %add3A_17 = arith.addf %mul3A_12, %add3A_16 : vector<10000x64xf32>
    %reduce_sum3A = arith.constant dense<0.000000e+00> : vector<64xf32>
    %reduce_sum3A_18 = vector.multi_reduction <add>, %add3A_17, %reduce_sum3A [0] : vector<10000x64xf32> to vector<64xf32>
    %broadcast_in_dim3A = vector.shape_cast %reduce_sum3A_18 : vector<64xf32> to vector<1x64xf32>
    %div3A = arith.constant 1.000000e+04 : f32
    %div3A_19 = vector.broadcast %div3A : f32 to vector<1x64xf32>
    %div3A_20 = arith.divf %broadcast_in_dim3A, %div3A_19 : vector<1x64xf32>
    %mul3A_21 = arith.mulf %add3A_17, %add3A_17 : vector<10000x64xf32>
    %reduce_sum3A_22 = arith.constant dense<0.000000e+00> : vector<64xf32>
    %reduce_sum3A_23 = vector.multi_reduction <add>, %mul3A_21, %reduce_sum3A_22 [0] : vector<10000x64xf32> to vector<64xf32>
    %broadcast_in_dim3A_24 = vector.shape_cast %reduce_sum3A_23 : vector<64xf32> to vector<1x64xf32>
    %div3A_25 = arith.constant 1.000000e+04 : f32
    %div3A_26 = vector.broadcast %div3A_25 : f32 to vector<1x64xf32>
    %div3A_27 = arith.divf %broadcast_in_dim3A_24, %div3A_26 : vector<1x64xf32>
    %mul3A_28 = arith.mulf %div3A_20, %div3A_20 : vector<1x64xf32>
    %sub3A = arith.subf %div3A_27, %mul3A_28 : vector<1x64xf32>
    %get3A_29 = arith.constant 0 : index
    %get3A_30 = arith.constant 0 : index
    %get3A_31 = vector.load %arg3[%get3A_29, %get3A_30] : memref<1x64xf32, #tpu.memory_space<vmem>>, vector<1x64xf32>
    %sub3A_32 = vector.broadcast %div3A_20 : vector<1x64xf32> to vector<10000x64xf32>
    %sub3A_33 = arith.subf %add3A_17, %sub3A_32 : vector<10000x64xf32>
    %mul3A_34 = vector.broadcast %get3A_31 : vector<1x64xf32> to vector<10000x64xf32>
    %mul3A_35 = arith.mulf %mul3A_34, %sub3A_33 : vector<10000x64xf32>
    %add3A_36 = arith.constant 9.99999974E-6 : f32
    %add3A_37 = vector.broadcast %add3A_36 : f32 to vector<1x64xf32>
    %add3A_38 = arith.addf %sub3A, %add3A_37 : vector<1x64xf32>
    %rsqrt3A = math.rsqrt %add3A_38 : vector<1x64xf32>
    %mul3A_39 = vector.broadcast %rsqrt3A : vector<1x64xf32> to vector<10000x64xf32>
    %mul3A_40 = arith.mulf %mul3A_35, %mul3A_39 : vector<10000x64xf32>
    %get3A_41 = arith.constant 0 : index
    %get3A_42 = arith.constant 0 : index
    %get3A_43 = vector.load %arg4[%get3A_41, %get3A_42] : memref<1x64xf32, #tpu.memory_space<vmem>>, vector<1x64xf32>
    %add3A_44 = vector.broadcast %get3A_43 : vector<1x64xf32> to vector<10000x64xf32>
    %add3A_45 = arith.addf %mul3A_40, %add3A_44 : vector<10000x64xf32>
    %max3A = arith.constant 0.000000e+00 : f32
    %max3A_46 = vector.broadcast %max3A : f32 to vector<10000x64xf32>
    %max3A_47 = arith.maximumf %add3A_45, %max3A_46 : vector<10000x64xf32>
    %get3A_48 = arith.constant 0 : index
    %get3A_49 = arith.constant 0 : index
    %get3A_50 = vector.load %arg5[%get3A_48, %get3A_49] : memref<64x64xf32, #tpu.memory_space<vmem>>, vector<64x64xf32>
    %dot_general3A = arith.constant dense<0.000000e+00> : vector<10000x64xf32>
    %dot_general3A_51 = tpu.matmul %max3A_47, %get3A_50, %dot_general3A {dimension_numbers = #tpu.dot_dimension_numbers<[1], [0], [0], [1], [0, 0, 1, 1], [], []>, transpose_lhs_hint = false} : vector<10000x64xf32>, vector<64x64xf32>, vector<10000x64xf32> -> vector<10000x64xf32>
    %get3A_52 = arith.constant 0 : index
    %get3A_53 = arith.constant 0 : index
    %get3A_54 = vector.load %arg1[%get3A_52, %get3A_53] : memref<10112x1xf32, #tpu.memory_space<vmem>>, vector<10000x1xf32>
    %mul3A_55 = vector.broadcast %get3A_54 : vector<10000x1xf32> to vector<10000x64xf32>
    %mul3A_56 = arith.mulf %dot_general3A_51, %mul3A_55 : vector<10000x64xf32>
    %swap3A = arith.constant 0 : index
    %swap3A_57 = arith.constant 0 : index
    %swap3A_58 = vector.load %arg6[%swap3A, %swap3A_57] : memref<10112x64xf32, #tpu.memory_space<vmem>>, vector<10000x64xf32>
    tpu.vector_store %arg6[%swap3A, %swap3A_57], %mul3A_56 {strides = array<i32>} : memref<10112x64xf32, #tpu.memory_space<vmem>>, vector<10000x64xf32>,
    %broadcast_in_dim3A_59 = arith.constant 0.000000e+00 : f32
    %broadcast_in_dim3A_60 = vector.broadcast %broadcast_in_dim3A_59 : f32 to vector<112x64xf32>
    %swap3A_61 = arith.constant 10000 : index
    %swap3A_62 = arith.constant 0 : index
    %swap3A_63 = vector.load %arg6[%swap3A_61, %swap3A_62] : memref<10112x64xf32, #tpu.memory_space<vmem>>, vector<112x64xf32>
    tpu.vector_store %arg6[%swap3A_61, %swap3A_62], %broadcast_in_dim3A_60 {strides = array<i32>} : memref<10112x64xf32, #tpu.memory_space<vmem>>, vector<112x64xf32>,
    return
  }
}

module attributes {stable_mosaic.version = 14 : i64} {
  func.func @_mid_body(%arg0: memref<2x10112x64xf32, #tpu.memory_space<vmem>>, %arg1: memref<10112x1xf32, #tpu.memory_space<vmem>>, %arg2: memref<1x64xf32, #tpu.memory_space<vmem>>, %arg3: memref<1x64xf32, #tpu.memory_space<vmem>>, %arg4: memref<1x64xf32, #tpu.memory_space<vmem>>, %arg5: memref<64x16xf32, #tpu.memory_space<vmem>>, %arg6: memref<10112x16xf32, #tpu.memory_space<vmem>>) attributes {dimension_semantics = [], scalar_prefetch = 0 : i64, scratch_operands = 0 : i64, tpu.core_type = #tpu.core_type<tc>} {
    %get3A = arith.constant 0 : index
    %get3A_0 = arith.constant 0 : index
    %get3A_1 = vector.load %arg1[%get3A, %get3A_0] : memref<10112x1xf32, #tpu.memory_space<vmem>>, vector<10000x1xf32>
    %get3A_2 = arith.constant 0 : index
    %get3A_3 = arith.constant 0 : index
    %get3A_4 = arith.constant 0 : index
    %get3A_5 = vector.load %arg0[%get3A_2, %get3A_3, %get3A_4] : memref<2x10112x64xf32, #tpu.memory_space<vmem>>, vector<1x10000x64xf32>
    %get3A_6 = vector.shape_cast %get3A_5 : vector<1x10000x64xf32> to vector<10000x64xf32>
    %get3A_7 = arith.constant 1 : index
    %get3A_8 = arith.constant 0 : index
    %get3A_9 = arith.constant 0 : index
    %get3A_10 = vector.load %arg0[%get3A_7, %get3A_8, %get3A_9] : memref<2x10112x64xf32, #tpu.memory_space<vmem>>, vector<1x10000x64xf32>
    %get3A_11 = vector.shape_cast %get3A_10 : vector<1x10000x64xf32> to vector<10000x64xf32>
    %add3A = arith.addf %get3A_6, %get3A_11 : vector<10000x64xf32>
    %mul3A = vector.broadcast %get3A_1 : vector<10000x1xf32> to vector<10000x64xf32>
    %mul3A_12 = arith.mulf %mul3A, %add3A : vector<10000x64xf32>
    %get3A_13 = arith.constant 0 : index
    %get3A_14 = arith.constant 0 : index
    %get3A_15 = vector.load %arg2[%get3A_13, %get3A_14] : memref<1x64xf32, #tpu.memory_space<vmem>>, vector<1x64xf32>
    %add3A_16 = vector.broadcast %get3A_15 : vector<1x64xf32> to vector<10000x64xf32>
    %add3A_17 = arith.addf %mul3A_12, %add3A_16 : vector<10000x64xf32>
    %reduce_sum3A = arith.constant dense<0.000000e+00> : vector<64xf32>
    %reduce_sum3A_18 = vector.multi_reduction <add>, %add3A_17, %reduce_sum3A [0] : vector<10000x64xf32> to vector<64xf32>
    %broadcast_in_dim3A = vector.shape_cast %reduce_sum3A_18 : vector<64xf32> to vector<1x64xf32>
    %div3A = arith.constant 1.000000e+04 : f32
    %div3A_19 = vector.broadcast %div3A : f32 to vector<1x64xf32>
    %div3A_20 = arith.divf %broadcast_in_dim3A, %div3A_19 : vector<1x64xf32>
    %mul3A_21 = arith.mulf %add3A_17, %add3A_17 : vector<10000x64xf32>
    %reduce_sum3A_22 = arith.constant dense<0.000000e+00> : vector<64xf32>
    %reduce_sum3A_23 = vector.multi_reduction <add>, %mul3A_21, %reduce_sum3A_22 [0] : vector<10000x64xf32> to vector<64xf32>
    %broadcast_in_dim3A_24 = vector.shape_cast %reduce_sum3A_23 : vector<64xf32> to vector<1x64xf32>
    %div3A_25 = arith.constant 1.000000e+04 : f32
    %div3A_26 = vector.broadcast %div3A_25 : f32 to vector<1x64xf32>
    %div3A_27 = arith.divf %broadcast_in_dim3A_24, %div3A_26 : vector<1x64xf32>
    %mul3A_28 = arith.mulf %div3A_20, %div3A_20 : vector<1x64xf32>
    %sub3A = arith.subf %div3A_27, %mul3A_28 : vector<1x64xf32>
    %get3A_29 = arith.constant 0 : index
    %get3A_30 = arith.constant 0 : index
    %get3A_31 = vector.load %arg3[%get3A_29, %get3A_30] : memref<1x64xf32, #tpu.memory_space<vmem>>, vector<1x64xf32>
    %sub3A_32 = vector.broadcast %div3A_20 : vector<1x64xf32> to vector<10000x64xf32>
    %sub3A_33 = arith.subf %add3A_17, %sub3A_32 : vector<10000x64xf32>
    %mul3A_34 = vector.broadcast %get3A_31 : vector<1x64xf32> to vector<10000x64xf32>
    %mul3A_35 = arith.mulf %mul3A_34, %sub3A_33 : vector<10000x64xf32>
    %add3A_36 = arith.constant 9.99999974E-6 : f32
    %add3A_37 = vector.broadcast %add3A_36 : f32 to vector<1x64xf32>
    %add3A_38 = arith.addf %sub3A, %add3A_37 : vector<1x64xf32>
    %rsqrt3A = math.rsqrt %add3A_38 : vector<1x64xf32>
    %mul3A_39 = vector.broadcast %rsqrt3A : vector<1x64xf32> to vector<10000x64xf32>
    %mul3A_40 = arith.mulf %mul3A_35, %mul3A_39 : vector<10000x64xf32>
    %get3A_41 = arith.constant 0 : index
    %get3A_42 = arith.constant 0 : index
    %get3A_43 = vector.load %arg4[%get3A_41, %get3A_42] : memref<1x64xf32, #tpu.memory_space<vmem>>, vector<1x64xf32>
    %add3A_44 = vector.broadcast %get3A_43 : vector<1x64xf32> to vector<10000x64xf32>
    %add3A_45 = arith.addf %mul3A_40, %add3A_44 : vector<10000x64xf32>
    %max3A = arith.constant 0.000000e+00 : f32
    %max3A_46 = vector.broadcast %max3A : f32 to vector<10000x64xf32>
    %max3A_47 = arith.maximumf %add3A_45, %max3A_46 : vector<10000x64xf32>
    %get3A_48 = arith.constant 0 : index
    %get3A_49 = arith.constant 0 : index
    %get3A_50 = vector.load %arg5[%get3A_48, %get3A_49] : memref<64x16xf32, #tpu.memory_space<vmem>>, vector<64x16xf32>
    %dot_general3A = arith.constant dense<0.000000e+00> : vector<10000x16xf32>
    %dot_general3A_51 = tpu.matmul %max3A_47, %get3A_50, %dot_general3A {dimension_numbers = #tpu.dot_dimension_numbers<[1], [0], [0], [1], [0, 0, 1, 1], [], []>, transpose_lhs_hint = false} : vector<10000x64xf32>, vector<64x16xf32>, vector<10000x16xf32> -> vector<10000x16xf32>
    %get3A_52 = arith.constant 0 : index
    %get3A_53 = arith.constant 0 : index
    %get3A_54 = vector.load %arg1[%get3A_52, %get3A_53] : memref<10112x1xf32, #tpu.memory_space<vmem>>, vector<10000x1xf32>
    %mul3A_55 = vector.broadcast %get3A_54 : vector<10000x1xf32> to vector<10000x16xf32>
    %mul3A_56 = arith.mulf %dot_general3A_51, %mul3A_55 : vector<10000x16xf32>
    %swap3A = arith.constant 0 : index
    %swap3A_57 = arith.constant 0 : index
    %swap3A_58 = vector.load %arg6[%swap3A, %swap3A_57] : memref<10112x16xf32, #tpu.memory_space<vmem>>, vector<10000x16xf32>
    tpu.vector_store %arg6[%swap3A, %swap3A_57], %mul3A_56 {strides = array<i32>} : memref<10112x16xf32, #tpu.memory_space<vmem>>, vector<10000x16xf32>,
    %broadcast_in_dim3A_59 = arith.constant 0.000000e+00 : f32
    %broadcast_in_dim3A_60 = vector.broadcast %broadcast_in_dim3A_59 : f32 to vector<112x16xf32>
    %swap3A_61 = arith.constant 10000 : index
    %swap3A_62 = arith.constant 0 : index
    %swap3A_63 = vector.load %arg6[%swap3A_61, %swap3A_62] : memref<10112x16xf32, #tpu.memory_space<vmem>>, vector<112x16xf32>
    tpu.vector_store %arg6[%swap3A_61, %swap3A_62], %broadcast_in_dim3A_60 {strides = array<i32>} : memref<10112x16xf32, #tpu.memory_space<vmem>>, vector<112x16xf32>,
    return
  }
}

module attributes {stable_mosaic.version = 14 : i64} {
  func.func @_final_body(%arg0: memref<2x10112x16xf32, #tpu.memory_space<vmem>>, %arg1: memref<10112x1xf32, #tpu.memory_space<vmem>>, %arg2: memref<1x2xf32, #tpu.memory_space<vmem>>, %arg3: memref<1x2xf32, #tpu.memory_space<vmem>>, %arg4: memref<1x2xf32, #tpu.memory_space<vmem>>, %arg5: memref<10000x2xf32, #tpu.memory_space<vmem>>) attributes {dimension_semantics = [], scalar_prefetch = 0 : i64, scratch_operands = 0 : i64, tpu.core_type = #tpu.core_type<tc>} {
    %get3A = arith.constant 0 : index
    %get3A_0 = arith.constant 0 : index
    %get3A_1 = vector.load %arg1[%get3A, %get3A_0] : memref<10112x1xf32, #tpu.memory_space<vmem>>, vector<10000x1xf32>
    %get3A_2 = arith.constant 0 : index
    %get3A_3 = arith.constant 0 : index
    %get3A_4 = arith.constant 0 : index
    %get3A_5 = vector.load %arg0[%get3A_2, %get3A_3, %get3A_4] : memref<2x10112x16xf32, #tpu.memory_space<vmem>>, vector<1x10000x16xf32>
    %get3A_6 = vector.shape_cast %get3A_5 : vector<1x10000x16xf32> to vector<10000x16xf32>
    %get3A_7 = arith.constant 1 : index
    %get3A_8 = arith.constant 0 : index
    %get3A_9 = arith.constant 0 : index
    %get3A_10 = vector.load %arg0[%get3A_7, %get3A_8, %get3A_9] : memref<2x10112x16xf32, #tpu.memory_space<vmem>>, vector<1x10000x16xf32>
    %get3A_11 = vector.shape_cast %get3A_10 : vector<1x10000x16xf32> to vector<10000x16xf32>
    %add3A = arith.addf %get3A_6, %get3A_11 : vector<10000x16xf32>
    %mul3A = vector.broadcast %get3A_1 : vector<10000x1xf32> to vector<10000x16xf32>
    %mul3A_12 = arith.mulf %mul3A, %add3A : vector<10000x16xf32>
    %slice3A = vector.extract_strided_slice %mul3A_12 {offsets = [0, 0], sizes = [10000, 2], strides = [1, 1]} : vector<10000x16xf32> to vector<10000x2xf32>
    %get3A_13 = arith.constant 0 : index
    %get3A_14 = arith.constant 0 : index
    %get3A_15 = vector.load %arg2[%get3A_13, %get3A_14] : memref<1x2xf32, #tpu.memory_space<vmem>>, vector<1x2xf32>
    %add3A_16 = vector.broadcast %get3A_15 : vector<1x2xf32> to vector<10000x2xf32>
    %add3A_17 = arith.addf %slice3A, %add3A_16 : vector<10000x2xf32>
    %reduce_sum3A = arith.constant dense<0.000000e+00> : vector<2xf32>
    %reduce_sum3A_18 = vector.multi_reduction <add>, %add3A_17, %reduce_sum3A [0] : vector<10000x2xf32> to vector<2xf32>
    %broadcast_in_dim3A = vector.shape_cast %reduce_sum3A_18 : vector<2xf32> to vector<1x2xf32>
    %div3A = arith.constant 1.000000e+04 : f32
    %div3A_19 = vector.broadcast %div3A : f32 to vector<1x2xf32>
    %div3A_20 = arith.divf %broadcast_in_dim3A, %div3A_19 : vector<1x2xf32>
    %mul3A_21 = arith.mulf %add3A_17, %add3A_17 : vector<10000x2xf32>
    %reduce_sum3A_22 = arith.constant dense<0.000000e+00> : vector<2xf32>
    %reduce_sum3A_23 = vector.multi_reduction <add>, %mul3A_21, %reduce_sum3A_22 [0] : vector<10000x2xf32> to vector<2xf32>
    %broadcast_in_dim3A_24 = vector.shape_cast %reduce_sum3A_23 : vector<2xf32> to vector<1x2xf32>
    %div3A_25 = arith.constant 1.000000e+04 : f32
    %div3A_26 = vector.broadcast %div3A_25 : f32 to vector<1x2xf32>
    %div3A_27 = arith.divf %broadcast_in_dim3A_24, %div3A_26 : vector<1x2xf32>
    %mul3A_28 = arith.mulf %div3A_20, %div3A_20 : vector<1x2xf32>
    %sub3A = arith.subf %div3A_27, %mul3A_28 : vector<1x2xf32>
    %get3A_29 = arith.constant 0 : index
    %get3A_30 = arith.constant 0 : index
    %get3A_31 = vector.load %arg3[%get3A_29, %get3A_30] : memref<1x2xf32, #tpu.memory_space<vmem>>, vector<1x2xf32>
    %sub3A_32 = vector.broadcast %div3A_20 : vector<1x2xf32> to vector<10000x2xf32>
    %sub3A_33 = arith.subf %add3A_17, %sub3A_32 : vector<10000x2xf32>
    %mul3A_34 = vector.broadcast %get3A_31 : vector<1x2xf32> to vector<10000x2xf32>
    %mul3A_35 = arith.mulf %mul3A_34, %sub3A_33 : vector<10000x2xf32>
    %add3A_36 = arith.constant 9.99999974E-6 : f32
    %add3A_37 = vector.broadcast %add3A_36 : f32 to vector<1x2xf32>
    %add3A_38 = arith.addf %sub3A, %add3A_37 : vector<1x2xf32>
    %rsqrt3A = math.rsqrt %add3A_38 : vector<1x2xf32>
    %mul3A_39 = vector.broadcast %rsqrt3A : vector<1x2xf32> to vector<10000x2xf32>
    %mul3A_40 = arith.mulf %mul3A_35, %mul3A_39 : vector<10000x2xf32>
    %get3A_41 = arith.constant 0 : index
    %get3A_42 = arith.constant 0 : index
    %get3A_43 = vector.load %arg4[%get3A_41, %get3A_42] : memref<1x2xf32, #tpu.memory_space<vmem>>, vector<1x2xf32>
    %add3A_44 = vector.broadcast %get3A_43 : vector<1x2xf32> to vector<10000x2xf32>
    %add3A_45 = arith.addf %mul3A_40, %add3A_44 : vector<10000x2xf32>
    %swap3A = arith.constant 0 : index
    %swap3A_46 = arith.constant 0 : index
    %swap3A_47 = vector.load %arg5[%swap3A, %swap3A_46] : memref<10000x2xf32, #tpu.memory_space<vmem>>, vector<10000x2xf32>
    tpu.vector_store %arg5[%swap3A, %swap3A_46], %add3A_45 {strides = array<i32>} : memref<10000x2xf32, #tpu.memory_space<vmem>>, vector<10000x2xf32>,
    return
  }
}

</mosaic_0001>

<sc_bundles>
// kernel: kernel.11.cloned.1.call-start
scs
__scs_entry_jumppad:
0x0: {  	(pc) =	sbr.rel $0x88, $3  }
0x1: {  	(tag) =	ssettag $0x0;
	lr =	simm.s32 $0x1  }
0x2: {  	[smem:$0x3F93] =	sst lr;
	_ =	strace $0xD0000000  }
0x3: {  	_ = 	snop  }
0x4: {  	_ = 	snop  }
0x5: {  	_ = 	snop  }
0x6: {  	_ = 	snop  }
0x7: {  	_ = 	snop  }
__scs_overlays_trampoline_lowered:
0x8: {  	[smem:$0x3FA2] =	sst s0  }
0x9: {  	[smem:$0x3FA3] =	sst s1  }
0xa: {  	[smem:$0x3FA4] =	sst s2  }
0xb: {  	[smem:$0x3FA5] =	sst s3  }
0xc: {  	[smem:$0x3FA6] =	sst s4  }
0xd: {  	[smem:$0x3FA7] =	sst s5  }
0xe: {  	[smem:$0x3FA8] =	sst s6  }
0xf: {  	[smem:$0x3FA9] =	sst s7  }
0x10: {  	[smem:$0x3FAA] =	sst s8  }
0x11: {  	[smem:$0x3FAB] =	sst s9;
	s0 =	simm.s32 @!p0 $0x0  }
0x12: {  	s1 =	sld [smem:$0x3F91];
	s0 =	simm.s32 @p0 $0x1  }
0x13: {  	[smem:$0x3FAC] =	sst s0;
	s0 =	simm.s32 @!p1 $0x0  }
0x14: {  	s2 =	sld [smem:$0x3F90];
	s0 =	simm.s32 @p1 $0x1  }
0x15: {  	[smem:$0x3FAD] =	sst s0;
	s0 =	simm.s32 @!p2 $0x0  }
0x16: {  	s3 =	sld [smem:$0x3FDB];
	s0 =	simm.s32 @p2 $0x1  }
0x17: {  	s4 =	simm.s32 $0x1BF5;
	[smem:$0x3FAF] =	sst s0  }
0x18: {  	s0 =	sld [smem:$0x3F92];
	_ =	swait.ge [sflag:s4], $0x0  }
0x19: {  	s7 =	sld [smem:$0x3F93]  }
0x1a: {  	s8 =	sadd.s32 $0xFFFFE003, lr  }
0x1b: {  	s9 =	sadd.s32 $0xFFFFFEF7, lr;
	s5 =	simm.s32 $0xFFFFFFFF;
	p2 =	slt.u32 s8, $0xFFFFF086  }
0x1c: {  	p1 =	slt.u32 s9, $0xF7A;
	s5 =	simm.s32 @!p2 $0x0  }
0x1d: {  	s5 =	simm.s32 @p1 $0x1;
	p0 =	seq.s32 s7, s2  }
0x1e: {  	s7 =	smul.u32 @!p0 $0xF7A, s2;
	p2 =	seq.s32 @!p0 s5, $0x0  }
0x1f: {  	s9 =	smul.u32 $0xF7A, s1;
	s8 =	simm.s32 @!p0 $0x1BF5;
	p2 =	por !p2, p0  }
0x20: {  	[sflag:s8] =	ssyncset.s32 @!p0 $0xFFFFF086;
	s6 =	sadd.s32 @!p0 s3, s7;
	s7 =	simm.s32 @!p0 $0x108  }
0x21: {  	s3 =	sadd.s32 s3, s9;
	s6 =	sadd.s32 @!p0 $0x88, s6;
	s7 =	simm.s32 @p2 $0x1082  }
0x22: {  	[simem:s7], [sflag:s8] =	dma.local @!p0 [hbm:s6], $0xF7A  }
0x23: {  	s9 =	sor.u32 $0xD0000000, s2;
	s6 =	simm.s32 $0x108;
	_ =	swait.ge @!p0 [sflag:s8], $0x0  }
0x24: {  	s3 =	sadd.s32 $0x88, s3;
	s6 =	simm.s32 @!p1 $0x1082;
	[sflag:s4] =	ssyncset.s32 $0xFFFFF086  }
0x25: {  	[simem:s6], [sflag:s4] =	dma.local [hbm:s3], $0xF7A  }
0x26: {  	[smem:$0x3F93] =	sst s1;
	(tag) =	ssettag s2;
	_ =	strace s9  }
0x27: {  	s1 =	sld [smem:$0x3FA3]  }
0x28: {  	s2 =	sld [smem:$0x3FA4]  }
0x29: {  	s4 =	sld [smem:$0x3FA6]  }
0x2a: {  	p0 =	seq.s32 s5, $0x0;
	s5 =	sld [smem:$0x3FA7]  }
0x2b: {  	s6 =	sld [smem:$0x3FA8]  }
0x2c: {  	s7 =	sld [smem:$0x3FA9]  }
0x2d: {  	s3 =	simm.s32 $0x108;
	s8 =	sld [smem:$0x3FAA]  }
0x2e: {  	s3 =	simm.s32 @!p0 $0x1082;
	s9 =	sld [smem:$0x3FAB]  }
0x2f: {  	lr =	sadd.s32 s0, s3;
	s0 =	sld [smem:$0x3FA2]  }
0x30: {  	s3 =	sld [smem:$0x3FA5]  }
0x31: {  	[smem:$0x3FAE] =	sst s10  }
0x32: {  	s10 =	sld [smem:$0x3FAC];
	_ =	sdelay $0x3  }
0x33: {  	p0 =	seq.s32 s10, $0x1;
	s10 =	sld [smem:$0x3FAE];
	_ =	sdelay $0x3  }
0x34: {  	[smem:$0x3FAE] =	sst s10  }
0x35: {  	s10 =	sld [smem:$0x3FAD];
	_ =	sdelay $0x3  }
0x36: {  	p1 =	seq.s32 s10, $0x1;
	s10 =	sld [smem:$0x3FAE];
	_ =	sdelay $0x3  }
0x37: {  	[smem:$0x3FAE] =	sst s10  }
0x38: {  	s10 =	sld [smem:$0x3FAF]  }
0x39: {  	_ = 	snop;
	(pc) =	sbr.ind lr, $3  }
0x3a: {  	_ = 	snop  }
0x3b: {  	_ = 	snop  }
0x3c: {  	p2 =	seq.s32 s10, $0x1;
	s10 =	sld [smem:$0x3FAE]  }
0x3d: {  	_ =	shalt  }
0x3e: {  	_ =	shalt  }
0x3f: {  	_ =	shalt  }
0x40: {  	_ =	shalt  }
0x41: {  	_ =	shalt  }
0x42: {  	_ =	shalt  }
0x43: {  	_ =	shalt  }
0x44: {  	_ =	shalt  }
0x45: {  	_ =	shalt  }
0x46: {  	_ =	shalt  }
0x47: {  	_ =	shalt  }
0x48: {  	_ =	shalt  }
0x49: {  	_ =	shalt  }
0x4a: {  	_ =	shalt  }
0x4b: {  	_ =	shalt  }
0x4c: {  	_ =	shalt  }
0x4d: {  	_ =	shalt  }
0x4e: {  	_ =	shalt  }
0x4f: {  	_ =	shalt  }
0x50: {  	_ =	shalt  }
0x51: {  	_ =	shalt  }
0x52: {  	_ =	shalt  }
0x53: {  	_ =	shalt  }
0x54: {  	_ =	shalt  }
0x55: {  	_ =	shalt  }
0x56: {  	_ =	shalt  }
0x57: {  	_ =	shalt  }
0x58: {  	_ =	shalt  }
0x59: {  	_ =	shalt  }
0x5a: {  	_ =	shalt  }
0x5b: {  	_ =	shalt  }
0x5c: {  	_ =	shalt  }
0x5d: {  	_ =	shalt  }
0x5e: {  	_ =	shalt  }
0x5f: {  	_ =	shalt  }
0x60: {  	_ =	shalt  }
0x61: {  	_ =	shalt  }
0x62: {  	_ =	shalt  }
0x63: {  	_ =	shalt  }
0x64: {  	_ =	shalt  }
0x65: {  	_ =	shalt  }
0x66: {  	_ =	shalt  }
0x67: {  	_ =	shalt  }
0x68: {  	_ =	shalt  }
0x69: {  	_ =	shalt  }
0x6a: {  	_ =	shalt  }
0x6b: {  	_ =	shalt  }
0x6c: {  	_ =	shalt  }
0x6d: {  	_ =	shalt  }
0x6e: {  	_ =	shalt  }
0x6f: {  	_ =	shalt  }
0x70: {  	_ =	shalt  }
0x71: {  	_ =	shalt  }
0x72: {  	_ =	shalt  }
0x73: {  	_ =	shalt  }
0x74: {  	_ =	shalt  }
0x75: {  	_ =	shalt  }
0x76: {  	_ =	shalt  }
0x77: {  	_ =	shalt  }
0x78: {  	_ =	shalt  }
0x79: {  	_ =	shalt  }
0x7a: {  	_ =	shalt  }
0x7b: {  	_ =	shalt  }
0x7c: {  	_ =	shalt  }
0x7d: {  	_ =	shalt  }
0x7e: {  	_ =	shalt  }
0x7f: {  	_ =	shalt  }
0x80: {  	_ =	shalt  }
0x81: {  	_ =	shalt  }
0x82: {  	_ =	shalt  }
0x83: {  	_ =	shalt  }
0x84: {  	_ =	shalt  }
0x85: {  	_ =	shalt  }
0x86: {  	_ =	shalt  }
0x87: {  	_ =	shalt  }
.Lfunc_end0:
.L_simem_size_0:
called_computation_lowered:
.L_overlay_start_0:
0x88: {  	s2 =	sld [smem:$0x3FD9]  }
0x89: {  	s3 =	sld [smem:$0x3FFE];
	_ =	sdelay $0x1  }
0x8a: {  	s1 =	srdreg.scid  }
0x8b: {  	s0 =	sand.u32 $0x1, s1  }
0x8c: {  	s17 =	sshll.u32 s0, $0xA;
	s2 =	sadd.s32 s3, s2  }
0x8d: {  	s2 =	sadd.s32 s2, s17  }
0x8e: {  	[smem:$0x3FBA] =	sst s2  }
0x8f: {  	_ = 	snop  }
0x90: {  	s2 =	sld [smem:$0x3FD0];
	(tm) =	ssettm $0x1  }
0x91: {  	s18 =	sld [smem:$0x3FFB];
	_ =	sdelay $0x3  }
0x92: {  	_ =	strace s18  }
0x93: {  	s3 =	sld [smem:$0x3FFC];
	_ =	sdelay $0x3  }
0x94: {  	_ =	strace s3  }
0x95: {  	s3 =	sld [smem:$0x3FFD];
	_ =	sdelay $0x3  }
0x96: {  	_ =	strace s3  }
0x97: {  	_ =	strace $0x8FFFFFFF  }
0x98: {  	s19 =	sld [smem:$0x3FDB];
	_ =	sdelay $0x1  }
0x99: {  	s4 =	simm.s32 $_scs_section_size  }
0x9a: {  	s5 =	simm.s32 $_size__tile_overlayer_lowered;
	s6 =	simm.s32 $_tile_overlayer_lowered  }
0x9b: {  	s22 =	simm.s32 $0x1BFF;
	s21 =	sshll.u32 s6, $0x1;
	s3 =	sadd.s32 s4, s19  }
0x9c: {  	s7 =	simm.s32 $0x0;
	s20 =	sshll.u32 s5, $0x1;
	s5 =	sadd.s32 s21, s3  }
0x9d: {  	[timem:s7], [sflag:s22] =	dma.local [hbm:s5], s20  }
0x9e: {  	_ =	swait.ge [sflag:s22], s20  }
0x9f: {  	s4 =	ssub.s32 $0x0, s20;
	[sflag:s22] =	ssyncset.done $0x0  }
0xa0: {  	[sflag:s22] =	ssyncadd.s32 s4;
	_ =	sdelay $0x1  }
0xa1: {  	s23 =	simm.s32 $0x1B8B  }
0xa2: {  	_ =	swait.ge [sflag:s23], $0x1  }
0xa3: {  	[sflag:s23] =	ssyncset.done $0x0  }
0xa4: {  	s25 =	simm.s32 $0x1B8E;
	s24 =	sld [smem:$0x3FFE];
	[sflag:s23] =	ssyncadd.s32 $0xFFFFFFFF  }
0xa5: {  	s26 =	simm.s32 $execute0_lowered;
	[smem:$0x3FD2] =	sst s25  }
0xa6: {  	s5 =	sshll.u32 s26, $0x1;
	_ =	strace $0x80000046;
	[dreg:$0x1] =	wrdreg $0xFFFFFFFF  }
0xa7: {  	s28 =	simm.s32 $_size_execute0_lowered;
	s3 =	sadd.s32 s3, s5;
	[dreg:$0x0] =	wrdreg $0x0  }
0xa8: {  	s5 =	sshll.u32 s28, $0x1;
	[dreg:$0x2] =	wrdreg s3  }
0xa9: {  	[dreg:$0x3] =	wrdreg s5  }
0xaa: {  	[dreg:$0x4] =	wrdreg $0xC0  }
0xab: {  	_ =	task [dreg:s7], $0x5FFFF  }
0xac: {  	[dreg:$0x1] =	wrdreg $0xFFFFFFFF  }
0xad: {  	[dreg:$0x0] =	wrdreg $0x60  }
0xae: {  	[dreg:$0x2] =	wrdreg s24  }
0xaf: {  	[dreg:$0x3] =	wrdreg s2  }
0xb0: {  	[dreg:$0x4] =	wrdreg $0x2BE80  }
0xb1: {  	[dreg:$0x5] =	wrdreg $0x9  }
0xb2: {  	_ =	task.clear_ibuf [dreg:s7], $0x6FFFF;
	_ =	strace $0x90000046  }
0xb3: {  	s29 =	simm.s32 $0x9;
	_ =	strace $0x80000048  }
0xb4: {  	_ =	swait.ge [sflag:s29], $0x1  }
0xb5: {  	[sflag:s29] =	ssyncadd.s32 $0xFFFFFFFF  }
0xb6: {  	_ =	strace $0x90000048  }
0xb7: {  	_ =	sfence  }
0xb8: {  	s30 =	sld [smem:$0x0];
	_ =	sdelay $0x2  }
0xb9: {  	s31 =	sshll.u32 s1, $0xD;
	s1 =	sshrl.u32 s1, $0x2  }
0xba: {  	s3 =	sand.u32 $0x4000, s31;
	s1 =	sadd.s32 s1, s30  }
0xbb: {  	s0 =	sor.u32 s3, s0;
	s1 =	sshll.u32 s1, $0x11  }
0xbc: {  	s0 =	sor.u32 s1, s0  }
0xbd: {  	s0 =	sadd.s32 $0x8F2B, s0  }
0xbe: {  	[sflag:s0] =	ssyncadd.remote.s32 $0x1  }
0xbf: {  	_ =	sfence.sel $0xFFFF  }
0xc0: {  	[dreg:$0x0] =	wrdreg $0xFFFFFFFF;
	(pc) =	sbr.abs _section_cstart, $3  }
0xc1: {  	[dreg:$0x1] =	wrdreg $0xFFFFFFFF  }
0xc2: {  	_ =	task.clear_ibuf [dreg:s7], $0x2FFFF;
	_ =	strace $0x9FFFFFFF  }
0xc3: {  	(tm) =	ssettm $0x7FFFFFFF  }
tec
execute0_lowered:
.L_overlay_start_1:
0x0: {  	(tag) =	ssettag $0x1  }
0x1: {  	s6 =	rddreg [dreg:$0x0]  }
0x2: {  	s2 =	rddreg [dreg:$0x1]  }
0x3: {  	s3 =	rddreg [dreg:$0x2];
	s4 =	srdreg.scid  }
0x4: {  	s1 =	stileid.u32;
	s0 =	rddreg [dreg:$0x3];
	s13 =	simm.s32 $0x7D  }
0x5: {  	s14 =	simm.s32 $0x80;
	s15 =	simm.s32 $0x1;
	s16 =	simm.s32 $0x0  }
0x6: {  	s7 =	sand.u32 $0x1, s4;
	s8 =	smul.u32 $0x13C0, s1;
	s4 =	simm.s32 $0x0  }
0x7: {  	s31 =	sshll.u32 s1, $0x6;
	s5 =	smul.u32 $0x13C00, s7;
	s9 =	sshll.u32 s7, $0x4  }
0x8: {  	[smem:$0x7FF] =	sst s4;
	s7 =	ssub.s32 $0x2, s7;
	s9 =	sor.u32 s1, s9  }
0x9: {  	_ =	strace $0x80000047;
	s11 =	sshrl.u32 s7, $0x1;
	s9 =	smul.u32 $0x2800, s9  }
0xa: {  	s12 =	sadd.s32 s8, s3;
	s10 =	sadd.s32 s8, s5;
	s5 =	sadd.s32 $0x17200, s6  }
0xb: {  	s11 =	ssub.s32 s7, s11;
	s10 =	sshrl.u32 s10, $0x3;
	s9 =	sshrl.u32 s9, $0x3  }
0xc: {  	s10 =	sadd.s32 s10, s6;
	s9 =	sadd.s32 s6, s9;
	s6 =	sor.u32 $0x1C02, s31  }
0xd: {  	s8 =	sadd.s32 $0x17400, s10;
	s10 =	sshrl.u32 s12, $0x3;
	s12 =	simm.s32 $0x2800  }
0xe: {  	s7 =	sadd.s32 $0xD200, s9;
	s9 =	smax.u32 s11, $0x1;
	s11 =	simm.s32 $0x2  }
.LBB2_1:
0xf: {  	[spmem:s10], [sflag:s6] =	dma.local [hbm:s2], $0x278  }
0x10: {  	_ =	swait.ge [sflag:s11], $0x278  }
0x11: {  	[sflag:s11] =	ssyncset.done $0x0  }
0x12: {  	[sflag:s11] =	ssyncadd.s32 $0xFFFFFD88  }
0x13: {  	[tilespmem:s4], [sflag:$0x2] =	stream.linear.gather [hbm4b:s7+s4], $0x2800, $0x38;
	[tilespmem:$0x3FA8] =	vst v63  }
0x14: {  	_ =	swait.ge [sflag:s11], $0x2800  }
0x15: {  	[sflag:s11] =	ssyncset.done $0x0  }
0x16: {  	[sflag:s11] =	ssyncadd.s32 $0xFFFFD800  }
0x17: {  	[tilespmem:s12], [sflag:$0x2] =	stream.linear.gather [hbm4b:s5+s4], $0x3E8, $0x38;
	[tilespmem:$0x3FA8] =	vst v63  }
0x18: {  	_ =	swait.ge [sflag:s11], $0x3E8  }
0x19: {  	[sflag:s11] =	ssyncset.done $0x0  }
0x1a: {  	[sflag:s11] =	ssyncadd.s32 $0xFFFFFC18  }
0x1b: {  	[bflag:$0x0] =	sbarrier.arrive $0xFFFF  }
0x1c: {  	[spmem:s3] =	stream.indirect.scatter.add.f32 [tilespmem:s12], [sflag:$0x1], $0x8, s4, s13, $0xb8;
	[tilespmem:$0x3FA8] =	vst v63  }
0x1d: {  	_ = 	snop  }
0x1e: {  	[spmem:s3] =	stream.indirect.scatter.add.f32 [tilespmem:s12], [sflag:$0x1], $0x8, s14, s13, $0xb8;
	[tilespmem:$0x3FA8] =	vst v63  }
0x1f: {  	s17 =	simm.s32 $0x100  }
0x20: {  	[spmem:s3] =	stream.indirect.scatter.add.f32 [tilespmem:s12], [sflag:$0x1], $0x8, s17, s13, $0xb8;
	[tilespmem:$0x3FA8] =	vst v63  }
0x21: {  	_ =	swait.ge [sflag:s15], $0x3E8  }
0x22: {  	s17 =	simm.s32 $0x600;
	[sflag:s15] =	ssyncset.done $0x0  }
.LBB2_2:
0x23: {  	s18 =	sshra.s32 s17, $0x2;
	[sflag:s15] =	ssyncadd.s32 $0xFFFFFC18;
	p0 =	sne.s32 s17, $0x9E00  }
0x24: {  	[spmem:s3] =	stream.indirect.scatter.add.f32 [tilespmem:s12], [sflag:$0x1], $0x8, s18, s13, $0xb8;
	[tilespmem:$0x3FA8] =	vst v63  }
.Ltmp0:
0x25: {  	_ = 	snop;
	(pc) =	sbr.rel @p0 .LBB2_2-.Ltmp0, $4  }
0x26: {  	_ = 	snop  }
0x27: {  	s17 =	sadd.s32 $0x200, s17  }
0x28: {  	_ =	swait.ge [sflag:s15], $0x3E8  }
0x29: {  	[sflag:s15] =	ssyncset.done $0x0  }
0x2a: {  	[sflag:s15] =	ssyncadd.s32 $0xFFFFFC18  }
0x2b: {  	_ =	swait.ge [sflag:s15], $0x3E8  }
0x2c: {  	[sflag:s15] =	ssyncset.done $0x0  }
0x2d: {  	[sflag:s15] =	ssyncadd.s32 $0xFFFFFC18  }
0x2e: {  	_ =	swait.ge [sflag:s15], $0x3E8  }
0x2f: {  	s16 =	sadd.s32 $0x1, s16;
	[sflag:s15] =	ssyncset.done $0x0  }
0x30: {  	p0 =	sne.s32 s16, s9;
	[sflag:s15] =	ssyncadd.s32 $0xFFFFFC18  }
.Ltmp1:
0x31: {  	[bflag:$0x0] =	sbarrier.arrive $0xFFFF;
	(pc) =	sbr.rel @p0 .LBB2_1-.Ltmp1, $4  }
0x32: {  	[hbm:s8], [sflag:s6] =	dma.local [spmem:s10], $0x278  }
0x33: {  	_ =	swait.ge [sflag:s11], $0x278  }
0x34: {  	[sflag:s11] =	ssyncset.done $0x0  }
0x35: {  	[sflag:s11] =	ssyncadd.s32 $0xFFFFFD88  }
0x36: {  	_ =	sfence.sel $0x180000  }
0x37: {  	[bflag:$0x0] =	sbarrier.arrive $0xFFFF  }
0x38: {  	p0 =	sne.s32 s1, $0x0;
	_ =	strace $0x90000047  }
0x39: {  	s0 =	sadd.s32 @!p0 $0x100000, s0;
	[bflag:$0x2] =	sbarrier.arrive $0xFFFF  }
0x3a: {  	[sflag:s0] =	ssyncadd.tile.s32 @!p0 $0x1;
	_ =	shalt  }
.Lfunc_end2:
_tile_overlayer_lowered:
.L_overlay_start_2:
0x3b: {  	(tag) =	ssettag $0x2  }
0x3c: {  	s0 =	rddreg [dreg:$0x0];
	s2 =	stileid.u32  }
0x3d: {  	s1 =	rddreg [dreg:$0x1];
	p0 =	sne.s32 s2, $0x0  }
0x3e: {  	s3 =	rddreg [dreg:$0x2];
	[bflag:$0x3] =	sbarrier.arrive $0xFFFF;
	s2 =	simm.s32 @!p0 $0x1C02  }
0x3f: {  	[timem:s3], [sflag:s2] =	dma.local @!p0 [hbm:s0], s1  }
0x40: {  	s0 =	simm.s32 @!p0 $0x2  }
0x41: {  	_ =	swait.ge @!p0 [sflag:s0], s1  }
0x42: {  	s1 =	ssub.s32 @!p0 $0x0, s1;
	[sflag:s0] =	ssyncset.done @!p0 $0x0  }
0x43: {  	[sflag:s0] =	ssyncadd.s32 @!p0 s1  }
0x44: {  	[bflag:$0x3] =	sbarrier.arrive $0xFFFF  }
0x45: {  	_ =	shalt  }

// kernel: kernel.14.cloned.1.call-start
scs
__scs_entry_jumppad:
0x0: {  	(pc) =	sbr.rel $0x88, $3  }
0x1: {  	(tag) =	ssettag $0x0;
	lr =	simm.s32 $0x1  }
0x2: {  	[smem:$0x3F93] =	sst lr;
	_ =	strace $0xD0000000  }
0x3: {  	_ = 	snop  }
0x4: {  	_ = 	snop  }
0x5: {  	_ = 	snop  }
0x6: {  	_ = 	snop  }
0x7: {  	_ = 	snop  }
__scs_overlays_trampoline_lowered:
0x8: {  	[smem:$0x3FA2] =	sst s0  }
0x9: {  	[smem:$0x3FA3] =	sst s1  }
0xa: {  	[smem:$0x3FA4] =	sst s2  }
0xb: {  	[smem:$0x3FA5] =	sst s3  }
0xc: {  	[smem:$0x3FA6] =	sst s4  }
0xd: {  	[smem:$0x3FA7] =	sst s5  }
0xe: {  	[smem:$0x3FA8] =	sst s6  }
0xf: {  	[smem:$0x3FA9] =	sst s7  }
0x10: {  	[smem:$0x3FAA] =	sst s8  }
0x11: {  	[smem:$0x3FAB] =	sst s9;
	s0 =	simm.s32 @!p0 $0x0  }
0x12: {  	s1 =	sld [smem:$0x3F91];
	s0 =	simm.s32 @p0 $0x1  }
0x13: {  	[smem:$0x3FAC] =	sst s0;
	s0 =	simm.s32 @!p1 $0x0  }
0x14: {  	s2 =	sld [smem:$0x3F90];
	s0 =	simm.s32 @p1 $0x1  }
0x15: {  	[smem:$0x3FAD] =	sst s0;
	s0 =	simm.s32 @!p2 $0x0  }
0x16: {  	s3 =	sld [smem:$0x3FDB];
	s0 =	simm.s32 @p2 $0x1  }
0x17: {  	s4 =	simm.s32 $0x1BF5;
	[smem:$0x3FAF] =	sst s0  }
0x18: {  	s0 =	sld [smem:$0x3F92];
	_ =	swait.ge [sflag:s4], $0x0  }
0x19: {  	s7 =	sld [smem:$0x3F93]  }
0x1a: {  	s8 =	sadd.s32 $0xFFFFE003, lr  }
0x1b: {  	s9 =	sadd.s32 $0xFFFFFEF7, lr;
	s5 =	simm.s32 $0xFFFFFFFF;
	p2 =	slt.u32 s8, $0xFFFFF086  }
0x1c: {  	p1 =	slt.u32 s9, $0xF7A;
	s5 =	simm.s32 @!p2 $0x0  }
0x1d: {  	s5 =	simm.s32 @p1 $0x1;
	p0 =	seq.s32 s7, s2  }
0x1e: {  	s7 =	smul.u32 @!p0 $0xF7A, s2;
	p2 =	seq.s32 @!p0 s5, $0x0  }
0x1f: {  	s9 =	smul.u32 $0xF7A, s1;
	s8 =	simm.s32 @!p0 $0x1BF5;
	p2 =	por !p2, p0  }
0x20: {  	[sflag:s8] =	ssyncset.s32 @!p0 $0xFFFFF086;
	s6 =	sadd.s32 @!p0 s3, s7;
	s7 =	simm.s32 @!p0 $0x108  }
0x21: {  	s3 =	sadd.s32 s3, s9;
	s6 =	sadd.s32 @!p0 $0x88, s6;
	s7 =	simm.s32 @p2 $0x1082  }
0x22: {  	[simem:s7], [sflag:s8] =	dma.local @!p0 [hbm:s6], $0xF7A  }
0x23: {  	s9 =	sor.u32 $0xD0000000, s2;
	s6 =	simm.s32 $0x108;
	_ =	swait.ge @!p0 [sflag:s8], $0x0  }
0x24: {  	s3 =	sadd.s32 $0x88, s3;
	s6 =	simm.s32 @!p1 $0x1082;
	[sflag:s4] =	ssyncset.s32 $0xFFFFF086  }
0x25: {  	[simem:s6], [sflag:s4] =	dma.local [hbm:s3], $0xF7A  }
0x26: {  	[smem:$0x3F93] =	sst s1;
	(tag) =	ssettag s2;
	_ =	strace s9  }
0x27: {  	s1 =	sld [smem:$0x3FA3]  }
0x28: {  	s2 =	sld [smem:$0x3FA4]  }
0x29: {  	s4 =	sld [smem:$0x3FA6]  }
0x2a: {  	p0 =	seq.s32 s5, $0x0;
	s5 =	sld [smem:$0x3FA7]  }
0x2b: {  	s6 =	sld [smem:$0x3FA8]  }
0x2c: {  	s7 =	sld [smem:$0x3FA9]  }
0x2d: {  	s3 =	simm.s32 $0x108;
	s8 =	sld [smem:$0x3FAA]  }
0x2e: {  	s3 =	simm.s32 @!p0 $0x1082;
	s9 =	sld [smem:$0x3FAB]  }
0x2f: {  	lr =	sadd.s32 s0, s3;
	s0 =	sld [smem:$0x3FA2]  }
0x30: {  	s3 =	sld [smem:$0x3FA5]  }
0x31: {  	[smem:$0x3FAE] =	sst s10  }
0x32: {  	s10 =	sld [smem:$0x3FAC];
	_ =	sdelay $0x3  }
0x33: {  	p0 =	seq.s32 s10, $0x1;
	s10 =	sld [smem:$0x3FAE];
	_ =	sdelay $0x3  }
0x34: {  	[smem:$0x3FAE] =	sst s10  }
0x35: {  	s10 =	sld [smem:$0x3FAD];
	_ =	sdelay $0x3  }
0x36: {  	p1 =	seq.s32 s10, $0x1;
	s10 =	sld [smem:$0x3FAE];
	_ =	sdelay $0x3  }
0x37: {  	[smem:$0x3FAE] =	sst s10  }
0x38: {  	s10 =	sld [smem:$0x3FAF]  }
0x39: {  	_ = 	snop;
	(pc) =	sbr.ind lr, $3  }
0x3a: {  	_ = 	snop  }
0x3b: {  	_ = 	snop  }
0x3c: {  	p2 =	seq.s32 s10, $0x1;
	s10 =	sld [smem:$0x3FAE]  }
0x3d: {  	_ =	shalt  }
0x3e: {  	_ =	shalt  }
0x3f: {  	_ =	shalt  }
0x40: {  	_ =	shalt  }
0x41: {  	_ =	shalt  }
0x42: {  	_ =	shalt  }
0x43: {  	_ =	shalt  }
0x44: {  	_ =	shalt  }
0x45: {  	_ =	shalt  }
0x46: {  	_ =	shalt  }
0x47: {  	_ =	shalt  }
0x48: {  	_ =	shalt  }
0x49: {  	_ =	shalt  }
0x4a: {  	_ =	shalt  }
0x4b: {  	_ =	shalt  }
0x4c: {  	_ =	shalt  }
0x4d: {  	_ =	shalt  }
0x4e: {  	_ =	shalt  }
0x4f: {  	_ =	shalt  }
0x50: {  	_ =	shalt  }
0x51: {  	_ =	shalt  }
0x52: {  	_ =	shalt  }
0x53: {  	_ =	shalt  }
0x54: {  	_ =	shalt  }
0x55: {  	_ =	shalt  }
0x56: {  	_ =	shalt  }
0x57: {  	_ =	shalt  }
0x58: {  	_ =	shalt  }
0x59: {  	_ =	shalt  }
0x5a: {  	_ =	shalt  }
0x5b: {  	_ =	shalt  }
0x5c: {  	_ =	shalt  }
0x5d: {  	_ =	shalt  }
0x5e: {  	_ =	shalt  }
0x5f: {  	_ =	shalt  }
0x60: {  	_ =	shalt  }
0x61: {  	_ =	shalt  }
0x62: {  	_ =	shalt  }
0x63: {  	_ =	shalt  }
0x64: {  	_ =	shalt  }
0x65: {  	_ =	shalt  }
0x66: {  	_ =	shalt  }
0x67: {  	_ =	shalt  }
0x68: {  	_ =	shalt  }
0x69: {  	_ =	shalt  }
0x6a: {  	_ =	shalt  }
0x6b: {  	_ =	shalt  }
0x6c: {  	_ =	shalt  }
0x6d: {  	_ =	shalt  }
0x6e: {  	_ =	shalt  }
0x6f: {  	_ =	shalt  }
0x70: {  	_ =	shalt  }
0x71: {  	_ =	shalt  }
0x72: {  	_ =	shalt  }
0x73: {  	_ =	shalt  }
0x74: {  	_ =	shalt  }
0x75: {  	_ =	shalt  }
0x76: {  	_ =	shalt  }
0x77: {  	_ =	shalt  }
0x78: {  	_ =	shalt  }
0x79: {  	_ =	shalt  }
0x7a: {  	_ =	shalt  }
0x7b: {  	_ =	shalt  }
0x7c: {  	_ =	shalt  }
0x7d: {  	_ =	shalt  }
0x7e: {  	_ =	shalt  }
0x7f: {  	_ =	shalt  }
0x80: {  	_ =	shalt  }
0x81: {  	_ =	shalt  }
0x82: {  	_ =	shalt  }
0x83: {  	_ =	shalt  }
0x84: {  	_ =	shalt  }
0x85: {  	_ =	shalt  }
0x86: {  	_ =	shalt  }
0x87: {  	_ =	shalt  }
.Lfunc_end0:
.L_simem_size_0:
called_computation.1_lowered:
.L_overlay_start_0:
0x88: {  	s2 =	sld [smem:$0x3FD9]  }
0x89: {  	s3 =	sld [smem:$0x3FFE];
	_ =	sdelay $0x1  }
0x8a: {  	s1 =	srdreg.scid  }
0x8b: {  	s0 =	sand.u32 $0x1, s1  }
0x8c: {  	s16 =	sshll.u32 s0, $0xA;
	s2 =	sadd.s32 s3, s2  }
0x8d: {  	s2 =	sadd.s32 s2, s16  }
0x8e: {  	[smem:$0x3FBA] =	sst s2  }
0x8f: {  	_ = 	snop  }
0x90: {  	(tm) =	ssettm $0x1  }
0x91: {  	s17 =	sld [smem:$0x3FFB];
	_ =	sdelay $0x3  }
0x92: {  	_ =	strace s17  }
0x93: {  	s2 =	sld [smem:$0x3FFC];
	_ =	sdelay $0x3  }
0x94: {  	_ =	strace s2  }
0x95: {  	s2 =	sld [smem:$0x3FFD];
	_ =	sdelay $0x3  }
0x96: {  	_ =	strace s2  }
0x97: {  	_ =	strace $0x8FFFFFFF  }
0x98: {  	s18 =	sld [smem:$0x3FDB];
	_ =	sdelay $0x1  }
0x99: {  	s19 =	simm.s32 $_scs_section_size  }
0x9a: {  	s4 =	simm.s32 $_size__tile_overlayer_lowered;
	s5 =	simm.s32 $_tile_overlayer_lowered  }
0x9b: {  	s22 =	simm.s32 $0x1BFF;
	s21 =	sshll.u32 s5, $0x1;
	s2 =	sadd.s32 s19, s18  }
0x9c: {  	s6 =	simm.s32 $0x0;
	s20 =	sshll.u32 s4, $0x1;
	s4 =	sadd.s32 s21, s2  }
0x9d: {  	[timem:s6], [sflag:s22] =	dma.local [hbm:s4], s20  }
0x9e: {  	_ =	swait.ge [sflag:s22], s20  }
0x9f: {  	s3 =	ssub.s32 $0x0, s20;
	[sflag:s22] =	ssyncset.done $0x0  }
0xa0: {  	[sflag:s22] =	ssyncadd.s32 s3;
	_ =	sdelay $0x1  }
0xa1: {  	s23 =	simm.s32 $0x1B8B  }
0xa2: {  	_ =	swait.ge [sflag:s23], $0x1  }
0xa3: {  	[sflag:s23] =	ssyncset.done $0x0  }
0xa4: {  	s25 =	simm.s32 $0x1B8E;
	s24 =	sld [smem:$0x3FFE];
	[sflag:s23] =	ssyncadd.s32 $0xFFFFFFFF  }
0xa5: {  	s26 =	simm.s32 $execute0_lowered;
	[smem:$0x3FD2] =	sst s25  }
0xa6: {  	s4 =	sshll.u32 s26, $0x1;
	_ =	strace $0x80000049;
	[dreg:$0x1] =	wrdreg $0xFFFFFFFF  }
0xa7: {  	s28 =	simm.s32 $_size_execute0_lowered;
	s2 =	sadd.s32 s2, s4;
	[dreg:$0x0] =	wrdreg $0x0  }
0xa8: {  	s4 =	sshll.u32 s28, $0x1;
	[dreg:$0x2] =	wrdreg s2  }
0xa9: {  	[dreg:$0x3] =	wrdreg s4  }
0xaa: {  	[dreg:$0x4] =	wrdreg $0xC0  }
0xab: {  	_ =	task [dreg:s6], $0x5FFFF  }
0xac: {  	[dreg:$0x1] =	wrdreg $0xFFFFFFFF  }
0xad: {  	[dreg:$0x0] =	wrdreg $0x60  }
0xae: {  	[dreg:$0x2] =	wrdreg s24  }
0xaf: {  	[dreg:$0x3] =	wrdreg $0xCE000  }
0xb0: {  	[dreg:$0x4] =	wrdreg $0x9  }
0xb1: {  	_ =	task.clear_ibuf [dreg:s6], $0x5FFFF;
	_ =	strace $0x90000049  }
0xb2: {  	s29 =	simm.s32 $0x9;
	_ =	strace $0x8000004B  }
0xb3: {  	_ =	swait.ge [sflag:s29], $0x1  }
0xb4: {  	[sflag:s29] =	ssyncadd.s32 $0xFFFFFFFF  }
0xb5: {  	_ =	strace $0x9000004B  }
0xb6: {  	_ =	sfence  }
0xb7: {  	s30 =	sld [smem:$0x0];
	_ =	sdelay $0x2  }
0xb8: {  	s31 =	sshll.u32 s1, $0xD;
	s1 =	sshrl.u32 s1, $0x2  }
0xb9: {  	s3 =	sand.u32 $0x4000, s31;
	s1 =	sadd.s32 s1, s30  }
0xba: {  	s0 =	sor.u32 s3, s0;
	s1 =	sshll.u32 s1, $0x11  }
0xbb: {  	s0 =	sor.u32 s1, s0  }
0xbc: {  	s0 =	sadd.s32 $0x8F2B, s0  }
0xbd: {  	[sflag:s0] =	ssyncadd.remote.s32 $0x1  }
0xbe: {  	_ =	sfence.sel $0xFFFF  }
0xbf: {  	[dreg:$0x0] =	wrdreg $0xFFFFFFFF;
	(pc) =	sbr.abs _section_cstart, $3  }
0xc0: {  	[dreg:$0x1] =	wrdreg $0xFFFFFFFF  }
0xc1: {  	_ =	task.clear_ibuf [dreg:s6], $0x2FFFF;
	_ =	strace $0x9FFFFFFF  }
0xc2: {  	(tm) =	ssettm $0x7FFFFFFF  }
0xc3: {  	_ =	shalt  }
tec
execute0_lowered:
.L_overlay_start_1:
0x0: {  	(tag) =	ssettag $0x1  }
0x1: {  	s0 =	srdreg.scid  }
0x2: {  	s1 =	rddreg [dreg:$0x0];
	s15 =	stileid.u32  }
0x3: {  	s2 =	rddreg [dreg:$0x1];
	s17 =	simm.s32 $0x3;
	s19 =	simm.s32 $0x2900  }
0x4: {  	s20 =	simm.s32 $0x7D;
	s21 =	simm.s32 $0x5100;
	s23 =	simm.s32 $0x7040  }
0x5: {  	s24 =	simm.s32 $0x1;
	s31 =	simm.s32 $0x2;
	s8 =	smul.u32 $0x9E00, s15  }
0x6: {  	s0 =	sand.u32 $0x1, s0;
	s28 =	sadd.s32 $0x1C400, s1;
	s11 =	smul.u32 $0x27800, s15  }
0x7: {  	s29 =	sadd.s32 $0x17200, s1;
	s3 =	sshll.u32 s0, $0x4;
	s6 =	smul.u32 $0x9E000, s0  }
0x8: {  	s9 =	ssub.s32 $0x2, s0;
	p0 =	sne.s32 s0, $0x0;
	s4 =	sor.u32 s15, s3  }
0x9: {  	s3 =	simm.s32 $0x0;
	s12 =	sshrl.u32 s9, $0x1;
	s30 =	sshrl.u32 s11, $0x2  }
0xa: {  	s0 =	sshll.u32 @p0 s15, $0x6;
	s4 =	smul.u32 $0x2800, s4;
	[smem:$0x7FF] =	sst s3  }
0xb: {  	s7 =	sadd.s32 s8, s6;
	s12 =	ssub.s32 s9, s12;
	s14 =	sadd.s32 s30, s2  }
0xc: {  	s13 =	sor.u32 @p0 $0x1C03, s0;
	_ =	strace $0x8000004A;
	[dreg:$0x3] =	wrdreg s28  }
0xd: {  	s0 =	sshll.u32 @!p0 s15, $0x6;
	[dreg:$0x4] =	wrdreg s29;
	s7 =	sshrl.u32 s7, $0x3  }
0xe: {  	s12 =	smax.u32 s12, $0x1;
	s14 =	sshrl.u32 @p0 s14, $0x3;
	s5 =	sshrl.u32 s4, $0x3  }
0xf: {  	s15 =	sor.u32 @!p0 $0x1C03, s0;
	s4 =	sadd.s32 $0x1C600, s1;
	s10 =	sadd.s32 s5, s1  }
0x10: {  	s1 =	sadd.s32 s7, s1;
	s7 =	sadd.s32 s8, s2;
	s8 =	sshrl.u32 s8, $0x3  }
0x11: {  	s8 =	sadd.s32 s4, s8;
	s9 =	sadd.s32 $0x3200, s10;
	s10 =	sadd.s32 $0xD200, s10  }
0x12: {  	s11 =	sadd.s32 $0x30200, s1;
	s16 =	sshrl.u32 @!p0 s7, $0x3;
	s1 =	simm.s32 $0x0  }
.LBB2_1:
0x13: {  	s0 =	rddreg [dreg:$0x4]  }
0x14: {  	[spmem:s14], [sflag:s13] =	dma.local @p0 [hbm:s0], $0x13C0  }
0x15: {  	[spmem:s16], [sflag:s15] =	dma.local @!p0 [hbm:s8], $0x13C0  }
0x16: {  	_ =	swait.ge [sflag:s17], $0x13C0  }
0x17: {  	[sflag:s17] =	ssyncset.done $0x0  }
0x18: {  	[sflag:s17] =	ssyncadd.s32 $0xFFFFEC40  }
0x19: {  	[tilespmem:s3], [sflag:$0x3] =	stream.linear.gather [hbm4b:s9+s3], $0x2800, $0x38;
	[tilespmem:$0x16C00] =	vst v63  }
0x1a: {  	_ =	swait.ge [sflag:s17], $0x2800  }
0x1b: {  	[sflag:s17] =	ssyncset.done $0x0  }
0x1c: {  	s5 =	simm.s32 $0x2800;
	s30 =	rddreg [dreg:$0x3];
	[sflag:s17] =	ssyncadd.s32 $0xFFFFD800  }
0x1d: {  	[tilespmem:s5], [sflag:$0x3] =	stream.linear.gather [hbm4b:s30+s3], $0x100, $0x38;
	[tilespmem:$0x16C00] =	vst v63  }
0x1e: {  	_ =	swait.ge [sflag:s17], $0x100  }
0x1f: {  	[sflag:s17] =	ssyncset.done $0x0  }
0x20: {  	[sflag:s17] =	ssyncadd.s32 $0xFFFFFF00  }
0x21: {  	[tilespmem:s19], [sflag:$0x3] =	stream.linear.gather [hbm4b:s10+s3], $0x2800, $0x38;
	[tilespmem:$0x16C00] =	vst v63  }
0x22: {  	_ =	swait.ge [sflag:s17], $0x2800  }
0x23: {  	[sflag:s17] =	ssyncset.done $0x0  }
0x24: {  	[sflag:s17] =	ssyncadd.s32 $0xFFFFD800  }
0x25: {  	[bflag:$0x0] =	sbarrier.arrive $0xFFFF  }
0x26: {  	[tilespmem:s21], [sflag:$0x1] =	stream.indirect.gather [hbm4b:s4+s20], $0x40, s3, s20, $0xb8;
	[tilespmem:$0x16C00] =	vst v63  }
0x27: {  	s5 =	simm.s32 $0x80  }
0x28: {  	[tilespmem:s23], [sflag:$0x1] =	stream.indirect.gather [hbm4b:s4+s20], $0x40, s5, s20, $0xb8;
	[tilespmem:$0x16C00] =	vst v63  }
0x29: {  	_ =	swait.ge [sflag:s24], $0x1F40  }
0x2a: {  	[sflag:s24] =	ssyncset.done $0x0  }
0x2b: {  	[sflag:s24] =	ssyncadd.s32 $0xFFFFE0C0  }
0x2c: {  	[spmem:s2] =	stream.indirect.scatter.add.f32 [tilespmem:s21], [sflag:$0x2], $0x40, s19, s20, $0xb8;
	[tilespmem:$0x16C00] =	vst v63  }
0x2d: {  	s6 =	simm.s32 $0x100;
	s18 =	simm.s32 $0x8F80  }
0x2e: {  	[tilespmem:s18], [sflag:$0x1] =	stream.indirect.gather [hbm4b:s4+s20], $0x40, s6, s20, $0xb8;
	[tilespmem:$0x16C00] =	vst v63  }
0x2f: {  	s22 =	simm.s32 $0x2980;
	_ =	swait.ge [sflag:s24], $0x1F40  }
0x30: {  	s25 =	simm.s32 $0x180;
	s30 =	simm.s32 $0x2;
	[sflag:s24] =	ssyncset.done $0x0  }
0x31: {  	s26 =	simm.s32 $0xAEC0;
	s0 =	sand.u32 $0x3, s30;
	[sflag:s24] =	ssyncadd.s32 $0xFFFFE0C0  }
0x32: {  	[spmem:s2] =	stream.indirect.scatter.add.f32 [tilespmem:s23], [sflag:$0x2], $0x40, s22, s20, $0xb8;
	[tilespmem:$0x16C00] =	vst v63  }
0x33: {  	s29 =	simm.s32 $0x3;
	s28 =	smul.u32 $0x7D00, s0;
	s0 =	simm.s32 $0x5  }
0x34: {  	[tilespmem:s26], [sflag:$0x1] =	stream.indirect.gather [hbm4b:s4+s20], $0x40, s25, s20, $0xb8;
	[tilespmem:$0x16C00] =	vst v63  }
0x35: {  	s28 =	sshrl.u32 s28, $0x2;
	s18 =	simm.s32 $0x4;
	_ =	swait.ge [sflag:s24], $0x1F40  }
0x36: {  	s28 =	sadd.s32 $0x5100, s28;
	s18 =	sand.u32 $0x3, s18;
	[sflag:s24] =	ssyncset.done $0x0  }
0x37: {  	s22 =	simm.s32 $0x200;
	s25 =	simm.s32 $0x2A00;
	[sflag:s24] =	ssyncadd.s32 $0xFFFFE0C0  }
0x38: {  	[spmem:s2] =	stream.indirect.scatter.add.f32 [tilespmem:s28], [sflag:$0x2], $0x40, s25, s20, $0xb8;
	[tilespmem:$0x16C00] =	vst v63  }
0x39: {  	s26 =	simm.s32 $0x6;
	s28 =	smul.u32 $0x7D00, s18;
	_ =	swait.ge [sflag:s31], $0x1F40  }
0x3a: {  	s18 =	simm.s32 $0x280;
	s25 =	simm.s32 $0x2A80;
	[sflag:s31] =	ssyncset.done $0x0  }
.LBB2_2:
0x3b: {  	s29 =	sand.u32 $0x3, s29  }
0x3c: {  	s28 =	sshrl.u32 s28, $0x2;
	s30 =	smov.u32 s26;
	s5 =	sadd.s32 $0x1, s26  }
0x3d: {  	s6 =	smov.u32 s22;
	s22 =	smov.u32 s18;
	p1 =	sne.s32 s26, $0x51  }
0x3e: {  	s29 =	smul.u32 $0x7D00, s29;
	s28 =	sadd.s32 $0x5100, s28;
	[sflag:s31] =	ssyncadd.s32 $0xFFFFE0C0  }
0x3f: {  	[tilespmem:s28], [sflag:$0x1] =	stream.indirect.gather [hbm4b:s4+s20], $0x40, s6, s20, $0xb8;
	[tilespmem:$0x16C00] =	vst v63  }
0x40: {  	s26 =	sand.u32 $0x3, s0;
	s6 =	sshrl.u32 s29, $0x2;
	_ =	swait.ge [sflag:s24], $0x1F40  }
.Ltmp0:
0x41: {  	s6 =	sadd.s32 $0x5100, s6;
	[sflag:s24] =	ssyncset.done $0x0;
	(pc) =	sbr.rel @p1 .LBB2_2-.Ltmp0, $4  }
0x42: {  	s18 =	sadd.s32 $0x80, s18;
	s0 =	smov.u32 s30;
	[sflag:s24] =	ssyncadd.s32 $0xFFFFE0C0  }
0x43: {  	[spmem:s2] =	stream.indirect.scatter.add.f32 [tilespmem:s6], [sflag:$0x2], $0x40, s25, s20, $0xb8;
	[tilespmem:$0x16C00] =	vst v63  }
0x44: {  	s28 =	smul.u32 $0x7D00, s26;
	s26 =	smov.u32 s5;
	_ =	swait.ge [sflag:s31], $0x1F40  }
0x45: {  	s29 =	sadd.s32 $0xFFFFFFFE, s0;
	s25 =	sadd.s32 $0x80, s25;
	[sflag:s31] =	ssyncset.done $0x0  }
0x46: {  	s5 =	sand.u32 $0x3, s29;
	s6 =	sshrl.u32 s28, $0x2  }
0x47: {  	[sflag:s31] =	ssyncadd.s32 $0xFFFFE0C0;
	s5 =	smul.u32 $0x7D00, s5;
	s6 =	sadd.s32 $0x5100, s6  }
0x48: {  	[tilespmem:s6], [sflag:$0x1] =	stream.indirect.gather [hbm4b:s4+s20], $0x40, s22, s20, $0xb8;
	[tilespmem:$0x16C00] =	vst v63  }
0x49: {  	_ =	swait.ge [sflag:s24], $0x1F40  }
0x4a: {  	s0 =	sand.u32 $0x3, s0;
	s5 =	sshrl.u32 s5, $0x2;
	[sflag:s24] =	ssyncset.done $0x0  }
0x4b: {  	s0 =	smul.u32 $0x7D00, s0;
	s5 =	sadd.s32 $0x5100, s5;
	[sflag:s24] =	ssyncadd.s32 $0xFFFFE0C0  }
0x4c: {  	[spmem:s2] =	stream.indirect.scatter.add.f32 [tilespmem:s5], [sflag:$0x2], $0x40, s25, s20, $0xb8;
	[tilespmem:$0x16C00] =	vst v63  }
0x4d: {  	_ =	swait.ge [sflag:s31], $0x1F40  }
0x4e: {  	s0 =	sshrl.u32 s0, $0x2;
	[sflag:s31] =	ssyncset.done $0x0  }
0x4f: {  	s0 =	sadd.s32 $0x5100, s0;
	[sflag:s31] =	ssyncadd.s32 $0xFFFFE0C0  }
0x50: {  	[tilespmem:s0], [sflag:$0x1] =	stream.indirect.gather [hbm4b:s4+s20], $0x40, s18, s20, $0xb8;
	[tilespmem:$0x16C00] =	vst v63  }
0x51: {  	_ =	swait.ge [sflag:s31], $0x1F40  }
0x52: {  	[sflag:s31] =	ssyncset.done $0x0  }
0x53: {  	[sflag:s31] =	ssyncadd.s32 $0xFFFFE0C0  }
0x54: {  	_ =	swait.ge [sflag:s31], $0x1F40  }
0x55: {  	[sflag:s31] =	ssyncset.done $0x0  }
0x56: {  	[sflag:s31] =	ssyncadd.s32 $0xFFFFE0C0  }
0x57: {  	_ =	swait.ge [sflag:s24], $0x1F40  }
0x58: {  	[sflag:s24] =	ssyncset.done $0x0  }
0x59: {  	[sflag:s24] =	ssyncadd.s32 $0xFFFFE0C0  }
0x5a: {  	s29 =	stileid.u32;
	_ =	swait.ge [sflag:s24], $0x1F40  }
0x5b: {  	s30 =	sshrl.u32 s7, $0x3;
	s1 =	sadd.s32 $0x1, s1;
	[sflag:s24] =	ssyncset.done $0x0  }
0x5c: {  	p1 =	sne.s32 s1, s12;
	s0 =	sshll.u32 s29, $0x6;
	[sflag:s24] =	ssyncadd.s32 $0xFFFFE0C0  }
.Ltmp1:
0x5d: {  	s0 =	sor.u32 $0x1C03, s0;
	[bflag:$0x0] =	sbarrier.arrive $0xFFFF;
	(pc) =	sbr.rel @p1 .LBB2_1-.Ltmp1, $4  }
0x5e: {  	[hbm:s11], [sflag:s0] =	dma.local [spmem:s30], $0x13C0  }
0x5f: {  	_ =	swait.ge [sflag:s17], $0x13C0  }
0x60: {  	[sflag:s17] =	ssyncset.done $0x0  }
0x61: {  	[sflag:s17] =	ssyncadd.s32 $0xFFFFEC40  }
0x62: {  	_ =	sfence.sel $0x180000  }
0x63: {  	[bflag:$0x0] =	sbarrier.arrive $0xFFFF  }
0x64: {  	_ =	strace $0x9000004A  }
0x65: {  	s0 =	stileid.u32;
	[bflag:$0x2] =	sbarrier.arrive $0xFFFF  }
0x66: {  	p0 =	sne.s32 s0, $0x0;
	s0 =	rddreg [dreg:$0x2]  }
0x67: {  	s0 =	sadd.s32 @!p0 $0x100000, s0  }
0x68: {  	[sflag:s0] =	ssyncadd.tile.s32 @!p0 $0x1;
	_ =	shalt  }
.Lfunc_end2:
_tile_overlayer_lowered:
.L_overlay_start_2:
0x69: {  	(tag) =	ssettag $0x2  }
0x6a: {  	s0 =	rddreg [dreg:$0x0];
	s2 =	stileid.u32  }
0x6b: {  	s1 =	rddreg [dreg:$0x1];
	p0 =	sne.s32 s2, $0x0  }
0x6c: {  	s3 =	rddreg [dreg:$0x2];
	[bflag:$0x3] =	sbarrier.arrive $0xFFFF;
	s2 =	simm.s32 @!p0 $0x1C03  }
0x6d: {  	[timem:s3], [sflag:s2] =	dma.local @!p0 [hbm:s0], s1  }
0x6e: {  	s0 =	simm.s32 @!p0 $0x3  }
0x6f: {  	_ =	swait.ge @!p0 [sflag:s0], s1  }
0x70: {  	s1 =	ssub.s32 @!p0 $0x0, s1;
	[sflag:s0] =	ssyncset.done @!p0 $0x0  }
0x71: {  	[sflag:s0] =	ssyncadd.s32 @!p0 s1  }
0x72: {  	[bflag:$0x3] =	sbarrier.arrive $0xFFFF  }
0x73: {  	_ =	shalt  }

// kernel: kernel.17.cloned.1.call-start
scs
__scs_entry_jumppad:
0x0: {  	(pc) =	sbr.rel $0x88, $3  }
0x1: {  	(tag) =	ssettag $0x0;
	lr =	simm.s32 $0x1  }
0x2: {  	[smem:$0x3F93] =	sst lr;
	_ =	strace $0xD0000000  }
0x3: {  	_ = 	snop  }
0x4: {  	_ = 	snop  }
0x5: {  	_ = 	snop  }
0x6: {  	_ = 	snop  }
0x7: {  	_ = 	snop  }
__scs_overlays_trampoline_lowered:
0x8: {  	[smem:$0x3FA2] =	sst s0  }
0x9: {  	[smem:$0x3FA3] =	sst s1  }
0xa: {  	[smem:$0x3FA4] =	sst s2  }
0xb: {  	[smem:$0x3FA5] =	sst s3  }
0xc: {  	[smem:$0x3FA6] =	sst s4  }
0xd: {  	[smem:$0x3FA7] =	sst s5  }
0xe: {  	[smem:$0x3FA8] =	sst s6  }
0xf: {  	[smem:$0x3FA9] =	sst s7  }
0x10: {  	[smem:$0x3FAA] =	sst s8  }
0x11: {  	[smem:$0x3FAB] =	sst s9;
	s0 =	simm.s32 @!p0 $0x0  }
0x12: {  	s1 =	sld [smem:$0x3F91];
	s0 =	simm.s32 @p0 $0x1  }
0x13: {  	[smem:$0x3FAC] =	sst s0;
	s0 =	simm.s32 @!p1 $0x0  }
0x14: {  	s2 =	sld [smem:$0x3F90];
	s0 =	simm.s32 @p1 $0x1  }
0x15: {  	[smem:$0x3FAD] =	sst s0;
	s0 =	simm.s32 @!p2 $0x0  }
0x16: {  	s3 =	sld [smem:$0x3FDB];
	s0 =	simm.s32 @p2 $0x1  }
0x17: {  	s4 =	simm.s32 $0x1BF5;
	[smem:$0x3FAF] =	sst s0  }
0x18: {  	s0 =	sld [smem:$0x3F92];
	_ =	swait.ge [sflag:s4], $0x0  }
0x19: {  	s7 =	sld [smem:$0x3F93]  }
0x1a: {  	s8 =	sadd.s32 $0xFFFFE003, lr  }
0x1b: {  	s9 =	sadd.s32 $0xFFFFFEF7, lr;
	s5 =	simm.s32 $0xFFFFFFFF;
	p2 =	slt.u32 s8, $0xFFFFF086  }
0x1c: {  	p1 =	slt.u32 s9, $0xF7A;
	s5 =	simm.s32 @!p2 $0x0  }
0x1d: {  	s5 =	simm.s32 @p1 $0x1;
	p0 =	seq.s32 s7, s2  }
0x1e: {  	s7 =	smul.u32 @!p0 $0xF7A, s2;
	p2 =	seq.s32 @!p0 s5, $0x0  }
0x1f: {  	s9 =	smul.u32 $0xF7A, s1;
	s8 =	simm.s32 @!p0 $0x1BF5;
	p2 =	por !p2, p0  }
0x20: {  	[sflag:s8] =	ssyncset.s32 @!p0 $0xFFFFF086;
	s6 =	sadd.s32 @!p0 s3, s7;
	s7 =	simm.s32 @!p0 $0x108  }
0x21: {  	s3 =	sadd.s32 s3, s9;
	s6 =	sadd.s32 @!p0 $0x88, s6;
	s7 =	simm.s32 @p2 $0x1082  }
0x22: {  	[simem:s7], [sflag:s8] =	dma.local @!p0 [hbm:s6], $0xF7A  }
0x23: {  	s9 =	sor.u32 $0xD0000000, s2;
	s6 =	simm.s32 $0x108;
	_ =	swait.ge @!p0 [sflag:s8], $0x0  }
0x24: {  	s3 =	sadd.s32 $0x88, s3;
	s6 =	simm.s32 @!p1 $0x1082;
	[sflag:s4] =	ssyncset.s32 $0xFFFFF086  }
0x25: {  	[simem:s6], [sflag:s4] =	dma.local [hbm:s3], $0xF7A  }
0x26: {  	[smem:$0x3F93] =	sst s1;
	(tag) =	ssettag s2;
	_ =	strace s9  }
0x27: {  	s1 =	sld [smem:$0x3FA3]  }
0x28: {  	s2 =	sld [smem:$0x3FA4]  }
0x29: {  	s4 =	sld [smem:$0x3FA6]  }
0x2a: {  	p0 =	seq.s32 s5, $0x0;
	s5 =	sld [smem:$0x3FA7]  }
0x2b: {  	s6 =	sld [smem:$0x3FA8]  }
0x2c: {  	s7 =	sld [smem:$0x3FA9]  }
0x2d: {  	s3 =	simm.s32 $0x108;
	s8 =	sld [smem:$0x3FAA]  }
0x2e: {  	s3 =	simm.s32 @!p0 $0x1082;
	s9 =	sld [smem:$0x3FAB]  }
0x2f: {  	lr =	sadd.s32 s0, s3;
	s0 =	sld [smem:$0x3FA2]  }
0x30: {  	s3 =	sld [smem:$0x3FA5]  }
0x31: {  	[smem:$0x3FAE] =	sst s10  }
0x32: {  	s10 =	sld [smem:$0x3FAC];
	_ =	sdelay $0x3  }
0x33: {  	p0 =	seq.s32 s10, $0x1;
	s10 =	sld [smem:$0x3FAE];
	_ =	sdelay $0x3  }
0x34: {  	[smem:$0x3FAE] =	sst s10  }
0x35: {  	s10 =	sld [smem:$0x3FAD];
	_ =	sdelay $0x3  }
0x36: {  	p1 =	seq.s32 s10, $0x1;
	s10 =	sld [smem:$0x3FAE];
	_ =	sdelay $0x3  }
0x37: {  	[smem:$0x3FAE] =	sst s10  }
0x38: {  	s10 =	sld [smem:$0x3FAF]  }
0x39: {  	_ = 	snop;
	(pc) =	sbr.ind lr, $3  }
0x3a: {  	_ = 	snop  }
0x3b: {  	_ = 	snop  }
0x3c: {  	p2 =	seq.s32 s10, $0x1;
	s10 =	sld [smem:$0x3FAE]  }
0x3d: {  	_ =	shalt  }
0x3e: {  	_ =	shalt  }
0x3f: {  	_ =	shalt  }
0x40: {  	_ =	shalt  }
0x41: {  	_ =	shalt  }
0x42: {  	_ =	shalt  }
0x43: {  	_ =	shalt  }
0x44: {  	_ =	shalt  }
0x45: {  	_ =	shalt  }
0x46: {  	_ =	shalt  }
0x47: {  	_ =	shalt  }
0x48: {  	_ =	shalt  }
0x49: {  	_ =	shalt  }
0x4a: {  	_ =	shalt  }
0x4b: {  	_ =	shalt  }
0x4c: {  	_ =	shalt  }
0x4d: {  	_ =	shalt  }
0x4e: {  	_ =	shalt  }
0x4f: {  	_ =	shalt  }
0x50: {  	_ =	shalt  }
0x51: {  	_ =	shalt  }
0x52: {  	_ =	shalt  }
0x53: {  	_ =	shalt  }
0x54: {  	_ =	shalt  }
0x55: {  	_ =	shalt  }
0x56: {  	_ =	shalt  }
0x57: {  	_ =	shalt  }
0x58: {  	_ =	shalt  }
0x59: {  	_ =	shalt  }
0x5a: {  	_ =	shalt  }
0x5b: {  	_ =	shalt  }
0x5c: {  	_ =	shalt  }
0x5d: {  	_ =	shalt  }
0x5e: {  	_ =	shalt  }
0x5f: {  	_ =	shalt  }
0x60: {  	_ =	shalt  }
0x61: {  	_ =	shalt  }
0x62: {  	_ =	shalt  }
0x63: {  	_ =	shalt  }
0x64: {  	_ =	shalt  }
0x65: {  	_ =	shalt  }
0x66: {  	_ =	shalt  }
0x67: {  	_ =	shalt  }
0x68: {  	_ =	shalt  }
0x69: {  	_ =	shalt  }
0x6a: {  	_ =	shalt  }
0x6b: {  	_ =	shalt  }
0x6c: {  	_ =	shalt  }
0x6d: {  	_ =	shalt  }
0x6e: {  	_ =	shalt  }
0x6f: {  	_ =	shalt  }
0x70: {  	_ =	shalt  }
0x71: {  	_ =	shalt  }
0x72: {  	_ =	shalt  }
0x73: {  	_ =	shalt  }
0x74: {  	_ =	shalt  }
0x75: {  	_ =	shalt  }
0x76: {  	_ =	shalt  }
0x77: {  	_ =	shalt  }
0x78: {  	_ =	shalt  }
0x79: {  	_ =	shalt  }
0x7a: {  	_ =	shalt  }
0x7b: {  	_ =	shalt  }
0x7c: {  	_ =	shalt  }
0x7d: {  	_ =	shalt  }
0x7e: {  	_ =	shalt  }
0x7f: {  	_ =	shalt  }
0x80: {  	_ =	shalt  }
0x81: {  	_ =	shalt  }
0x82: {  	_ =	shalt  }
0x83: {  	_ =	shalt  }
0x84: {  	_ =	shalt  }
0x85: {  	_ =	shalt  }
0x86: {  	_ =	shalt  }
0x87: {  	_ =	shalt  }
.Lfunc_end0:
.L_simem_size_0:
called_computation.2_lowered:
.L_overlay_start_0:
0x88: {  	s2 =	sld [smem:$0x3FD9]  }
0x89: {  	s3 =	sld [smem:$0x3FFE];
	_ =	sdelay $0x1  }
0x8a: {  	s1 =	srdreg.scid  }
0x8b: {  	s0 =	sand.u32 $0x1, s1  }
0x8c: {  	s16 =	sshll.u32 s0, $0xA;
	s2 =	sadd.s32 s3, s2  }
0x8d: {  	s2 =	sadd.s32 s2, s16  }
0x8e: {  	[smem:$0x3FBA] =	sst s2  }
0x8f: {  	_ = 	snop  }
0x90: {  	(tm) =	ssettm $0x1  }
0x91: {  	s17 =	sld [smem:$0x3FFB];
	_ =	sdelay $0x3  }
0x92: {  	_ =	strace s17  }
0x93: {  	s2 =	sld [smem:$0x3FFC];
	_ =	sdelay $0x3  }
0x94: {  	_ =	strace s2  }
0x95: {  	s2 =	sld [smem:$0x3FFD];
	_ =	sdelay $0x3  }
0x96: {  	_ =	strace s2  }
0x97: {  	_ =	strace $0x8FFFFFFF  }
0x98: {  	s18 =	sld [smem:$0x3FDB];
	_ =	sdelay $0x1  }
0x99: {  	s19 =	simm.s32 $_scs_section_size  }
0x9a: {  	s4 =	simm.s32 $_size__tile_overlayer_lowered;
	s5 =	simm.s32 $_tile_overlayer_lowered  }
0x9b: {  	s22 =	simm.s32 $0x1BFF;
	s21 =	sshll.u32 s5, $0x1;
	s2 =	sadd.s32 s19, s18  }
0x9c: {  	s6 =	simm.s32 $0x0;
	s20 =	sshll.u32 s4, $0x1;
	s4 =	sadd.s32 s21, s2  }
0x9d: {  	[timem:s6], [sflag:s22] =	dma.local [hbm:s4], s20  }
0x9e: {  	_ =	swait.ge [sflag:s22], s20  }
0x9f: {  	s3 =	ssub.s32 $0x0, s20;
	[sflag:s22] =	ssyncset.done $0x0  }
0xa0: {  	[sflag:s22] =	ssyncadd.s32 s3;
	_ =	sdelay $0x1  }
0xa1: {  	s23 =	simm.s32 $0x1B8B  }
0xa2: {  	_ =	swait.ge [sflag:s23], $0x1  }
0xa3: {  	[sflag:s23] =	ssyncset.done $0x0  }
0xa4: {  	s25 =	simm.s32 $0x1B8E;
	s24 =	sld [smem:$0x3FFE];
	[sflag:s23] =	ssyncadd.s32 $0xFFFFFFFF  }
0xa5: {  	s26 =	simm.s32 $execute0_lowered;
	[smem:$0x3FD2] =	sst s25  }
0xa6: {  	s4 =	sshll.u32 s26, $0x1;
	_ =	strace $0x8000004C;
	[dreg:$0x1] =	wrdreg $0xFFFFFFFF  }
0xa7: {  	s28 =	simm.s32 $_size_execute0_lowered;
	s2 =	sadd.s32 s2, s4;
	[dreg:$0x0] =	wrdreg $0x0  }
0xa8: {  	s4 =	sshll.u32 s28, $0x1;
	[dreg:$0x2] =	wrdreg s2  }
0xa9: {  	[dreg:$0x3] =	wrdreg s4  }
0xaa: {  	[dreg:$0x4] =	wrdreg $0xC0  }
0xab: {  	_ =	task [dreg:s6], $0x5FFFF  }
0xac: {  	[dreg:$0x1] =	wrdreg $0xFFFFFFFF  }
0xad: {  	[dreg:$0x0] =	wrdreg $0x60  }
0xae: {  	[dreg:$0x2] =	wrdreg s24  }
0xaf: {  	[dreg:$0x3] =	wrdreg $0xCE000  }
0xb0: {  	[dreg:$0x4] =	wrdreg $0x9  }
0xb1: {  	_ =	task.clear_ibuf [dreg:s6], $0x5FFFF;
	_ =	strace $0x9000004C  }
0xb2: {  	s29 =	simm.s32 $0x9;
	_ =	strace $0x8000004E  }
0xb3: {  	_ =	swait.ge [sflag:s29], $0x1  }
0xb4: {  	[sflag:s29] =	ssyncadd.s32 $0xFFFFFFFF  }
0xb5: {  	_ =	strace $0x9000004E  }
0xb6: {  	_ =	sfence  }
0xb7: {  	s30 =	sld [smem:$0x0];
	_ =	sdelay $0x2  }
0xb8: {  	s31 =	sshll.u32 s1, $0xD;
	s1 =	sshrl.u32 s1, $0x2  }
0xb9: {  	s3 =	sand.u32 $0x4000, s31;
	s1 =	sadd.s32 s1, s30  }
0xba: {  	s0 =	sor.u32 s3, s0;
	s1 =	sshll.u32 s1, $0x11  }
0xbb: {  	s0 =	sor.u32 s1, s0  }
0xbc: {  	s0 =	sadd.s32 $0x8F2B, s0  }
0xbd: {  	[sflag:s0] =	ssyncadd.remote.s32 $0x1  }
0xbe: {  	_ =	sfence.sel $0xFFFF  }
0xbf: {  	[dreg:$0x0] =	wrdreg $0xFFFFFFFF;
	(pc) =	sbr.abs _section_cstart, $3  }
0xc0: {  	[dreg:$0x1] =	wrdreg $0xFFFFFFFF  }
0xc1: {  	_ =	task.clear_ibuf [dreg:s6], $0x2FFFF;
	_ =	strace $0x9FFFFFFF  }
0xc2: {  	(tm) =	ssettm $0x7FFFFFFF  }
0xc3: {  	_ =	shalt  }
tec
execute0_lowered:
.L_overlay_start_1:
0x0: {  	(tag) =	ssettag $0x1  }
0x1: {  	s0 =	srdreg.scid  }
0x2: {  	s1 =	rddreg [dreg:$0x0];
	s15 =	stileid.u32  }
0x3: {  	s2 =	rddreg [dreg:$0x1];
	s17 =	simm.s32 $0x3;
	s19 =	simm.s32 $0x2900  }
0x4: {  	s20 =	simm.s32 $0x7D;
	s21 =	simm.s32 $0x5100;
	s23 =	simm.s32 $0x7040  }
0x5: {  	s24 =	simm.s32 $0x1;
	s31 =	simm.s32 $0x2;
	s8 =	smul.u32 $0x9E00, s15  }
0x6: {  	s0 =	sand.u32 $0x1, s0;
	s28 =	sadd.s32 $0x1C400, s1;
	s11 =	smul.u32 $0x27800, s15  }
0x7: {  	s29 =	sadd.s32 $0x17200, s1;
	s3 =	sshll.u32 s0, $0x4;
	s6 =	smul.u32 $0x9E000, s0  }
0x8: {  	s9 =	ssub.s32 $0x2, s0;
	p0 =	sne.s32 s0, $0x0;
	s4 =	sor.u32 s15, s3  }
0x9: {  	s3 =	simm.s32 $0x0;
	s12 =	sshrl.u32 s9, $0x1;
	s30 =	sshrl.u32 s11, $0x2  }
0xa: {  	s0 =	sshll.u32 @p0 s15, $0x6;
	s4 =	smul.u32 $0x2800, s4;
	[smem:$0x7FF] =	sst s3  }
0xb: {  	s7 =	sadd.s32 s8, s6;
	s12 =	ssub.s32 s9, s12;
	s14 =	sadd.s32 s30, s2  }
0xc: {  	s13 =	sor.u32 @p0 $0x1C03, s0;
	_ =	strace $0x8000004D;
	[dreg:$0x3] =	wrdreg s28  }
0xd: {  	s0 =	sshll.u32 @!p0 s15, $0x6;
	[dreg:$0x4] =	wrdreg s29;
	s7 =	sshrl.u32 s7, $0x3  }
0xe: {  	s12 =	smax.u32 s12, $0x1;
	s14 =	sshrl.u32 @p0 s14, $0x3;
	s5 =	sshrl.u32 s4, $0x3  }
0xf: {  	s15 =	sor.u32 @!p0 $0x1C03, s0;
	s4 =	sadd.s32 $0x1C600, s1;
	s10 =	sadd.s32 s5, s1  }
0x10: {  	s1 =	sadd.s32 s7, s1;
	s7 =	sadd.s32 s8, s2;
	s8 =	sshrl.u32 s8, $0x3  }
0x11: {  	s8 =	sadd.s32 s4, s8;
	s9 =	sadd.s32 $0x3200, s10;
	s10 =	sadd.s32 $0xD200, s10  }
0x12: {  	s11 =	sadd.s32 $0x30200, s1;
	s16 =	sshrl.u32 @!p0 s7, $0x3;
	s1 =	simm.s32 $0x0  }
.LBB2_1:
0x13: {  	s0 =	rddreg [dreg:$0x4]  }
0x14: {  	[spmem:s14], [sflag:s13] =	dma.local @p0 [hbm:s0], $0x13C0  }
0x15: {  	[spmem:s16], [sflag:s15] =	dma.local @!p0 [hbm:s8], $0x13C0  }
0x16: {  	_ =	swait.ge [sflag:s17], $0x13C0  }
0x17: {  	[sflag:s17] =	ssyncset.done $0x0  }
0x18: {  	[sflag:s17] =	ssyncadd.s32 $0xFFFFEC40  }
0x19: {  	[tilespmem:s3], [sflag:$0x3] =	stream.linear.gather [hbm4b:s9+s3], $0x2800, $0x38;
	[tilespmem:$0x16C00] =	vst v63  }
0x1a: {  	_ =	swait.ge [sflag:s17], $0x2800  }
0x1b: {  	[sflag:s17] =	ssyncset.done $0x0  }
0x1c: {  	s5 =	simm.s32 $0x2800;
	s30 =	rddreg [dreg:$0x3];
	[sflag:s17] =	ssyncadd.s32 $0xFFFFD800  }
0x1d: {  	[tilespmem:s5], [sflag:$0x3] =	stream.linear.gather [hbm4b:s30+s3], $0x100, $0x38;
	[tilespmem:$0x16C00] =	vst v63  }
0x1e: {  	_ =	swait.ge [sflag:s17], $0x100  }
0x1f: {  	[sflag:s17] =	ssyncset.done $0x0  }
0x20: {  	[sflag:s17] =	ssyncadd.s32 $0xFFFFFF00  }
0x21: {  	[tilespmem:s19], [sflag:$0x3] =	stream.linear.gather [hbm4b:s10+s3], $0x2800, $0x38;
	[tilespmem:$0x16C00] =	vst v63  }
0x22: {  	_ =	swait.ge [sflag:s17], $0x2800  }
0x23: {  	[sflag:s17] =	ssyncset.done $0x0  }
0x24: {  	[sflag:s17] =	ssyncadd.s32 $0xFFFFD800  }
0x25: {  	[bflag:$0x0] =	sbarrier.arrive $0xFFFF  }
0x26: {  	[tilespmem:s21], [sflag:$0x1] =	stream.indirect.gather [hbm4b:s4+s20], $0x40, s3, s20, $0xb8;
	[tilespmem:$0x16C00] =	vst v63  }
0x27: {  	s5 =	simm.s32 $0x80  }
0x28: {  	[tilespmem:s23], [sflag:$0x1] =	stream.indirect.gather [hbm4b:s4+s20], $0x40, s5, s20, $0xb8;
	[tilespmem:$0x16C00] =	vst v63  }
0x29: {  	_ =	swait.ge [sflag:s24], $0x1F40  }
0x2a: {  	[sflag:s24] =	ssyncset.done $0x0  }
0x2b: {  	[sflag:s24] =	ssyncadd.s32 $0xFFFFE0C0  }
0x2c: {  	[spmem:s2] =	stream.indirect.scatter.add.f32 [tilespmem:s21], [sflag:$0x2], $0x40, s19, s20, $0xb8;
	[tilespmem:$0x16C00] =	vst v63  }
0x2d: {  	s6 =	simm.s32 $0x100;
	s18 =	simm.s32 $0x8F80  }
0x2e: {  	[tilespmem:s18], [sflag:$0x1] =	stream.indirect.gather [hbm4b:s4+s20], $0x40, s6, s20, $0xb8;
	[tilespmem:$0x16C00] =	vst v63  }
0x2f: {  	s22 =	simm.s32 $0x2980;
	_ =	swait.ge [sflag:s24], $0x1F40  }
0x30: {  	s25 =	simm.s32 $0x180;
	s30 =	simm.s32 $0x2;
	[sflag:s24] =	ssyncset.done $0x0  }
0x31: {  	s26 =	simm.s32 $0xAEC0;
	s0 =	sand.u32 $0x3, s30;
	[sflag:s24] =	ssyncadd.s32 $0xFFFFE0C0  }
0x32: {  	[spmem:s2] =	stream.indirect.scatter.add.f32 [tilespmem:s23], [sflag:$0x2], $0x40, s22, s20, $0xb8;
	[tilespmem:$0x16C00] =	vst v63  }
0x33: {  	s29 =	simm.s32 $0x3;
	s28 =	smul.u32 $0x7D00, s0;
	s0 =	simm.s32 $0x5  }
0x34: {  	[tilespmem:s26], [sflag:$0x1] =	stream.indirect.gather [hbm4b:s4+s20], $0x40, s25, s20, $0xb8;
	[tilespmem:$0x16C00] =	vst v63  }
0x35: {  	s28 =	sshrl.u32 s28, $0x2;
	s18 =	simm.s32 $0x4;
	_ =	swait.ge [sflag:s24], $0x1F40  }
0x36: {  	s28 =	sadd.s32 $0x5100, s28;
	s18 =	sand.u32 $0x3, s18;
	[sflag:s24] =	ssyncset.done $0x0  }
0x37: {  	s22 =	simm.s32 $0x200;
	s25 =	simm.s32 $0x2A00;
	[sflag:s24] =	ssyncadd.s32 $0xFFFFE0C0  }
0x38: {  	[spmem:s2] =	stream.indirect.scatter.add.f32 [tilespmem:s28], [sflag:$0x2], $0x40, s25, s20, $0xb8;
	[tilespmem:$0x16C00] =	vst v63  }
0x39: {  	s26 =	simm.s32 $0x6;
	s28 =	smul.u32 $0x7D00, s18;
	_ =	swait.ge [sflag:s31], $0x1F40  }
0x3a: {  	s18 =	simm.s32 $0x280;
	s25 =	simm.s32 $0x2A80;
	[sflag:s31] =	ssyncset.done $0x0  }
.LBB2_2:
0x3b: {  	s29 =	sand.u32 $0x3, s29  }
0x3c: {  	s28 =	sshrl.u32 s28, $0x2;
	s30 =	smov.u32 s26;
	s5 =	sadd.s32 $0x1, s26  }
0x3d: {  	s6 =	smov.u32 s22;
	s22 =	smov.u32 s18;
	p1 =	sne.s32 s26, $0x51  }
0x3e: {  	s29 =	smul.u32 $0x7D00, s29;
	s28 =	sadd.s32 $0x5100, s28;
	[sflag:s31] =	ssyncadd.s32 $0xFFFFE0C0  }
0x3f: {  	[tilespmem:s28], [sflag:$0x1] =	stream.indirect.gather [hbm4b:s4+s20], $0x40, s6, s20, $0xb8;
	[tilespmem:$0x16C00] =	vst v63  }
0x40: {  	s26 =	sand.u32 $0x3, s0;
	s6 =	sshrl.u32 s29, $0x2;
	_ =	swait.ge [sflag:s24], $0x1F40  }
.Ltmp0:
0x41: {  	s6 =	sadd.s32 $0x5100, s6;
	[sflag:s24] =	ssyncset.done $0x0;
	(pc) =	sbr.rel @p1 .LBB2_2-.Ltmp0, $4  }
0x42: {  	s18 =	sadd.s32 $0x80, s18;
	s0 =	smov.u32 s30;
	[sflag:s24] =	ssyncadd.s32 $0xFFFFE0C0  }
0x43: {  	[spmem:s2] =	stream.indirect.scatter.add.f32 [tilespmem:s6], [sflag:$0x2], $0x40, s25, s20, $0xb8;
	[tilespmem:$0x16C00] =	vst v63  }
0x44: {  	s28 =	smul.u32 $0x7D00, s26;
	s26 =	smov.u32 s5;
	_ =	swait.ge [sflag:s31], $0x1F40  }
0x45: {  	s29 =	sadd.s32 $0xFFFFFFFE, s0;
	s25 =	sadd.s32 $0x80, s25;
	[sflag:s31] =	ssyncset.done $0x0  }
0x46: {  	s5 =	sand.u32 $0x3, s29;
	s6 =	sshrl.u32 s28, $0x2  }
0x47: {  	[sflag:s31] =	ssyncadd.s32 $0xFFFFE0C0;
	s5 =	smul.u32 $0x7D00, s5;
	s6 =	sadd.s32 $0x5100, s6  }
0x48: {  	[tilespmem:s6], [sflag:$0x1] =	stream.indirect.gather [hbm4b:s4+s20], $0x40, s22, s20, $0xb8;
	[tilespmem:$0x16C00] =	vst v63  }
0x49: {  	_ =	swait.ge [sflag:s24], $0x1F40  }
0x4a: {  	s0 =	sand.u32 $0x3, s0;
	s5 =	sshrl.u32 s5, $0x2;
	[sflag:s24] =	ssyncset.done $0x0  }
0x4b: {  	s0 =	smul.u32 $0x7D00, s0;
	s5 =	sadd.s32 $0x5100, s5;
	[sflag:s24] =	ssyncadd.s32 $0xFFFFE0C0  }
0x4c: {  	[spmem:s2] =	stream.indirect.scatter.add.f32 [tilespmem:s5], [sflag:$0x2], $0x40, s25, s20, $0xb8;
	[tilespmem:$0x16C00] =	vst v63  }
0x4d: {  	_ =	swait.ge [sflag:s31], $0x1F40  }
0x4e: {  	s0 =	sshrl.u32 s0, $0x2;
	[sflag:s31] =	ssyncset.done $0x0  }
0x4f: {  	s0 =	sadd.s32 $0x5100, s0;
	[sflag:s31] =	ssyncadd.s32 $0xFFFFE0C0  }
0x50: {  	[tilespmem:s0], [sflag:$0x1] =	stream.indirect.gather [hbm4b:s4+s20], $0x40, s18, s20, $0xb8;
	[tilespmem:$0x16C00] =	vst v63  }
0x51: {  	_ =	swait.ge [sflag:s31], $0x1F40  }
0x52: {  	[sflag:s31] =	ssyncset.done $0x0  }
0x53: {  	[sflag:s31] =	ssyncadd.s32 $0xFFFFE0C0  }
0x54: {  	_ =	swait.ge [sflag:s31], $0x1F40  }
0x55: {  	[sflag:s31] =	ssyncset.done $0x0  }
0x56: {  	[sflag:s31] =	ssyncadd.s32 $0xFFFFE0C0  }
0x57: {  	_ =	swait.ge [sflag:s24], $0x1F40  }
0x58: {  	[sflag:s24] =	ssyncset.done $0x0  }
0x59: {  	[sflag:s24] =	ssyncadd.s32 $0xFFFFE0C0  }
0x5a: {  	s29 =	stileid.u32;
	_ =	swait.ge [sflag:s24], $0x1F40  }
0x5b: {  	s30 =	sshrl.u32 s7, $0x3;
	s1 =	sadd.s32 $0x1, s1;
	[sflag:s24] =	ssyncset.done $0x0  }
0x5c: {  	p1 =	sne.s32 s1, s12;
	s0 =	sshll.u32 s29, $0x6;
	[sflag:s24] =	ssyncadd.s32 $0xFFFFE0C0  }
.Ltmp1:
0x5d: {  	s0 =	sor.u32 $0x1C03, s0;
	[bflag:$0x0] =	sbarrier.arrive $0xFFFF;
	(pc) =	sbr.rel @p1 .LBB2_1-.Ltmp1, $4  }
0x5e: {  	[hbm:s11], [sflag:s0] =	dma.local [spmem:s30], $0x13C0  }
0x5f: {  	_ =	swait.ge [sflag:s17], $0x13C0  }
0x60: {  	[sflag:s17] =	ssyncset.done $0x0  }
0x61: {  	[sflag:s17] =	ssyncadd.s32 $0xFFFFEC40  }
0x62: {  	_ =	sfence.sel $0x180000  }
0x63: {  	[bflag:$0x0] =	sbarrier.arrive $0xFFFF  }
0x64: {  	_ =	strace $0x9000004D  }
0x65: {  	s0 =	stileid.u32;
	[bflag:$0x2] =	sbarrier.arrive $0xFFFF  }
0x66: {  	p0 =	sne.s32 s0, $0x0;
	s0 =	rddreg [dreg:$0x2]  }
0x67: {  	s0 =	sadd.s32 @!p0 $0x100000, s0  }
0x68: {  	[sflag:s0] =	ssyncadd.tile.s32 @!p0 $0x1;
	_ =	shalt  }
.Lfunc_end2:
_tile_overlayer_lowered:
.L_overlay_start_2:
0x69: {  	(tag) =	ssettag $0x2  }
0x6a: {  	s0 =	rddreg [dreg:$0x0];
	s2 =	stileid.u32  }
0x6b: {  	s1 =	rddreg [dreg:$0x1];
	p0 =	sne.s32 s2, $0x0  }
0x6c: {  	s3 =	rddreg [dreg:$0x2];
	[bflag:$0x3] =	sbarrier.arrive $0xFFFF;
	s2 =	simm.s32 @!p0 $0x1C03  }
0x6d: {  	[timem:s3], [sflag:s2] =	dma.local @!p0 [hbm:s0], s1  }
0x6e: {  	s0 =	simm.s32 @!p0 $0x3  }
0x6f: {  	_ =	swait.ge @!p0 [sflag:s0], s1  }
0x70: {  	s1 =	ssub.s32 @!p0 $0x0, s1;
	[sflag:s0] =	ssyncset.done @!p0 $0x0  }
0x71: {  	[sflag:s0] =	ssyncadd.s32 @!p0 s1  }
0x72: {  	[bflag:$0x3] =	sbarrier.arrive $0xFFFF  }
0x73: {  	_ =	shalt  }

// kernel: kernel.20.cloned.1.call-start
scs
__scs_entry_jumppad:
0x0: {  	(pc) =	sbr.rel $0x88, $3  }
0x1: {  	(tag) =	ssettag $0x0;
	lr =	simm.s32 $0x1  }
0x2: {  	[smem:$0x3F93] =	sst lr;
	_ =	strace $0xD0000000  }
0x3: {  	_ = 	snop  }
0x4: {  	_ = 	snop  }
0x5: {  	_ = 	snop  }
0x6: {  	_ = 	snop  }
0x7: {  	_ = 	snop  }
__scs_overlays_trampoline_lowered:
0x8: {  	[smem:$0x3FA2] =	sst s0  }
0x9: {  	[smem:$0x3FA3] =	sst s1  }
0xa: {  	[smem:$0x3FA4] =	sst s2  }
0xb: {  	[smem:$0x3FA5] =	sst s3  }
0xc: {  	[smem:$0x3FA6] =	sst s4  }
0xd: {  	[smem:$0x3FA7] =	sst s5  }
0xe: {  	[smem:$0x3FA8] =	sst s6  }
0xf: {  	[smem:$0x3FA9] =	sst s7  }
0x10: {  	[smem:$0x3FAA] =	sst s8  }
0x11: {  	[smem:$0x3FAB] =	sst s9;
	s0 =	simm.s32 @!p0 $0x0  }
0x12: {  	s1 =	sld [smem:$0x3F91];
	s0 =	simm.s32 @p0 $0x1  }
0x13: {  	[smem:$0x3FAC] =	sst s0;
	s0 =	simm.s32 @!p1 $0x0  }
0x14: {  	s2 =	sld [smem:$0x3F90];
	s0 =	simm.s32 @p1 $0x1  }
0x15: {  	[smem:$0x3FAD] =	sst s0;
	s0 =	simm.s32 @!p2 $0x0  }
0x16: {  	s3 =	sld [smem:$0x3FDB];
	s0 =	simm.s32 @p2 $0x1  }
0x17: {  	s4 =	simm.s32 $0x1BF5;
	[smem:$0x3FAF] =	sst s0  }
0x18: {  	s0 =	sld [smem:$0x3F92];
	_ =	swait.ge [sflag:s4], $0x0  }
0x19: {  	s7 =	sld [smem:$0x3F93]  }
0x1a: {  	s8 =	sadd.s32 $0xFFFFE003, lr  }
0x1b: {  	s9 =	sadd.s32 $0xFFFFFEF7, lr;
	s5 =	simm.s32 $0xFFFFFFFF;
	p2 =	slt.u32 s8, $0xFFFFF086  }
0x1c: {  	p1 =	slt.u32 s9, $0xF7A;
	s5 =	simm.s32 @!p2 $0x0  }
0x1d: {  	s5 =	simm.s32 @p1 $0x1;
	p0 =	seq.s32 s7, s2  }
0x1e: {  	s7 =	smul.u32 @!p0 $0xF7A, s2;
	p2 =	seq.s32 @!p0 s5, $0x0  }
0x1f: {  	s9 =	smul.u32 $0xF7A, s1;
	s8 =	simm.s32 @!p0 $0x1BF5;
	p2 =	por !p2, p0  }
0x20: {  	[sflag:s8] =	ssyncset.s32 @!p0 $0xFFFFF086;
	s6 =	sadd.s32 @!p0 s3, s7;
	s7 =	simm.s32 @!p0 $0x108  }
0x21: {  	s3 =	sadd.s32 s3, s9;
	s6 =	sadd.s32 @!p0 $0x88, s6;
	s7 =	simm.s32 @p2 $0x1082  }
0x22: {  	[simem:s7], [sflag:s8] =	dma.local @!p0 [hbm:s6], $0xF7A  }
0x23: {  	s9 =	sor.u32 $0xD0000000, s2;
	s6 =	simm.s32 $0x108;
	_ =	swait.ge @!p0 [sflag:s8], $0x0  }
0x24: {  	s3 =	sadd.s32 $0x88, s3;
	s6 =	simm.s32 @!p1 $0x1082;
	[sflag:s4] =	ssyncset.s32 $0xFFFFF086  }
0x25: {  	[simem:s6], [sflag:s4] =	dma.local [hbm:s3], $0xF7A  }
0x26: {  	[smem:$0x3F93] =	sst s1;
	(tag) =	ssettag s2;
	_ =	strace s9  }
0x27: {  	s1 =	sld [smem:$0x3FA3]  }
0x28: {  	s2 =	sld [smem:$0x3FA4]  }
0x29: {  	s4 =	sld [smem:$0x3FA6]  }
0x2a: {  	p0 =	seq.s32 s5, $0x0;
	s5 =	sld [smem:$0x3FA7]  }
0x2b: {  	s6 =	sld [smem:$0x3FA8]  }
0x2c: {  	s7 =	sld [smem:$0x3FA9]  }
0x2d: {  	s3 =	simm.s32 $0x108;
	s8 =	sld [smem:$0x3FAA]  }
0x2e: {  	s3 =	simm.s32 @!p0 $0x1082;
	s9 =	sld [smem:$0x3FAB]  }
0x2f: {  	lr =	sadd.s32 s0, s3;
	s0 =	sld [smem:$0x3FA2]  }
0x30: {  	s3 =	sld [smem:$0x3FA5]  }
0x31: {  	[smem:$0x3FAE] =	sst s10  }
0x32: {  	s10 =	sld [smem:$0x3FAC];
	_ =	sdelay $0x3  }
0x33: {  	p0 =	seq.s32 s10, $0x1;
	s10 =	sld [smem:$0x3FAE];
	_ =	sdelay $0x3  }
0x34: {  	[smem:$0x3FAE] =	sst s10  }
0x35: {  	s10 =	sld [smem:$0x3FAD];
	_ =	sdelay $0x3  }
0x36: {  	p1 =	seq.s32 s10, $0x1;
	s10 =	sld [smem:$0x3FAE];
	_ =	sdelay $0x3  }
0x37: {  	[smem:$0x3FAE] =	sst s10  }
0x38: {  	s10 =	sld [smem:$0x3FAF]  }
0x39: {  	_ = 	snop;
	(pc) =	sbr.ind lr, $3  }
0x3a: {  	_ = 	snop  }
0x3b: {  	_ = 	snop  }
0x3c: {  	p2 =	seq.s32 s10, $0x1;
	s10 =	sld [smem:$0x3FAE]  }
0x3d: {  	_ =	shalt  }
0x3e: {  	_ =	shalt  }
0x3f: {  	_ =	shalt  }
0x40: {  	_ =	shalt  }
0x41: {  	_ =	shalt  }
0x42: {  	_ =	shalt  }
0x43: {  	_ =	shalt  }
0x44: {  	_ =	shalt  }
0x45: {  	_ =	shalt  }
0x46: {  	_ =	shalt  }
0x47: {  	_ =	shalt  }
0x48: {  	_ =	shalt  }
0x49: {  	_ =	shalt  }
0x4a: {  	_ =	shalt  }
0x4b: {  	_ =	shalt  }
0x4c: {  	_ =	shalt  }
0x4d: {  	_ =	shalt  }
0x4e: {  	_ =	shalt  }
0x4f: {  	_ =	shalt  }
0x50: {  	_ =	shalt  }
0x51: {  	_ =	shalt  }
0x52: {  	_ =	shalt  }
0x53: {  	_ =	shalt  }
0x54: {  	_ =	shalt  }
0x55: {  	_ =	shalt  }
0x56: {  	_ =	shalt  }
0x57: {  	_ =	shalt  }
0x58: {  	_ =	shalt  }
0x59: {  	_ =	shalt  }
0x5a: {  	_ =	shalt  }
0x5b: {  	_ =	shalt  }
0x5c: {  	_ =	shalt  }
0x5d: {  	_ =	shalt  }
0x5e: {  	_ =	shalt  }
0x5f: {  	_ =	shalt  }
0x60: {  	_ =	shalt  }
0x61: {  	_ =	shalt  }
0x62: {  	_ =	shalt  }
0x63: {  	_ =	shalt  }
0x64: {  	_ =	shalt  }
0x65: {  	_ =	shalt  }
0x66: {  	_ =	shalt  }
0x67: {  	_ =	shalt  }
0x68: {  	_ =	shalt  }
0x69: {  	_ =	shalt  }
0x6a: {  	_ =	shalt  }
0x6b: {  	_ =	shalt  }
0x6c: {  	_ =	shalt  }
0x6d: {  	_ =	shalt  }
0x6e: {  	_ =	shalt  }
0x6f: {  	_ =	shalt  }
0x70: {  	_ =	shalt  }
0x71: {  	_ =	shalt  }
0x72: {  	_ =	shalt  }
0x73: {  	_ =	shalt  }
0x74: {  	_ =	shalt  }
0x75: {  	_ =	shalt  }
0x76: {  	_ =	shalt  }
0x77: {  	_ =	shalt  }
0x78: {  	_ =	shalt  }
0x79: {  	_ =	shalt  }
0x7a: {  	_ =	shalt  }
0x7b: {  	_ =	shalt  }
0x7c: {  	_ =	shalt  }
0x7d: {  	_ =	shalt  }
0x7e: {  	_ =	shalt  }
0x7f: {  	_ =	shalt  }
0x80: {  	_ =	shalt  }
0x81: {  	_ =	shalt  }
0x82: {  	_ =	shalt  }
0x83: {  	_ =	shalt  }
0x84: {  	_ =	shalt  }
0x85: {  	_ =	shalt  }
0x86: {  	_ =	shalt  }
0x87: {  	_ =	shalt  }
.Lfunc_end0:
.L_simem_size_0:
called_computation.3_lowered:
.L_overlay_start_0:
0x88: {  	s2 =	sld [smem:$0x3FD9]  }
0x89: {  	s3 =	sld [smem:$0x3FFE];
	_ =	sdelay $0x1  }
0x8a: {  	s1 =	srdreg.scid  }
0x8b: {  	s0 =	sand.u32 $0x1, s1  }
0x8c: {  	s17 =	sshll.u32 s0, $0xA;
	s2 =	sadd.s32 s3, s2  }
0x8d: {  	s2 =	sadd.s32 s2, s17  }
0x8e: {  	[smem:$0x3FBA] =	sst s2  }
0x8f: {  	_ = 	snop  }
0x90: {  	s2 =	sld [smem:$0x3FD0];
	(tm) =	ssettm $0x1  }
0x91: {  	s18 =	sld [smem:$0x3FFB];
	_ =	sdelay $0x3  }
0x92: {  	_ =	strace s18  }
0x93: {  	s3 =	sld [smem:$0x3FFC];
	_ =	sdelay $0x3  }
0x94: {  	_ =	strace s3  }
0x95: {  	s3 =	sld [smem:$0x3FFD];
	_ =	sdelay $0x3  }
0x96: {  	_ =	strace s3  }
0x97: {  	_ =	strace $0x8FFFFFFF  }
0x98: {  	s19 =	sld [smem:$0x3FDB];
	_ =	sdelay $0x1  }
0x99: {  	s4 =	simm.s32 $_scs_section_size  }
0x9a: {  	s5 =	simm.s32 $_size__tile_overlayer_lowered;
	s6 =	simm.s32 $_tile_overlayer_lowered  }
0x9b: {  	s22 =	simm.s32 $0x1BFF;
	s21 =	sshll.u32 s6, $0x1;
	s3 =	sadd.s32 s4, s19  }
0x9c: {  	s7 =	simm.s32 $0x0;
	s20 =	sshll.u32 s5, $0x1;
	s5 =	sadd.s32 s21, s3  }
0x9d: {  	[timem:s7], [sflag:s22] =	dma.local [hbm:s5], s20  }
0x9e: {  	_ =	swait.ge [sflag:s22], s20  }
0x9f: {  	s4 =	ssub.s32 $0x0, s20;
	[sflag:s22] =	ssyncset.done $0x0  }
0xa0: {  	[sflag:s22] =	ssyncadd.s32 s4;
	_ =	sdelay $0x1  }
0xa1: {  	s23 =	simm.s32 $0x1B8B  }
0xa2: {  	_ =	swait.ge [sflag:s23], $0x1  }
0xa3: {  	[sflag:s23] =	ssyncset.done $0x0  }
0xa4: {  	s25 =	simm.s32 $0x1B8E;
	s24 =	sld [smem:$0x3FFE];
	[sflag:s23] =	ssyncadd.s32 $0xFFFFFFFF  }
0xa5: {  	s26 =	simm.s32 $execute0_lowered;
	[smem:$0x3FD2] =	sst s25  }
0xa6: {  	s5 =	sshll.u32 s26, $0x1;
	_ =	strace $0x8000004F;
	[dreg:$0x1] =	wrdreg $0xFFFFFFFF  }
0xa7: {  	s28 =	simm.s32 $_size_execute0_lowered;
	s3 =	sadd.s32 s3, s5;
	[dreg:$0x0] =	wrdreg $0x0  }
0xa8: {  	s5 =	sshll.u32 s28, $0x1;
	[dreg:$0x2] =	wrdreg s3  }
0xa9: {  	[dreg:$0x3] =	wrdreg s5  }
0xaa: {  	[dreg:$0x4] =	wrdreg $0xC0  }
0xab: {  	_ =	task [dreg:s7], $0x5FFFF  }
0xac: {  	[dreg:$0x1] =	wrdreg $0xFFFFFFFF  }
0xad: {  	[dreg:$0x0] =	wrdreg $0x60  }
0xae: {  	[dreg:$0x2] =	wrdreg s24  }
0xaf: {  	[dreg:$0x3] =	wrdreg s2  }
0xb0: {  	[dreg:$0x4] =	wrdreg $0x91800  }
0xb1: {  	[dreg:$0x5] =	wrdreg $0x9  }
0xb2: {  	_ =	task.clear_ibuf [dreg:s7], $0x6FFFF;
	_ =	strace $0x9000004F  }
0xb3: {  	s29 =	simm.s32 $0x9;
	_ =	strace $0x80000051  }
0xb4: {  	_ =	swait.ge [sflag:s29], $0x1  }
0xb5: {  	[sflag:s29] =	ssyncadd.s32 $0xFFFFFFFF  }
0xb6: {  	_ =	strace $0x90000051  }
0xb7: {  	_ =	sfence  }
0xb8: {  	s30 =	sld [smem:$0x0];
	_ =	sdelay $0x2  }
0xb9: {  	s31 =	sshll.u32 s1, $0xD;
	s1 =	sshrl.u32 s1, $0x2  }
0xba: {  	s3 =	sand.u32 $0x4000, s31;
	s1 =	sadd.s32 s1, s30  }
0xbb: {  	s0 =	sor.u32 s3, s0;
	s1 =	sshll.u32 s1, $0x11  }
0xbc: {  	s0 =	sor.u32 s1, s0  }
0xbd: {  	s0 =	sadd.s32 $0x8F2B, s0  }
0xbe: {  	[sflag:s0] =	ssyncadd.remote.s32 $0x1  }
0xbf: {  	_ =	sfence.sel $0xFFFF  }
0xc0: {  	[dreg:$0x0] =	wrdreg $0xFFFFFFFF;
	(pc) =	sbr.abs _section_cstart, $3  }
0xc1: {  	[dreg:$0x1] =	wrdreg $0xFFFFFFFF  }
0xc2: {  	_ =	task.clear_ibuf [dreg:s7], $0x2FFFF;
	_ =	strace $0x9FFFFFFF  }
0xc3: {  	(tm) =	ssettm $0x7FFFFFFF  }
tec
execute0_lowered:
.L_overlay_start_1:
0x0: {  	(tag) =	ssettag $0x1  }
0x1: {  	s0 =	srdreg.scid;
	s1 =	rddreg [dreg:$0x0]  }
0x2: {  	s13 =	stileid.u32;
	s3 =	rddreg [dreg:$0x2]  }
0x3: {  	s4 =	simm.s32 $0x0;
	s17 =	simm.s32 $0x3;
	s19 =	simm.s32 $0x2B00  }
0x4: {  	s20 =	simm.s32 $0x7D;
	s21 =	simm.s32 $0x5300;
	s23 =	simm.s32 $0x5AD0  }
0x5: {  	s26 =	simm.s32 $0x2;
	s28 =	simm.s32 $0x0;
	s0 =	sand.u32 $0x1, s0  }
0x6: {  	s7 =	smul.u32 $0x2780, s13;
	[smem:$0x7FF] =	sst s4;
	s5 =	sadd.s32 $0x17200, s1  }
0x7: {  	s9 =	smul.u32 $0x9E00, s13;
	s29 =	sadd.s32 $0x1C400, s1;
	s2 =	sshll.u32 s0, $0x4  }
0x8: {  	s6 =	smul.u32 $0x27800, s0;
	_ =	strace $0x80000050;
	[dreg:$0x4] =	wrdreg s29  }
0x9: {  	s10 =	ssub.s32 $0x2, s0;
	p0 =	sne.s32 s0, $0x0;
	s2 =	sor.u32 s13, s2  }
0xa: {  	s30 =	sshrl.u32 s10, $0x1;
	s9 =	sshrl.u32 s9, $0x2;
	s31 =	sshrl.u32 s7, $0x3  }
0xb: {  	s0 =	sshll.u32 @p0 s13, $0x6;
	s2 =	smul.u32 $0x2800, s2;
	s8 =	sadd.s32 s7, s6  }
0xc: {  	s12 =	ssub.s32 s10, s30;
	s14 =	sadd.s32 s9, s3;
	s7 =	sadd.s32 s7, s3  }
0xd: {  	s8 =	sshrl.u32 s8, $0x3;
	s12 =	smax.u32 s12, $0x1;
	s2 =	sshrl.u32 s2, $0x3  }
0xe: {  	s14 =	sshrl.u32 @p0 s14, $0x3;
	s16 =	sshrl.u32 @!p0 s7, $0x3;
	s2 =	sadd.s32 s2, s1  }
0xf: {  	s1 =	sadd.s32 s8, s1;
	s8 =	sadd.s32 s5, s31;
	s9 =	sadd.s32 $0x3200, s2  }
0x10: {  	s10 =	sadd.s32 $0xD200, s2;
	s11 =	sadd.s32 $0x1C600, s1;
	s1 =	sshll.u32 @!p0 s13, $0x6  }
0x11: {  	s13 =	sor.u32 @p0 $0x1C03, s0;
	s2 =	simm.s32 $0x1;
	s15 =	sor.u32 @!p0 $0x1C03, s1  }
.LBB2_1:
0x12: {  	s0 =	rddreg [dreg:$0x1]  }
0x13: {  	[spmem:s14], [sflag:s13] =	dma.local @p0 [hbm:s0], $0x4F0  }
0x14: {  	[spmem:s16], [sflag:s15] =	dma.local @!p0 [hbm:s8], $0x4F0  }
0x15: {  	_ =	swait.ge [sflag:s17], $0x4F0  }
0x16: {  	[sflag:s17] =	ssyncset.done $0x0  }
0x17: {  	[sflag:s17] =	ssyncadd.s32 $0xFFFFFB10  }
0x18: {  	[tilespmem:s4], [sflag:$0x3] =	stream.linear.gather [hbm4b:s9+s4], $0x2800, $0x38;
	[tilespmem:$0xB900] =	vst v63  }
0x19: {  	_ =	swait.ge [sflag:s17], $0x2800  }
0x1a: {  	[sflag:s17] =	ssyncset.done $0x0  }
0x1b: {  	s1 =	simm.s32 $0x2800;
	s25 =	rddreg [dreg:$0x4];
	[sflag:s17] =	ssyncadd.s32 $0xFFFFD800  }
0x1c: {  	[tilespmem:s1], [sflag:$0x3] =	stream.linear.gather [hbm4b:s25+s4], $0x300, $0x38;
	[tilespmem:$0xB900] =	vst v63  }
0x1d: {  	_ =	swait.ge [sflag:s17], $0x300  }
0x1e: {  	[sflag:s17] =	ssyncset.done $0x0  }
0x1f: {  	[sflag:s17] =	ssyncadd.s32 $0xFFFFFD00  }
0x20: {  	[tilespmem:s19], [sflag:$0x3] =	stream.linear.gather [hbm4b:s10+s4], $0x2800, $0x38;
	[tilespmem:$0xB900] =	vst v63  }
0x21: {  	_ =	swait.ge [sflag:s17], $0x2800  }
0x22: {  	[sflag:s17] =	ssyncset.done $0x0  }
0x23: {  	[sflag:s17] =	ssyncadd.s32 $0xFFFFD800  }
0x24: {  	[bflag:$0x0] =	sbarrier.arrive $0xFFFF  }
0x25: {  	[tilespmem:s21], [sflag:$0x1] =	stream.indirect.gather [hbm4b:s5+s20], $0x10, s4, s20, $0xb8;
	[tilespmem:$0xB900] =	vst v63  }
0x26: {  	s6 =	simm.s32 $0x80  }
0x27: {  	[tilespmem:s23], [sflag:$0x1] =	stream.indirect.gather [hbm4b:s5+s20], $0x10, s6, s20, $0xb8;
	[tilespmem:$0xB900] =	vst v63  }
0x28: {  	s18 =	simm.s32 $0x100;
	s22 =	simm.s32 $0x62A0  }
0x29: {  	[tilespmem:s22], [sflag:$0x1] =	stream.indirect.gather [hbm4b:s5+s20], $0x10, s18, s20, $0xb8;
	[tilespmem:$0xB900] =	vst v63  }
0x2a: {  	s24 =	simm.s32 $0x180;
	s25 =	simm.s32 $0x6A70  }
0x2b: {  	[tilespmem:s25], [sflag:$0x1] =	stream.indirect.gather [hbm4b:s5+s20], $0x10, s24, s20, $0xb8;
	[tilespmem:$0xB900] =	vst v63  }
0x2c: {  	s1 =	simm.s32 $0x200;
	s6 =	simm.s32 $0x7240  }
0x2d: {  	[tilespmem:s6], [sflag:$0x1] =	stream.indirect.gather [hbm4b:s5+s20], $0x10, s1, s20, $0xb8;
	[tilespmem:$0xB900] =	vst v63  }
0x2e: {  	s18 =	simm.s32 $0x280;
	s22 =	simm.s32 $0x7A10  }
0x2f: {  	[tilespmem:s22], [sflag:$0x1] =	stream.indirect.gather [hbm4b:s5+s20], $0x10, s18, s20, $0xb8;
	[tilespmem:$0xB900] =	vst v63  }
0x30: {  	_ =	swait.ge [sflag:s2], $0x7D0  }
0x31: {  	[sflag:s2] =	ssyncset.done $0x0  }
0x32: {  	[sflag:s2] =	ssyncadd.s32 $0xFFFFF830  }
0x33: {  	[spmem:s3] =	stream.indirect.scatter.add.f32 [tilespmem:s21], [sflag:$0x2], $0x10, s19, s20, $0xb8;
	[tilespmem:$0xB900] =	vst v63  }
0x34: {  	s24 =	simm.s32 $0x300;
	s25 =	simm.s32 $0x81E0  }
0x35: {  	[tilespmem:s25], [sflag:$0x1] =	stream.indirect.gather [hbm4b:s5+s20], $0x10, s24, s20, $0xb8;
	[tilespmem:$0xB900] =	vst v63  }
0x36: {  	_ =	swait.ge [sflag:s2], $0x7D0  }
0x37: {  	[sflag:s2] =	ssyncset.done $0x0  }
0x38: {  	s6 =	simm.s32 $0x2B80;
	s24 =	simm.s32 $0x2;
	[sflag:s2] =	ssyncadd.s32 $0xFFFFF830  }
0x39: {  	[spmem:s3] =	stream.indirect.scatter.add.f32 [tilespmem:s23], [sflag:$0x2], $0x10, s6, s20, $0xb8;
	[tilespmem:$0xB900] =	vst v63  }
0x3a: {  	s18 =	simm.s32 $0x380;
	s22 =	simm.s32 $0x89B0;
	s0 =	sand.u32 $0x7, s24  }
0x3b: {  	[tilespmem:s22], [sflag:$0x1] =	stream.indirect.gather [hbm4b:s5+s20], $0x10, s18, s20, $0xb8;
	[tilespmem:$0xB900] =	vst v63  }
0x3c: {  	s31 =	simm.s32 $0x400;
	s29 =	simm.s32 $0x9;
	s22 =	smul.u32 $0x1F40, s0  }
0x3d: {  	s30 =	simm.s32 $0x480;
	s25 =	simm.s32 $0x8;
	_ =	swait.ge [sflag:s2], $0x7D0  }
0x3e: {  	s1 =	sand.u32 $0x7, s25;
	s22 =	sshrl.u32 s22, $0x2;
	[sflag:s2] =	ssyncset.done $0x0  }
0x3f: {  	s18 =	simm.s32 $0x2C00;
	s22 =	sadd.s32 $0x5300, s22;
	[sflag:s2] =	ssyncadd.s32 $0xFFFFF830  }
0x40: {  	[spmem:s3] =	stream.indirect.scatter.add.f32 [tilespmem:s22], [sflag:$0x2], $0x10, s18, s20, $0xb8;
	[tilespmem:$0xB900] =	vst v63  }
0x41: {  	s0 =	simm.s32 $0xA;
	s18 =	smul.u32 $0x1F40, s1;
	_ =	swait.ge [sflag:s26], $0x7D0  }
0x42: {  	s22 =	simm.s32 $0x3;
	s1 =	simm.s32 $0x2C80;
	[sflag:s26] =	ssyncset.done $0x0  }
.LBB2_2:
0x43: {  	s22 =	sand.u32 $0x7, s22  }
0x44: {  	s18 =	sshrl.u32 s18, $0x2;
	s24 =	smov.u32 s0;
	s25 =	sadd.s32 $0x1, s0  }
0x45: {  	s6 =	smov.u32 s31;
	s31 =	smov.u32 s30;
	p1 =	sne.s32 s0, $0x55  }
0x46: {  	s22 =	smul.u32 $0x1F40, s22;
	s18 =	sadd.s32 $0x5300, s18;
	[sflag:s26] =	ssyncadd.s32 $0xFFFFF830  }
0x47: {  	[tilespmem:s18], [sflag:$0x1] =	stream.indirect.gather [hbm4b:s5+s20], $0x10, s6, s20, $0xb8;
	[tilespmem:$0xB900] =	vst v63  }
0x48: {  	s30 =	sadd.s32 $0x80, s30;
	s0 =	sshrl.u32 s22, $0x2;
	_ =	swait.ge [sflag:s2], $0x7D0  }
.Ltmp0:
0x49: {  	s0 =	sadd.s32 $0x5300, s0;
	[sflag:s2] =	ssyncset.done $0x0;
	(pc) =	sbr.rel @p1 .LBB2_2-.Ltmp0, $4  }
0x4a: {  	s6 =	sand.u32 $0x7, s29;
	s29 =	smov.u32 s24;
	[sflag:s2] =	ssyncadd.s32 $0xFFFFF830  }
0x4b: {  	[spmem:s3] =	stream.indirect.scatter.add.f32 [tilespmem:s0], [sflag:$0x2], $0x10, s1, s20, $0xb8;
	[tilespmem:$0xB900] =	vst v63  }
0x4c: {  	s18 =	smul.u32 $0x1F40, s6;
	s22 =	sadd.s32 $0xFFFFFFFA, s29;
	_ =	swait.ge [sflag:s26], $0x7D0  }
0x4d: {  	s1 =	sadd.s32 $0x80, s1;
	s0 =	smov.u32 s25;
	[sflag:s26] =	ssyncset.done $0x0  }
0x4e: {  	s0 =	sand.u32 $0x7, s22;
	s6 =	sshrl.u32 s18, $0x2  }
0x4f: {  	[sflag:s26] =	ssyncadd.s32 $0xFFFFF830;
	s0 =	smul.u32 $0x1F40, s0;
	s6 =	sadd.s32 $0x5300, s6  }
0x50: {  	[tilespmem:s6], [sflag:$0x1] =	stream.indirect.gather [hbm4b:s5+s20], $0x10, s31, s20, $0xb8;
	[tilespmem:$0xB900] =	vst v63  }
0x51: {  	_ =	swait.ge [sflag:s2], $0x7D0  }
0x52: {  	s25 =	sand.u32 $0x7, s29;
	s0 =	sshrl.u32 s0, $0x2;
	[sflag:s2] =	ssyncset.done $0x0  }
0x53: {  	s29 =	smul.u32 $0x1F40, s25;
	s0 =	sadd.s32 $0x5300, s0;
	[sflag:s2] =	ssyncadd.s32 $0xFFFFF830  }
0x54: {  	[spmem:s3] =	stream.indirect.scatter.add.f32 [tilespmem:s0], [sflag:$0x2], $0x10, s1, s20, $0xb8;
	[tilespmem:$0xB900] =	vst v63  }
0x55: {  	_ =	swait.ge [sflag:s26], $0x7D0  }
0x56: {  	s0 =	sshrl.u32 s29, $0x2;
	[sflag:s26] =	ssyncset.done $0x0  }
0x57: {  	s0 =	sadd.s32 $0x5300, s0;
	[sflag:s26] =	ssyncadd.s32 $0xFFFFF830  }
0x58: {  	[tilespmem:s0], [sflag:$0x1] =	stream.indirect.gather [hbm4b:s5+s20], $0x10, s30, s20, $0xb8;
	[tilespmem:$0xB900] =	vst v63  }
0x59: {  	_ =	swait.ge [sflag:s26], $0x7D0  }
0x5a: {  	[sflag:s26] =	ssyncset.done $0x0  }
0x5b: {  	[sflag:s26] =	ssyncadd.s32 $0xFFFFF830  }
0x5c: {  	_ =	swait.ge [sflag:s26], $0x7D0  }
0x5d: {  	[sflag:s26] =	ssyncset.done $0x0  }
0x5e: {  	[sflag:s26] =	ssyncadd.s32 $0xFFFFF830  }
0x5f: {  	_ =	swait.ge [sflag:s2], $0x7D0  }
0x60: {  	[sflag:s2] =	ssyncset.done $0x0  }
0x61: {  	[sflag:s2] =	ssyncadd.s32 $0xFFFFF830  }
0x62: {  	_ =	swait.ge [sflag:s2], $0x7D0  }
0x63: {  	[sflag:s2] =	ssyncset.done $0x0  }
0x64: {  	[sflag:s2] =	ssyncadd.s32 $0xFFFFF830  }
0x65: {  	_ =	swait.ge [sflag:s2], $0x7D0  }
0x66: {  	[sflag:s2] =	ssyncset.done $0x0  }
0x67: {  	[sflag:s2] =	ssyncadd.s32 $0xFFFFF830  }
0x68: {  	_ =	swait.ge [sflag:s2], $0x7D0  }
0x69: {  	[sflag:s2] =	ssyncset.done $0x0  }
0x6a: {  	[sflag:s2] =	ssyncadd.s32 $0xFFFFF830  }
0x6b: {  	_ =	swait.ge [sflag:s2], $0x7D0  }
0x6c: {  	[sflag:s2] =	ssyncset.done $0x0  }
0x6d: {  	[sflag:s2] =	ssyncadd.s32 $0xFFFFF830  }
0x6e: {  	s28 =	sadd.s32 $0x1, s28;
	_ =	swait.ge [sflag:s2], $0x7D0  }
0x6f: {  	p1 =	sne.s32 s28, s12;
	s30 =	stileid.u32;
	[sflag:s2] =	ssyncset.done $0x0  }
0x70: {  	s31 =	sshrl.u32 s7, $0x3;
	s0 =	sshll.u32 s30, $0x6;
	[sflag:s2] =	ssyncadd.s32 $0xFFFFF830  }
.Ltmp1:
0x71: {  	s0 =	sor.u32 $0x1C03, s0;
	[bflag:$0x0] =	sbarrier.arrive $0xFFFF;
	(pc) =	sbr.rel @p1 .LBB2_1-.Ltmp1, $4  }
0x72: {  	[hbm:s11], [sflag:s0] =	dma.local [spmem:s31], $0x4F0  }
0x73: {  	_ =	swait.ge [sflag:s17], $0x4F0  }
0x74: {  	[sflag:s17] =	ssyncset.done $0x0  }
0x75: {  	[sflag:s17] =	ssyncadd.s32 $0xFFFFFB10  }
0x76: {  	_ =	sfence.sel $0x180000  }
0x77: {  	[bflag:$0x0] =	sbarrier.arrive $0xFFFF  }
0x78: {  	_ =	strace $0x90000050  }
0x79: {  	s0 =	stileid.u32;
	[bflag:$0x2] =	sbarrier.arrive $0xFFFF  }
0x7a: {  	p0 =	sne.s32 s0, $0x0;
	s0 =	rddreg [dreg:$0x3]  }
0x7b: {  	s0 =	sadd.s32 @!p0 $0x100000, s0  }
0x7c: {  	[sflag:s0] =	ssyncadd.tile.s32 @!p0 $0x1;
	_ =	shalt  }
.Lfunc_end2:
_tile_overlayer_lowered:
.L_overlay_start_2:
0x7d: {  	(tag) =	ssettag $0x2  }
0x7e: {  	s0 =	rddreg [dreg:$0x0];
	s2 =	stileid.u32  }
0x7f: {  	s1 =	rddreg [dreg:$0x1];
	p0 =	sne.s32 s2, $0x0  }
0x80: {  	s3 =	rddreg [dreg:$0x2];
	[bflag:$0x3] =	sbarrier.arrive $0xFFFF;
	s2 =	simm.s32 @!p0 $0x1C03  }
0x81: {  	[timem:s3], [sflag:s2] =	dma.local @!p0 [hbm:s0], s1  }
0x82: {  	s0 =	simm.s32 @!p0 $0x3  }
0x83: {  	_ =	swait.ge @!p0 [sflag:s0], s1  }
0x84: {  	s1 =	ssub.s32 @!p0 $0x0, s1;
	[sflag:s0] =	ssyncset.done @!p0 $0x0  }
0x85: {  	[sflag:s0] =	ssyncadd.s32 @!p0 s1  }
0x86: {  	[bflag:$0x3] =	sbarrier.arrive $0xFFFF  }
0x87: {  	_ =	shalt  }

</sc_bundles>
